<compile_context>
chip_gen: v7x
topology: tpu7x:2x2x1
jax: 0.10.2.dev20260603
libtpu: 0.0.44.dev20260713+nightly
codegen_flags: <defaults>
</compile_context>

<pallas_src>
import functools

import jax
import jax.numpy as jnp
from jax import lax
from jax.experimental import pallas as pl
from jax.experimental.pallas import tpu as pltpu
from jax.experimental.pallas import tpu_sc as plsc

N = 10000
F_IN = 128
H = 16
C = 40
E = 320000

NC = 2
NS = 16
LANES = 16
NW = NC * NS

BLK = 128
CH = 2048
NCHUNK = -(-E // (NW * CH))
NCH0 = 9
NCH1 = 2 * NCHUNK - NCH0
E_PAD = NW * NCHUNK * CH
NPAD = 10240
RPT = NPAD // NS


def _sc_mesh():
    return plsc.VectorSubcoreMesh(
        core_axis_name="c", subcore_axis_name="s",
        num_cores=NC, num_subcores=NS)


def _make_agg(with_deg):
    out_type = [jax.ShapeDtypeStruct((NC, N, H), jnp.float32)]
    scratch = [
        pltpu.VMEM((NCH0, CH), jnp.int32),
        pltpu.VMEM((NCH0, CH), jnp.int32),
        pltpu.VMEM((CH, H), jnp.float32),
        pltpu.VMEM((CH, H), jnp.float32),
        pltpu.VMEM((BLK, H), jnp.float32),
        pltpu.VMEM_SHARED((NPAD, H), jnp.float32),
        pltpu.SemaphoreType.DMA,
        pltpu.SemaphoreType.DMA,
    ]
    if with_deg:
        out_type.append(jax.ShapeDtypeStruct((NC, NPAD), jnp.float32))
        scratch += [
            pltpu.VMEM((CH,), jnp.float32),
            pltpu.VMEM((RPT,), jnp.float32),
            pltpu.VMEM_SHARED((NPAD,), jnp.float32),
        ]

    def body(table, srcb, dstb, *rest):
        if with_deg:
            (out_acc, out_deg, srcv, dstv, rows0, rows1, zrow, acc_sh,
             semg, sems, ones, zdeg, deg_sh) = rest
        else:
            (out_acc, srcv, dstv, rows0, rows1, zrow, acc_sh,
             semg, sems) = rest
        rows = (rows0, rows1)
        cid = lax.axis_index("c")
        sid = lax.axis_index("s")
        wid = cid * NS + sid
        zero16 = jnp.zeros((LANES,), jnp.float32)

        def zrow_body(i, carry):
            zrow[i, :] = zero16
            return carry
        lax.fori_loop(0, BLK, zrow_body, 0)

        row0 = pl.multiple_of(sid * RPT, RPT)
        for z in range(RPT // BLK):
            pltpu.sync_copy(zrow, acc_sh.at[pl.ds(row0 + z * BLK, BLK)])

        if with_deg:
            def zdeg_body(i, carry):
                zdeg[pl.ds(i * LANES, LANES)] = zero16
                return carry
            lax.fori_loop(0, RPT // LANES, zdeg_body, 0)

            one16 = jnp.ones((LANES,), jnp.float32)

            def ones_body(i, carry):
                ones[pl.ds(i * LANES, LANES)] = one16
                return carry
            lax.fori_loop(0, CH // LANES, ones_body, 0)
            pltpu.sync_copy(zdeg, deg_sh.at[pl.ds(row0, RPT)])

        def fire_g(c):
            return [pltpu.async_copy(table.at[srcv.at[c]], rows[c % 2],
                                     semg)]

        def fire_s(c):
            descs = [pltpu.async_copy(rows[c % 2], acc_sh.at[dstv.at[c]],
                                      sems, add=True)]
            if with_deg:
                descs.append(pltpu.async_copy(ones, deg_sh.at[dstv.at[c]],
                                              sems, add=True))
            return descs

        def run_pipeline(nchunk, ch0):
            pltpu.sync_copy(srcb.at[pl.ds(ch0, nchunk)],
                            srcv.at[pl.ds(0, nchunk)])
            pltpu.sync_copy(dstb.at[pl.ds(ch0, nchunk)],
                            dstv.at[pl.ds(0, nchunk)])
            gd = {0: fire_g(0)}
            sd = {}
            for c in range(nchunk):
                for d in gd.pop(c):
                    d.wait()
                if c >= 1:
                    for d in sd.pop(c - 1):
                        d.wait()
                if c + 1 < nchunk:
                    gd[c + 1] = fire_g(c + 1)
                sd[c] = fire_s(c)
            for d in sd.pop(nchunk - 1):
                d.wait()

        plsc.subcore_barrier()

        @pl.when(cid == 0)
        def _():
            run_pipeline(NCH0, pl.multiple_of(sid * NCH0, 1))

        @pl.when(cid != 0)
        def _():
            run_pipeline(NCH1, pl.multiple_of(NS * NCH0 + sid * NCH1, 1))

        plsc.subcore_barrier()

        rout = pl.multiple_of(sid * (N // NS), 1)
        pltpu.sync_copy(acc_sh.at[pl.ds(rout, N // NS)],
                        out_acc.at[cid, pl.ds(rout, N // NS)])
        if with_deg:
            pltpu.sync_copy(deg_sh.at[pl.ds(row0, RPT)],
                            out_deg.at[cid, pl.ds(row0, RPT)])

    return pl.kernel(body, out_type=out_type, mesh=_sc_mesh(),
                     scratch_types=scratch,
                     compiler_params=pltpu.CompilerParams(
                         use_tc_tiling_on_sc=False))


_G = 5
_BM = N // _G


def _mm1(x, W1l, W1r, b1):
    def body(x_ref, wl_ref, wr_ref, b_ref, xl_ref, xr_ref):
        xv = x_ref[...]
        xl_ref[...] = jnp.dot(xv, wl_ref[...],
                              preferred_element_type=jnp.float32)
        xr_ref[...] = jnp.dot(xv, wr_ref[...],
                              preferred_element_type=jnp.float32) + b_ref[...]

    return pl.pallas_call(
        body,
        grid=(_G,),
        in_specs=[
            pl.BlockSpec((_BM, F_IN), lambda i: (i, 0)),
            pl.BlockSpec((F_IN, H), lambda i: (0, 0)),
            pl.BlockSpec((F_IN, H), lambda i: (0, 0)),
            pl.BlockSpec((1, H), lambda i: (0, 0)),
        ],
        out_specs=[
            pl.BlockSpec((_BM, H), lambda i: (i, 0)),
            pl.BlockSpec((_BM, H), lambda i: (i, 0)),
        ],
        out_shape=[
            jax.ShapeDtypeStruct((N, H), jnp.float32),
            jax.ShapeDtypeStruct((N, H), jnp.float32),
        ],
    )(x, W1l, W1r, b1)


def _mean_relu(p, deg2, xr):
    def body(p_ref, d_ref, xr_ref, h_ref):
        s = p_ref[0] + p_ref[1]
        r = 1.0 / jnp.maximum(d_ref[0] + d_ref[1], 1.0)
        h_ref[...] = jnp.maximum(s * r + xr_ref[...], 0.0)

    return pl.pallas_call(
        body,
        grid=(_G,),
        in_specs=[
            pl.BlockSpec((NC, _BM, H), lambda i: (0, i, 0)),
            pl.BlockSpec((NC, _BM, 1), lambda i: (0, i, 0)),
            pl.BlockSpec((_BM, H), lambda i: (i, 0)),
        ],
        out_specs=pl.BlockSpec((_BM, H), lambda i: (i, 0)),
        out_shape=jax.ShapeDtypeStruct((N, H), jnp.float32),
    )(p, deg2, xr)


def _final(q, deg2, h, W2l, W2r, b2):
    def body(q_ref, d_ref, h_ref, wl_ref, wr_ref, b_ref, o_ref):
        m = (q_ref[0] + q_ref[1]) * (
            1.0 / jnp.maximum(d_ref[0] + d_ref[1], 1.0))
        z = (jnp.dot(m, wl_ref[...], preferred_element_type=jnp.float32)
             + jnp.dot(h_ref[...], wr_ref[...],
                       preferred_element_type=jnp.float32)
             + b_ref[...])
        z = z - jnp.max(z, axis=1, keepdims=True)
        o_ref[...] = z - jnp.log(jnp.sum(jnp.exp(z), axis=1, keepdims=True))

    return pl.pallas_call(
        body,
        grid=(_G,),
        in_specs=[
            pl.BlockSpec((NC, _BM, H), lambda i: (0, i, 0)),
            pl.BlockSpec((NC, _BM, 1), lambda i: (0, i, 0)),
            pl.BlockSpec((_BM, H), lambda i: (i, 0)),
            pl.BlockSpec((H, C), lambda i: (0, 0)),
            pl.BlockSpec((H, C), lambda i: (0, 0)),
            pl.BlockSpec((1, C), lambda i: (0, 0)),
        ],
        out_specs=pl.BlockSpec((_BM, C), lambda i: (i, 0)),
        out_shape=jax.ShapeDtypeStruct((N, C), jnp.float32),
    )(q, deg2, h, W2l, W2r, b2)


def kernel(x, edge_index, W1l, W1r, b1, W2l, W2r, b2):
    src = edge_index[0]
    dst = edge_index[1]
    pad_e = E_PAD - E
    pad_src = jnp.zeros((pad_e,), jnp.int32)
    pad_dst = N + (jnp.arange(pad_e, dtype=jnp.int32) % (NPAD - N))
    srcb = jnp.concatenate([src, pad_src]).reshape(NW * NCHUNK, CH)
    dstb = jnp.concatenate([dst, pad_dst]).reshape(NW * NCHUNK, CH)

    xl, xr = _mm1(x, W1l, W1r, b1.reshape(1, H))
    acc1, deg = _make_agg(True)(xl, srcb, dstb)
    deg2 = deg[:, :N, None]
    h = _mean_relu(acc1, deg2, xr)
    (acc2,) = _make_agg(False)(h, srcb, dstb)
    return _final(acc2, deg2, h, W2l, W2r, b2.reshape(1, C))

# --- scband reference (transcript-rebuilt; emitter-appended) ---
"""Pipeline reference for scband-sagenet-44495861186825 (READ-ONLY COPY).

The authoritative reference and input builder live on the scoring server;
editing this copy changes nothing except your own understanding.
"""

import jax, jax.numpy as jnp
import numpy as np

N = 10000
E = 320000
F_IN = 128
H = 16
C = 40


def _glorot_linear(key, fan_in, fan_out):
    s = 1.0 / np.sqrt(fan_in)
    kw, kb = jax.random.split(key)
    W = jax.random.uniform(kw, (fan_in, fan_out), minval=-s, maxval=s, dtype=jnp.float32)
    b = jax.random.uniform(kb, (fan_out,), minval=-s, maxval=s, dtype=jnp.float32)
    return W, b


def setup_inputs(seed: int = 0) -> dict:
    key = jax.random.key(seed)
    ks = jax.random.split(key, 6)
    x = jax.random.normal(ks[0], (N, F_IN), dtype=jnp.float32)
    edge_index = jax.random.randint(ks[1], (2, E), 0, N, dtype=jnp.int32)
    # conv1: SAGEConv(F_IN -> H) with separate neighbor/self weights
    W1l, b1 = _glorot_linear(ks[2], F_IN, H)
    W1r, _ = _glorot_linear(ks[3], F_IN, H)
    # conv2: SAGEConv(H -> C)
    W2l, b2 = _glorot_linear(ks[4], H, C)
    W2r, _ = _glorot_linear(ks[5], H, C)
    return {"x": x, "edge_index": edge_index, "W1l": W1l, "W1r": W1r, "b1": b1,
            "W2l": W2l, "W2r": W2r, "b2": b2}


def _sage_conv(x, edge_index, Wl, Wr, b):
    # GraphSAGE with mean aggregation:
    # out_i = Wl^T * mean_{j in N(i)} x_j + Wr^T * x_i + b
    src = edge_index[0]
    dst = edge_index[1]
    msgs = jnp.take(x, src, axis=0)                      # gather  [E, d]
    agg = jax.ops.segment_sum(msgs, dst, num_segments=N)  # scatter-add [N, d]
    deg = jax.ops.segment_sum(jnp.ones((msgs.shape[0],), dtype=x.dtype), dst, num_segments=N)
    mean = agg / jnp.clip(deg, 1.0, None)[:, None]
    return mean @ Wl + x @ Wr + b


def reference(x, edge_index, W1l, W1r, b1, W2l, W2r, b2):
    h = jax.nn.relu(_sage_conv(x, edge_index, W1l, W1r, b1))
    # F.dropout with training=False is identity (module run in eval mode)
    out = _sage_conv(h, edge_index, W2l, W2r, b2)
    return jax.nn.log_softmax(out, axis=1)

if __name__ == "__main__":
    import jax
    _d = setup_inputs()
    print(jax.jit(kernel)(*tuple(_d.values())))

</pallas_src>

<mosaic_0001>
#map = affine_map<(d0, d1) -> (0, 0)>
#map1 = affine_map<(d0, d1) -> (0, 0, 0)>
module attributes {stable_mosaic.version = 14 : i64} {
  func.func @body(%arg0: i32, %arg1: i32, %arg2: memref<10000x16xf32, #tpu.memory_space<hbm>>, %arg3: memref<160x2048xi32, #tpu.memory_space<hbm>>, %arg4: memref<160x2048xi32, #tpu.memory_space<hbm>>, %arg5: memref<2x10000x16xf32, #tpu.memory_space<hbm>>, %arg6: memref<9x2048xi32, #tpu.memory_space<vmem>>, %arg7: memref<9x2048xi32, #tpu.memory_space<vmem>>, %arg8: memref<2048x16xf32, #tpu.memory_space<vmem>>, %arg9: memref<2048x16xf32, #tpu.memory_space<vmem>>, %arg10: memref<128x16xf32, #tpu.memory_space<vmem>>, %arg11: memref<10240x16xf32, #tpu.memory_space<vmem_shared>>, %arg12: memref<!tpu.dma_semaphore, #tpu.memory_space<semaphore_mem>>, %arg13: memref<!tpu.dma_semaphore, #tpu.memory_space<semaphore_mem>>) attributes {dimension_semantics = [#tpu.dimension_semantics<core_parallel>, #tpu.dimension_semantics<subcore_parallel>], iteration_bounds = array<i64: 2, 16>, scalar_prefetch = 0 : i64, scratch_operands = 8 : i64, tpu.core_type = #tpu.core_type<sc_vector_subcore>, window_params = [{transform_indices = #map}, {transform_indices = #map}, {transform_indices = #map}, {transform_indices = #map1}]} {
    %mul3A = arith.constant 16 : i32
    %mul3A_0 = arith.muli %arg0, %mul3A : i32
    %add3A = arith.addi %mul3A_0, %arg1 : i32
    %broadcast_in_dim3A = arith.constant 0.000000e+00 : f32
    %broadcast_in_dim3A_1 = vector.broadcast %broadcast_in_dim3A : f32 to vector<16xf32>
    %scan3A = arith.constant 0 : i32
    %scan3A_2 = arith.constant 0 : i32
    %scan3A_3 = arith.constant 128 : i32
    %scan3A_4 = arith.addi %scan3A_2, %scan3A_3 : i32
    %scan3A_5 = arith.constant 1 : i32
    scf.for %scan3A_29 = %scan3A_2 to %scan3A_4 step %scan3A_5  : i32 {
      %swap3A = arith.index_cast %scan3A_29 : i32 to index
      %swap3A_30 = arith.constant 0 : index
      %swap3A_31 = tpu.vector_load %arg10[%swap3A, %swap3A_30] {strides = array<i32>} : memref<128x16xf32, #tpu.memory_space<vmem>>, vector<1x16xf32>,
      %swap3A_32 = vector.shape_cast %swap3A_31 : vector<1x16xf32> to vector<16xf32>
      %swap3A_33 = vector.shape_cast %broadcast_in_dim3A_1 : vector<16xf32> to vector<1x16xf32>
      tpu.vector_store %arg10[%swap3A, %swap3A_30], %swap3A_33 {strides = array<i32>} : memref<128x16xf32, #tpu.memory_space<vmem>>, vector<1x16xf32>,
    }
    %scan3A_6 = arith.constant 128 : i32
    %mul3A_7 = arith.constant 640 : i32
    %mul3A_8 = arith.muli %arg1, %mul3A_7 : i32
    %multiple_of3A = tpu.assume_multiple %mul3A_8, 640 : i32
    %add3A_9 = arith.constant 0 : i32
    %add3A_10 = arith.addi %multiple_of3A, %add3A_9 : i32
    "tpu.region"() ({
      %run_scoped3A = tpu.sem_alloc : memref<!tpu.dma_semaphore, #tpu.memory_space<semaphore_mem>>
      %dma_start3A = arith.constant 0 : i32
      %dma_start3A_29 = tpu.memref_slice %arg11[%add3A_10, %dma_start3A] : memref<10240x16xf32, #tpu.memory_space<vmem_shared>> -> memref<128x16xf32, #tpu.memory_space<vmem_shared>>
      %dma_start3A_30 = arith.constant 0 : i32
      %dma_start3A_31 = tpu.memref_slice %arg11[%add3A_10, %dma_start3A_30] : memref<10240x16xf32, #tpu.memory_space<vmem_shared>> -> memref<128x16xf32, #tpu.memory_space<vmem_shared>>
      tpu.enqueue_dma source(%arg10 : memref<128x16xf32, #tpu.memory_space<vmem>>) target(%dma_start3A_31 : memref<128x16xf32, #tpu.memory_space<vmem_shared>>) target_semaphore(%run_scoped3A : memref<!tpu.dma_semaphore, #tpu.memory_space<semaphore_mem>>)
      %dma_wait3A = arith.constant 0 : i32
      %dma_wait3A_32 = tpu.memref_slice %arg11[%add3A_10, %dma_wait3A] : memref<10240x16xf32, #tpu.memory_space<vmem_shared>> -> memref<128x16xf32, #tpu.memory_space<vmem_shared>>
      %dma_wait3A_33 = arith.constant 0 : i32
      %dma_wait3A_34 = tpu.memref_slice %arg11[%add3A_10, %dma_wait3A_33] : memref<10240x16xf32, #tpu.memory_space<vmem_shared>> -> memref<128x16xf32, #tpu.memory_space<vmem_shared>>
      tpu.wait_dma2 semaphore(%run_scoped3A : memref<!tpu.dma_semaphore, #tpu.memory_space<semaphore_mem>>) src(%arg10 : memref<128x16xf32, #tpu.memory_space<vmem>>) dst(%dma_wait3A_34 : memref<128x16xf32, #tpu.memory_space<vmem_shared>>)
      tpu.yield
    }) : () -> ()
    %add3A_11 = arith.constant 128 : i32
    %add3A_12 = arith.addi %multiple_of3A, %add3A_11 : i32
    "tpu.region"() ({
      %run_scoped3A = tpu.sem_alloc : memref<!tpu.dma_semaphore, #tpu.memory_space<semaphore_mem>>
      %dma_start3A = arith.constant 0 : i32
      %dma_start3A_29 = tpu.memref_slice %arg11[%add3A_12, %dma_start3A] : memref<10240x16xf32, #tpu.memory_space<vmem_shared>> -> memref<128x16xf32, #tpu.memory_space<vmem_shared>>
      %dma_start3A_30 = arith.constant 0 : i32
      %dma_start3A_31 = tpu.memref_slice %arg11[%add3A_12, %dma_start3A_30] : memref<10240x16xf32, #tpu.memory_space<vmem_shared>> -> memref<128x16xf32, #tpu.memory_space<vmem_shared>>
      tpu.enqueue_dma source(%arg10 : memref<128x16xf32, #tpu.memory_space<vmem>>) target(%dma_start3A_31 : memref<128x16xf32, #tpu.memory_space<vmem_shared>>) target_semaphore(%run_scoped3A : memref<!tpu.dma_semaphore, #tpu.memory_space<semaphore_mem>>)
      %dma_wait3A = arith.constant 0 : i32
      %dma_wait3A_32 = tpu.memref_slice %arg11[%add3A_12, %dma_wait3A] : memref<10240x16xf32, #tpu.memory_space<vmem_shared>> -> memref<128x16xf32, #tpu.memory_space<vmem_shared>>
      %dma_wait3A_33 = arith.constant 0 : i32
      %dma_wait3A_34 = tpu.memref_slice %arg11[%add3A_12, %dma_wait3A_33] : memref<10240x16xf32, #tpu.memory_space<vmem_shared>> -> memref<128x16xf32, #tpu.memory_space<vmem_shared>>
      tpu.wait_dma2 semaphore(%run_scoped3A : memref<!tpu.dma_semaphore, #tpu.memory_space<semaphore_mem>>) src(%arg10 : memref<128x16xf32, #tpu.memory_space<vmem>>) dst(%dma_wait3A_34 : memref<128x16xf32, #tpu.memory_space<vmem_shared>>)
      tpu.yield
    }) : () -> ()
    %add3A_13 = arith.constant 256 : i32
    %add3A_14 = arith.addi %multiple_of3A, %add3A_13 : i32
    "tpu.region"() ({
      %run_scoped3A = tpu.sem_alloc : memref<!tpu.dma_semaphore, #tpu.memory_space<semaphore_mem>>
      %dma_start3A = arith.constant 0 : i32
      %dma_start3A_29 = tpu.memref_slice %arg11[%add3A_14, %dma_start3A] : memref<10240x16xf32, #tpu.memory_space<vmem_shared>> -> memref<128x16xf32, #tpu.memory_space<vmem_shared>>
      %dma_start3A_30 = arith.constant 0 : i32
      %dma_start3A_31 = tpu.memref_slice %arg11[%add3A_14, %dma_start3A_30] : memref<10240x16xf32, #tpu.memory_space<vmem_shared>> -> memref<128x16xf32, #tpu.memory_space<vmem_shared>>
      tpu.enqueue_dma source(%arg10 : memref<128x16xf32, #tpu.memory_space<vmem>>) target(%dma_start3A_31 : memref<128x16xf32, #tpu.memory_space<vmem_shared>>) target_semaphore(%run_scoped3A : memref<!tpu.dma_semaphore, #tpu.memory_space<semaphore_mem>>)
      %dma_wait3A = arith.constant 0 : i32
      %dma_wait3A_32 = tpu.memref_slice %arg11[%add3A_14, %dma_wait3A] : memref<10240x16xf32, #tpu.memory_space<vmem_shared>> -> memref<128x16xf32, #tpu.memory_space<vmem_shared>>
      %dma_wait3A_33 = arith.constant 0 : i32
      %dma_wait3A_34 = tpu.memref_slice %arg11[%add3A_14, %dma_wait3A_33] : memref<10240x16xf32, #tpu.memory_space<vmem_shared>> -> memref<128x16xf32, #tpu.memory_space<vmem_shared>>
      tpu.wait_dma2 semaphore(%run_scoped3A : memref<!tpu.dma_semaphore, #tpu.memory_space<semaphore_mem>>) src(%arg10 : memref<128x16xf32, #tpu.memory_space<vmem>>) dst(%dma_wait3A_34 : memref<128x16xf32, #tpu.memory_space<vmem_shared>>)
      tpu.yield
    }) : () -> ()
    %add3A_15 = arith.constant 384 : i32
    %add3A_16 = arith.addi %multiple_of3A, %add3A_15 : i32
    "tpu.region"() ({
      %run_scoped3A = tpu.sem_alloc : memref<!tpu.dma_semaphore, #tpu.memory_space<semaphore_mem>>
      %dma_start3A = arith.constant 0 : i32
      %dma_start3A_29 = tpu.memref_slice %arg11[%add3A_16, %dma_start3A] : memref<10240x16xf32, #tpu.memory_space<vmem_shared>> -> memref<128x16xf32, #tpu.memory_space<vmem_shared>>
      %dma_start3A_30 = arith.constant 0 : i32
      %dma_start3A_31 = tpu.memref_slice %arg11[%add3A_16, %dma_start3A_30] : memref<10240x16xf32, #tpu.memory_space<vmem_shared>> -> memref<128x16xf32, #tpu.memory_space<vmem_shared>>
      tpu.enqueue_dma source(%arg10 : memref<128x16xf32, #tpu.memory_space<vmem>>) target(%dma_start3A_31 : memref<128x16xf32, #tpu.memory_space<vmem_shared>>) target_semaphore(%run_scoped3A : memref<!tpu.dma_semaphore, #tpu.memory_space<semaphore_mem>>)
      %dma_wait3A = arith.constant 0 : i32
      %dma_wait3A_32 = tpu.memref_slice %arg11[%add3A_16, %dma_wait3A] : memref<10240x16xf32, #tpu.memory_space<vmem_shared>> -> memref<128x16xf32, #tpu.memory_space<vmem_shared>>
      %dma_wait3A_33 = arith.constant 0 : i32
      %dma_wait3A_34 = tpu.memref_slice %arg11[%add3A_16, %dma_wait3A_33] : memref<10240x16xf32, #tpu.memory_space<vmem_shared>> -> memref<128x16xf32, #tpu.memory_space<vmem_shared>>
      tpu.wait_dma2 semaphore(%run_scoped3A : memref<!tpu.dma_semaphore, #tpu.memory_space<semaphore_mem>>) src(%arg10 : memref<128x16xf32, #tpu.memory_space<vmem>>) dst(%dma_wait3A_34 : memref<128x16xf32, #tpu.memory_space<vmem_shared>>)
      tpu.yield
    }) : () -> ()
    %add3A_17 = arith.constant 512 : i32
    %add3A_18 = arith.addi %multiple_of3A, %add3A_17 : i32
    "tpu.region"() ({
      %run_scoped3A = tpu.sem_alloc : memref<!tpu.dma_semaphore, #tpu.memory_space<semaphore_mem>>
      %dma_start3A = arith.constant 0 : i32
      %dma_start3A_29 = tpu.memref_slice %arg11[%add3A_18, %dma_start3A] : memref<10240x16xf32, #tpu.memory_space<vmem_shared>> -> memref<128x16xf32, #tpu.memory_space<vmem_shared>>
      %dma_start3A_30 = arith.constant 0 : i32
      %dma_start3A_31 = tpu.memref_slice %arg11[%add3A_18, %dma_start3A_30] : memref<10240x16xf32, #tpu.memory_space<vmem_shared>> -> memref<128x16xf32, #tpu.memory_space<vmem_shared>>
      tpu.enqueue_dma source(%arg10 : memref<128x16xf32, #tpu.memory_space<vmem>>) target(%dma_start3A_31 : memref<128x16xf32, #tpu.memory_space<vmem_shared>>) target_semaphore(%run_scoped3A : memref<!tpu.dma_semaphore, #tpu.memory_space<semaphore_mem>>)
      %dma_wait3A = arith.constant 0 : i32
      %dma_wait3A_32 = tpu.memref_slice %arg11[%add3A_18, %dma_wait3A] : memref<10240x16xf32, #tpu.memory_space<vmem_shared>> -> memref<128x16xf32, #tpu.memory_space<vmem_shared>>
      %dma_wait3A_33 = arith.constant 0 : i32
      %dma_wait3A_34 = tpu.memref_slice %arg11[%add3A_18, %dma_wait3A_33] : memref<10240x16xf32, #tpu.memory_space<vmem_shared>> -> memref<128x16xf32, #tpu.memory_space<vmem_shared>>
      tpu.wait_dma2 semaphore(%run_scoped3A : memref<!tpu.dma_semaphore, #tpu.memory_space<semaphore_mem>>) src(%arg10 : memref<128x16xf32, #tpu.memory_space<vmem>>) dst(%dma_wait3A_34 : memref<128x16xf32, #tpu.memory_space<vmem_shared>>)
      tpu.yield
    }) : () -> ()
    %barrier3A = arith.constant 0 : index
    tpu.barrier barrier_id(%barrier3A)
    %eq3A = arith.constant 0 : i32
    %eq3A_19 = arith.cmpi eq, %arg0, %eq3A : i32
    %convert_element_type3A = arith.extui %eq3A_19 : i1 to i32
    %cond3A = arith.constant 0 : i32
    %cond3A_20 = arith.cmpi ne, %convert_element_type3A, %cond3A : i32
    scf.if %cond3A_20 {
      %mul3A_29 = arith.constant 9 : i32
      %mul3A_30 = arith.muli %arg1, %mul3A_29 : i32
      %multiple_of3A_31 = tpu.assume_multiple %mul3A_30, 1 : i32
      "tpu.region"() ({
        %run_scoped3A = tpu.sem_alloc : memref<!tpu.dma_semaphore, #tpu.memory_space<semaphore_mem>>
        %dma_start3A_282 = arith.constant 0 : i32
        %dma_start3A_283 = arith.constant 0 : i32
        %dma_start3A_284 = tpu.memref_slice %arg6[%dma_start3A_282, %dma_start3A_283] : memref<9x2048xi32, #tpu.memory_space<vmem>> -> memref<9x2048xi32, #tpu.memory_space<vmem>>
        %dma_start3A_285 = arith.constant 0 : i32
        %dma_start3A_286 = tpu.memref_slice %arg3[%multiple_of3A_31, %dma_start3A_285] : memref<160x2048xi32, #tpu.memory_space<hbm>> -> memref<9x2048xi32, #tpu.memory_space<hbm>>
        %dma_start3A_287 = arith.constant 0 : i32
        %dma_start3A_288 = arith.constant 0 : i32
        %dma_start3A_289 = tpu.memref_slice %arg6[%dma_start3A_287, %dma_start3A_288] : memref<9x2048xi32, #tpu.memory_space<vmem>> -> memref<9x2048xi32, #tpu.memory_space<vmem>>
        %dma_start3A_290 = arith.constant 0 : i32
        %dma_start3A_291 = tpu.memref_slice %arg3[%multiple_of3A_31, %dma_start3A_290] : memref<160x2048xi32, #tpu.memory_space<hbm>> -> memref<9x2048xi32, #tpu.memory_space<hbm>>
        tpu.enqueue_dma source(%dma_start3A_291 : memref<9x2048xi32, #tpu.memory_space<hbm>>) target(%dma_start3A_289 : memref<9x2048xi32, #tpu.memory_space<vmem>>) target_semaphore(%run_scoped3A : memref<!tpu.dma_semaphore, #tpu.memory_space<semaphore_mem>>)
        %dma_wait3A_292 = arith.constant 0 : i32
        %dma_wait3A_293 = arith.constant 0 : i32
        %dma_wait3A_294 = tpu.memref_slice %arg6[%dma_wait3A_292, %dma_wait3A_293] : memref<9x2048xi32, #tpu.memory_space<vmem>> -> memref<9x2048xi32, #tpu.memory_space<vmem>>
        %dma_wait3A_295 = arith.constant 0 : i32
        %dma_wait3A_296 = tpu.memref_slice %arg3[%multiple_of3A_31, %dma_wait3A_295] : memref<160x2048xi32, #tpu.memory_space<hbm>> -> memref<9x2048xi32, #tpu.memory_space<hbm>>
        %dma_wait3A_297 = arith.constant 0 : i32
        %dma_wait3A_298 = arith.constant 0 : i32
        %dma_wait3A_299 = tpu.memref_slice %arg6[%dma_wait3A_297, %dma_wait3A_298] : memref<9x2048xi32, #tpu.memory_space<vmem>> -> memref<9x2048xi32, #tpu.memory_space<vmem>>
        %dma_wait3A_300 = arith.constant 0 : i32
        %dma_wait3A_301 = tpu.memref_slice %arg3[%multiple_of3A_31, %dma_wait3A_300] : memref<160x2048xi32, #tpu.memory_space<hbm>> -> memref<9x2048xi32, #tpu.memory_space<hbm>>
        tpu.wait_dma2 semaphore(%run_scoped3A : memref<!tpu.dma_semaphore, #tpu.memory_space<semaphore_mem>>) src(%dma_wait3A_301 : memref<9x2048xi32, #tpu.memory_space<hbm>>) dst(%dma_wait3A_299 : memref<9x2048xi32, #tpu.memory_space<vmem>>)
        tpu.yield
      }) : () -> ()
      "tpu.region"() ({
        %run_scoped3A = tpu.sem_alloc : memref<!tpu.dma_semaphore, #tpu.memory_space<semaphore_mem>>
        %dma_start3A_282 = arith.constant 0 : i32
        %dma_start3A_283 = arith.constant 0 : i32
        %dma_start3A_284 = tpu.memref_slice %arg7[%dma_start3A_282, %dma_start3A_283] : memref<9x2048xi32, #tpu.memory_space<vmem>> -> memref<9x2048xi32, #tpu.memory_space<vmem>>
        %dma_start3A_285 = arith.constant 0 : i32
        %dma_start3A_286 = tpu.memref_slice %arg4[%multiple_of3A_31, %dma_start3A_285] : memref<160x2048xi32, #tpu.memory_space<hbm>> -> memref<9x2048xi32, #tpu.memory_space<hbm>>
        %dma_start3A_287 = arith.constant 0 : i32
        %dma_start3A_288 = arith.constant 0 : i32
        %dma_start3A_289 = tpu.memref_slice %arg7[%dma_start3A_287, %dma_start3A_288] : memref<9x2048xi32, #tpu.memory_space<vmem>> -> memref<9x2048xi32, #tpu.memory_space<vmem>>
        %dma_start3A_290 = arith.constant 0 : i32
        %dma_start3A_291 = tpu.memref_slice %arg4[%multiple_of3A_31, %dma_start3A_290] : memref<160x2048xi32, #tpu.memory_space<hbm>> -> memref<9x2048xi32, #tpu.memory_space<hbm>>
        tpu.enqueue_dma source(%dma_start3A_291 : memref<9x2048xi32, #tpu.memory_space<hbm>>) target(%dma_start3A_289 : memref<9x2048xi32, #tpu.memory_space<vmem>>) target_semaphore(%run_scoped3A : memref<!tpu.dma_semaphore, #tpu.memory_space<semaphore_mem>>)
        %dma_wait3A_292 = arith.constant 0 : i32
        %dma_wait3A_293 = arith.constant 0 : i32
        %dma_wait3A_294 = tpu.memref_slice %arg7[%dma_wait3A_292, %dma_wait3A_293] : memref<9x2048xi32, #tpu.memory_space<vmem>> -> memref<9x2048xi32, #tpu.memory_space<vmem>>
        %dma_wait3A_295 = arith.constant 0 : i32
        %dma_wait3A_296 = tpu.memref_slice %arg4[%multiple_of3A_31, %dma_wait3A_295] : memref<160x2048xi32, #tpu.memory_space<hbm>> -> memref<9x2048xi32, #tpu.memory_space<hbm>>
        %dma_wait3A_297 = arith.constant 0 : i32
        %dma_wait3A_298 = arith.constant 0 : i32
        %dma_wait3A_299 = tpu.memref_slice %arg7[%dma_wait3A_297, %dma_wait3A_298] : memref<9x2048xi32, #tpu.memory_space<vmem>> -> memref<9x2048xi32, #tpu.memory_space<vmem>>
        %dma_wait3A_300 = arith.constant 0 : i32
        %dma_wait3A_301 = tpu.memref_slice %arg4[%multiple_of3A_31, %dma_wait3A_300] : memref<160x2048xi32, #tpu.memory_space<hbm>> -> memref<9x2048xi32, #tpu.memory_space<hbm>>
        tpu.wait_dma2 semaphore(%run_scoped3A : memref<!tpu.dma_semaphore, #tpu.memory_space<semaphore_mem>>) src(%dma_wait3A_301 : memref<9x2048xi32, #tpu.memory_space<hbm>>) dst(%dma_wait3A_299 : memref<9x2048xi32, #tpu.memory_space<vmem>>)
        tpu.yield
      }) : () -> ()
      %dma_start3A = arith.constant 0 : i32
      %dma_start3A_32 = arith.constant 0 : i32
      %dma_start3A_33 = tpu.memref_slice %arg6[%dma_start3A, %dma_start3A_32] : memref<9x2048xi32, #tpu.memory_space<vmem>> -> memref<1x2048xi32, #tpu.memory_space<vmem>>
      %dma_start3A_34 = tpu.memref_squeeze %dma_start3A_33 : memref<1x2048xi32, #tpu.memory_space<vmem>> -> memref<2048xi32, #tpu.memory_space<vmem>>
      %dma_start3A_35 = arith.constant 0 : i32
      %dma_start3A_36 = arith.constant 0 : i32
      %dma_start3A_37 = tpu.memref_slice %arg2[%dma_start3A_35, %dma_start3A_36] : memref<10000x16xf32, #tpu.memory_space<hbm>> -> memref<10000x16xf32, #tpu.memory_space<hbm>>
      tpu.enqueue_indirect_dma source(%dma_start3A_37 : memref<10000x16xf32, #tpu.memory_space<hbm>>) target(%arg8 : memref<2048x16xf32, #tpu.memory_space<vmem>>) offsets(%dma_start3A_34 : memref<2048xi32, #tpu.memory_space<vmem>>) semaphore(%arg12 : memref<!tpu.dma_semaphore, #tpu.memory_space<semaphore_mem>>)
      %dma_wait3A = arith.constant 0 : i32
      %dma_wait3A_38 = arith.constant 0 : i32
      %dma_wait3A_39 = tpu.memref_slice %arg6[%dma_wait3A, %dma_wait3A_38] : memref<9x2048xi32, #tpu.memory_space<vmem>> -> memref<1x2048xi32, #tpu.memory_space<vmem>>
      %dma_wait3A_40 = tpu.memref_squeeze %dma_wait3A_39 : memref<1x2048xi32, #tpu.memory_space<vmem>> -> memref<2048xi32, #tpu.memory_space<vmem>>
      %dma_wait3A_41 = arith.constant 0 : i32
      %dma_wait3A_42 = arith.constant 0 : i32
      %dma_wait3A_43 = tpu.memref_slice %arg2[%dma_wait3A_41, %dma_wait3A_42] : memref<10000x16xf32, #tpu.memory_space<hbm>> -> memref<10000x16xf32, #tpu.memory_space<hbm>>
      tpu.wait_indirect_dma semaphore(%arg12 : memref<!tpu.dma_semaphore, #tpu.memory_space<semaphore_mem>>) src(%dma_wait3A_43 : memref<10000x16xf32, #tpu.memory_space<hbm>>) dst(%arg8 : memref<2048x16xf32, #tpu.memory_space<vmem>>)
      %dma_start3A_44 = arith.constant 1 : i32
      %dma_start3A_45 = arith.constant 0 : i32
      %dma_start3A_46 = tpu.memref_slice %arg6[%dma_start3A_44, %dma_start3A_45] : memref<9x2048xi32, #tpu.memory_space<vmem>> -> memref<1x2048xi32, #tpu.memory_space<vmem>>
      %dma_start3A_47 = tpu.memref_squeeze %dma_start3A_46 : memref<1x2048xi32, #tpu.memory_space<vmem>> -> memref<2048xi32, #tpu.memory_space<vmem>>
      %dma_start3A_48 = arith.constant 0 : i32
      %dma_start3A_49 = arith.constant 0 : i32
      %dma_start3A_50 = tpu.memref_slice %arg2[%dma_start3A_48, %dma_start3A_49] : memref<10000x16xf32, #tpu.memory_space<hbm>> -> memref<10000x16xf32, #tpu.memory_space<hbm>>
      tpu.enqueue_indirect_dma source(%dma_start3A_50 : memref<10000x16xf32, #tpu.memory_space<hbm>>) target(%arg9 : memref<2048x16xf32, #tpu.memory_space<vmem>>) offsets(%dma_start3A_47 : memref<2048xi32, #tpu.memory_space<vmem>>) semaphore(%arg12 : memref<!tpu.dma_semaphore, #tpu.memory_space<semaphore_mem>>)
      %dma_start3A_51 = arith.constant 0 : i32
      %dma_start3A_52 = arith.constant 0 : i32
      %dma_start3A_53 = tpu.memref_slice %arg7[%dma_start3A_51, %dma_start3A_52] : memref<9x2048xi32, #tpu.memory_space<vmem>> -> memref<1x2048xi32, #tpu.memory_space<vmem>>
      %dma_start3A_54 = tpu.memref_squeeze %dma_start3A_53 : memref<1x2048xi32, #tpu.memory_space<vmem>> -> memref<2048xi32, #tpu.memory_space<vmem>>
      %dma_start3A_55 = arith.constant 0 : i32
      %dma_start3A_56 = arith.constant 0 : i32
      %dma_start3A_57 = tpu.memref_slice %arg11[%dma_start3A_55, %dma_start3A_56] : memref<10240x16xf32, #tpu.memory_space<vmem_shared>> -> memref<10240x16xf32, #tpu.memory_space<vmem_shared>>
      tpu.enqueue_indirect_dma source(%arg8 : memref<2048x16xf32, #tpu.memory_space<vmem>>) target(%dma_start3A_57 : memref<10240x16xf32, #tpu.memory_space<vmem_shared>>) offsets(%dma_start3A_54 : memref<2048xi32, #tpu.memory_space<vmem>>) semaphore(%arg13 : memref<!tpu.dma_semaphore, #tpu.memory_space<semaphore_mem>>) {add = true}
      %dma_wait3A_58 = arith.constant 1 : i32
      %dma_wait3A_59 = arith.constant 0 : i32
      %dma_wait3A_60 = tpu.memref_slice %arg6[%dma_wait3A_58, %dma_wait3A_59] : memref<9x2048xi32, #tpu.memory_space<vmem>> -> memref<1x2048xi32, #tpu.memory_space<vmem>>
      %dma_wait3A_61 = tpu.memref_squeeze %dma_wait3A_60 : memref<1x2048xi32, #tpu.memory_space<vmem>> -> memref<2048xi32, #tpu.memory_space<vmem>>
      %dma_wait3A_62 = arith.constant 0 : i32
      %dma_wait3A_63 = arith.constant 0 : i32
      %dma_wait3A_64 = tpu.memref_slice %arg2[%dma_wait3A_62, %dma_wait3A_63] : memref<10000x16xf32, #tpu.memory_space<hbm>> -> memref<10000x16xf32, #tpu.memory_space<hbm>>
      tpu.wait_indirect_dma semaphore(%arg12 : memref<!tpu.dma_semaphore, #tpu.memory_space<semaphore_mem>>) src(%dma_wait3A_64 : memref<10000x16xf32, #tpu.memory_space<hbm>>) dst(%arg9 : memref<2048x16xf32, #tpu.memory_space<vmem>>)
      %dma_wait3A_65 = arith.constant 0 : i32
      %dma_wait3A_66 = arith.constant 0 : i32
      %dma_wait3A_67 = tpu.memref_slice %arg7[%dma_wait3A_65, %dma_wait3A_66] : memref<9x2048xi32, #tpu.memory_space<vmem>> -> memref<1x2048xi32, #tpu.memory_space<vmem>>
      %dma_wait3A_68 = tpu.memref_squeeze %dma_wait3A_67 : memref<1x2048xi32, #tpu.memory_space<vmem>> -> memref<2048xi32, #tpu.memory_space<vmem>>
      %dma_wait3A_69 = arith.constant 0 : i32
      %dma_wait3A_70 = arith.constant 0 : i32
      %dma_wait3A_71 = tpu.memref_slice %arg11[%dma_wait3A_69, %dma_wait3A_70] : memref<10240x16xf32, #tpu.memory_space<vmem_shared>> -> memref<10240x16xf32, #tpu.memory_space<vmem_shared>>
      tpu.wait_indirect_dma semaphore(%arg13 : memref<!tpu.dma_semaphore, #tpu.memory_space<semaphore_mem>>) src(%arg8 : memref<2048x16xf32, #tpu.memory_space<vmem>>) dst(%dma_wait3A_71 : memref<10240x16xf32, #tpu.memory_space<vmem_shared>>)
      %dma_start3A_72 = arith.constant 2 : i32
      %dma_start3A_73 = arith.constant 0 : i32
      %dma_start3A_74 = tpu.memref_slice %arg6[%dma_start3A_72, %dma_start3A_73] : memref<9x2048xi32, #tpu.memory_space<vmem>> -> memref<1x2048xi32, #tpu.memory_space<vmem>>
      %dma_start3A_75 = tpu.memref_squeeze %dma_start3A_74 : memref<1x2048xi32, #tpu.memory_space<vmem>> -> memref<2048xi32, #tpu.memory_space<vmem>>
      %dma_start3A_76 = arith.constant 0 : i32
      %dma_start3A_77 = arith.constant 0 : i32
      %dma_start3A_78 = tpu.memref_slice %arg2[%dma_start3A_76, %dma_start3A_77] : memref<10000x16xf32, #tpu.memory_space<hbm>> -> memref<10000x16xf32, #tpu.memory_space<hbm>>
      tpu.enqueue_indirect_dma source(%dma_start3A_78 : memref<10000x16xf32, #tpu.memory_space<hbm>>) target(%arg8 : memref<2048x16xf32, #tpu.memory_space<vmem>>) offsets(%dma_start3A_75 : memref<2048xi32, #tpu.memory_space<vmem>>) semaphore(%arg12 : memref<!tpu.dma_semaphore, #tpu.memory_space<semaphore_mem>>)
      %dma_start3A_79 = arith.constant 1 : i32
      %dma_start3A_80 = arith.constant 0 : i32
      %dma_start3A_81 = tpu.memref_slice %arg7[%dma_start3A_79, %dma_start3A_80] : memref<9x2048xi32, #tpu.memory_space<vmem>> -> memref<1x2048xi32, #tpu.memory_space<vmem>>
      %dma_start3A_82 = tpu.memref_squeeze %dma_start3A_81 : memref<1x2048xi32, #tpu.memory_space<vmem>> -> memref<2048xi32, #tpu.memory_space<vmem>>
      %dma_start3A_83 = arith.constant 0 : i32
      %dma_start3A_84 = arith.constant 0 : i32
      %dma_start3A_85 = tpu.memref_slice %arg11[%dma_start3A_83, %dma_start3A_84] : memref<10240x16xf32, #tpu.memory_space<vmem_shared>> -> memref<10240x16xf32, #tpu.memory_space<vmem_shared>>
      tpu.enqueue_indirect_dma source(%arg9 : memref<2048x16xf32, #tpu.memory_space<vmem>>) target(%dma_start3A_85 : memref<10240x16xf32, #tpu.memory_space<vmem_shared>>) offsets(%dma_start3A_82 : memref<2048xi32, #tpu.memory_space<vmem>>) semaphore(%arg13 : memref<!tpu.dma_semaphore, #tpu.memory_space<semaphore_mem>>) {add = true}
      %dma_wait3A_86 = arith.constant 2 : i32
      %dma_wait3A_87 = arith.constant 0 : i32
      %dma_wait3A_88 = tpu.memref_slice %arg6[%dma_wait3A_86, %dma_wait3A_87] : memref<9x2048xi32, #tpu.memory_space<vmem>> -> memref<1x2048xi32, #tpu.memory_space<vmem>>
      %dma_wait3A_89 = tpu.memref_squeeze %dma_wait3A_88 : memref<1x2048xi32, #tpu.memory_space<vmem>> -> memref<2048xi32, #tpu.memory_space<vmem>>
      %dma_wait3A_90 = arith.constant 0 : i32
      %dma_wait3A_91 = arith.constant 0 : i32
      %dma_wait3A_92 = tpu.memref_slice %arg2[%dma_wait3A_90, %dma_wait3A_91] : memref<10000x16xf32, #tpu.memory_space<hbm>> -> memref<10000x16xf32, #tpu.memory_space<hbm>>
      tpu.wait_indirect_dma semaphore(%arg12 : memref<!tpu.dma_semaphore, #tpu.memory_space<semaphore_mem>>) src(%dma_wait3A_92 : memref<10000x16xf32, #tpu.memory_space<hbm>>) dst(%arg8 : memref<2048x16xf32, #tpu.memory_space<vmem>>)
      %dma_wait3A_93 = arith.constant 1 : i32
      %dma_wait3A_94 = arith.constant 0 : i32
      %dma_wait3A_95 = tpu.memref_slice %arg7[%dma_wait3A_93, %dma_wait3A_94] : memref<9x2048xi32, #tpu.memory_space<vmem>> -> memref<1x2048xi32, #tpu.memory_space<vmem>>
      %dma_wait3A_96 = tpu.memref_squeeze %dma_wait3A_95 : memref<1x2048xi32, #tpu.memory_space<vmem>> -> memref<2048xi32, #tpu.memory_space<vmem>>
      %dma_wait3A_97 = arith.constant 0 : i32
      %dma_wait3A_98 = arith.constant 0 : i32
      %dma_wait3A_99 = tpu.memref_slice %arg11[%dma_wait3A_97, %dma_wait3A_98] : memref<10240x16xf32, #tpu.memory_space<vmem_shared>> -> memref<10240x16xf32, #tpu.memory_space<vmem_shared>>
      tpu.wait_indirect_dma semaphore(%arg13 : memref<!tpu.dma_semaphore, #tpu.memory_space<semaphore_mem>>) src(%arg9 : memref<2048x16xf32, #tpu.memory_space<vmem>>) dst(%dma_wait3A_99 : memref<10240x16xf32, #tpu.memory_space<vmem_shared>>)
      %dma_start3A_100 = arith.constant 3 : i32
      %dma_start3A_101 = arith.constant 0 : i32
      %dma_start3A_102 = tpu.memref_slice %arg6[%dma_start3A_100, %dma_start3A_101] : memref<9x2048xi32, #tpu.memory_space<vmem>> -> memref<1x2048xi32, #tpu.memory_space<vmem>>
      %dma_start3A_103 = tpu.memref_squeeze %dma_start3A_102 : memref<1x2048xi32, #tpu.memory_space<vmem>> -> memref<2048xi32, #tpu.memory_space<vmem>>
      %dma_start3A_104 = arith.constant 0 : i32
      %dma_start3A_105 = arith.constant 0 : i32
      %dma_start3A_106 = tpu.memref_slice %arg2[%dma_start3A_104, %dma_start3A_105] : memref<10000x16xf32, #tpu.memory_space<hbm>> -> memref<10000x16xf32, #tpu.memory_space<hbm>>
      tpu.enqueue_indirect_dma source(%dma_start3A_106 : memref<10000x16xf32, #tpu.memory_space<hbm>>) target(%arg9 : memref<2048x16xf32, #tpu.memory_space<vmem>>) offsets(%dma_start3A_103 : memref<2048xi32, #tpu.memory_space<vmem>>) semaphore(%arg12 : memref<!tpu.dma_semaphore, #tpu.memory_space<semaphore_mem>>)
      %dma_start3A_107 = arith.constant 2 : i32
      %dma_start3A_108 = arith.constant 0 : i32
      %dma_start3A_109 = tpu.memref_slice %arg7[%dma_start3A_107, %dma_start3A_108] : memref<9x2048xi32, #tpu.memory_space<vmem>> -> memref<1x2048xi32, #tpu.memory_space<vmem>>
      %dma_start3A_110 = tpu.memref_squeeze %dma_start3A_109 : memref<1x2048xi32, #tpu.memory_space<vmem>> -> memref<2048xi32, #tpu.memory_space<vmem>>
      %dma_start3A_111 = arith.constant 0 : i32
      %dma_start3A_112 = arith.constant 0 : i32
      %dma_start3A_113 = tpu.memref_slice %arg11[%dma_start3A_111, %dma_start3A_112] : memref<10240x16xf32, #tpu.memory_space<vmem_shared>> -> memref<10240x16xf32, #tpu.memory_space<vmem_shared>>
      tpu.enqueue_indirect_dma source(%arg8 : memref<2048x16xf32, #tpu.memory_space<vmem>>) target(%dma_start3A_113 : memref<10240x16xf32, #tpu.memory_space<vmem_shared>>) offsets(%dma_start3A_110 : memref<2048xi32, #tpu.memory_space<vmem>>) semaphore(%arg13 : memref<!tpu.dma_semaphore, #tpu.memory_space<semaphore_mem>>) {add = true}
      %dma_wait3A_114 = arith.constant 3 : i32
      %dma_wait3A_115 = arith.constant 0 : i32
      %dma_wait3A_116 = tpu.memref_slice %arg6[%dma_wait3A_114, %dma_wait3A_115] : memref<9x2048xi32, #tpu.memory_space<vmem>> -> memref<1x2048xi32, #tpu.memory_space<vmem>>
      %dma_wait3A_117 = tpu.memref_squeeze %dma_wait3A_116 : memref<1x2048xi32, #tpu.memory_space<vmem>> -> memref<2048xi32, #tpu.memory_space<vmem>>
      %dma_wait3A_118 = arith.constant 0 : i32
      %dma_wait3A_119 = arith.constant 0 : i32
      %dma_wait3A_120 = tpu.memref_slice %arg2[%dma_wait3A_118, %dma_wait3A_119] : memref<10000x16xf32, #tpu.memory_space<hbm>> -> memref<10000x16xf32, #tpu.memory_space<hbm>>
      tpu.wait_indirect_dma semaphore(%arg12 : memref<!tpu.dma_semaphore, #tpu.memory_space<semaphore_mem>>) src(%dma_wait3A_120 : memref<10000x16xf32, #tpu.memory_space<hbm>>) dst(%arg9 : memref<2048x16xf32, #tpu.memory_space<vmem>>)
      %dma_wait3A_121 = arith.constant 2 : i32
      %dma_wait3A_122 = arith.constant 0 : i32
      %dma_wait3A_123 = tpu.memref_slice %arg7[%dma_wait3A_121, %dma_wait3A_122] : memref<9x2048xi32, #tpu.memory_space<vmem>> -> memref<1x2048xi32, #tpu.memory_space<vmem>>
      %dma_wait3A_124 = tpu.memref_squeeze %dma_wait3A_123 : memref<1x2048xi32, #tpu.memory_space<vmem>> -> memref<2048xi32, #tpu.memory_space<vmem>>
      %dma_wait3A_125 = arith.constant 0 : i32
      %dma_wait3A_126 = arith.constant 0 : i32
      %dma_wait3A_127 = tpu.memref_slice %arg11[%dma_wait3A_125, %dma_wait3A_126] : memref<10240x16xf32, #tpu.memory_space<vmem_shared>> -> memref<10240x16xf32, #tpu.memory_space<vmem_shared>>
      tpu.wait_indirect_dma semaphore(%arg13 : memref<!tpu.dma_semaphore, #tpu.memory_space<semaphore_mem>>) src(%arg8 : memref<2048x16xf32, #tpu.memory_space<vmem>>) dst(%dma_wait3A_127 : memref<10240x16xf32, #tpu.memory_space<vmem_shared>>)
      %dma_start3A_128 = arith.constant 4 : i32
      %dma_start3A_129 = arith.constant 0 : i32
      %dma_start3A_130 = tpu.memref_slice %arg6[%dma_start3A_128, %dma_start3A_129] : memref<9x2048xi32, #tpu.memory_space<vmem>> -> memref<1x2048xi32, #tpu.memory_space<vmem>>
      %dma_start3A_131 = tpu.memref_squeeze %dma_start3A_130 : memref<1x2048xi32, #tpu.memory_space<vmem>> -> memref<2048xi32, #tpu.memory_space<vmem>>
      %dma_start3A_132 = arith.constant 0 : i32
      %dma_start3A_133 = arith.constant 0 : i32
      %dma_start3A_134 = tpu.memref_slice %arg2[%dma_start3A_132, %dma_start3A_133] : memref<10000x16xf32, #tpu.memory_space<hbm>> -> memref<10000x16xf32, #tpu.memory_space<hbm>>
      tpu.enqueue_indirect_dma source(%dma_start3A_134 : memref<10000x16xf32, #tpu.memory_space<hbm>>) target(%arg8 : memref<2048x16xf32, #tpu.memory_space<vmem>>) offsets(%dma_start3A_131 : memref<2048xi32, #tpu.memory_space<vmem>>) semaphore(%arg12 : memref<!tpu.dma_semaphore, #tpu.memory_space<semaphore_mem>>)
      %dma_start3A_135 = arith.constant 3 : i32
      %dma_start3A_136 = arith.constant 0 : i32
      %dma_start3A_137 = tpu.memref_slice %arg7[%dma_start3A_135, %dma_start3A_136] : memref<9x2048xi32, #tpu.memory_space<vmem>> -> memref<1x2048xi32, #tpu.memory_space<vmem>>
      %dma_start3A_138 = tpu.memref_squeeze %dma_start3A_137 : memref<1x2048xi32, #tpu.memory_space<vmem>> -> memref<2048xi32, #tpu.memory_space<vmem>>
      %dma_start3A_139 = arith.constant 0 : i32
      %dma_start3A_140 = arith.constant 0 : i32
      %dma_start3A_141 = tpu.memref_slice %arg11[%dma_start3A_139, %dma_start3A_140] : memref<10240x16xf32, #tpu.memory_space<vmem_shared>> -> memref<10240x16xf32, #tpu.memory_space<vmem_shared>>
      tpu.enqueue_indirect_dma source(%arg9 : memref<2048x16xf32, #tpu.memory_space<vmem>>) target(%dma_start3A_141 : memref<10240x16xf32, #tpu.memory_space<vmem_shared>>) offsets(%dma_start3A_138 : memref<2048xi32, #tpu.memory_space<vmem>>) semaphore(%arg13 : memref<!tpu.dma_semaphore, #tpu.memory_space<semaphore_mem>>) {add = true}
      %dma_wait3A_142 = arith.constant 4 : i32
      %dma_wait3A_143 = arith.constant 0 : i32
      %dma_wait3A_144 = tpu.memref_slice %arg6[%dma_wait3A_142, %dma_wait3A_143] : memref<9x2048xi32, #tpu.memory_space<vmem>> -> memref<1x2048xi32, #tpu.memory_space<vmem>>
      %dma_wait3A_145 = tpu.memref_squeeze %dma_wait3A_144 : memref<1x2048xi32, #tpu.memory_space<vmem>> -> memref<2048xi32, #tpu.memory_space<vmem>>
      %dma_wait3A_146 = arith.constant 0 : i32
      %dma_wait3A_147 = arith.constant 0 : i32
      %dma_wait3A_148 = tpu.memref_slice %arg2[%dma_wait3A_146, %dma_wait3A_147] : memref<10000x16xf32, #tpu.memory_space<hbm>> -> memref<10000x16xf32, #tpu.memory_space<hbm>>
      tpu.wait_indirect_dma semaphore(%arg12 : memref<!tpu.dma_semaphore, #tpu.memory_space<semaphore_mem>>) src(%dma_wait3A_148 : memref<10000x16xf32, #tpu.memory_space<hbm>>) dst(%arg8 : memref<2048x16xf32, #tpu.memory_space<vmem>>)
      %dma_wait3A_149 = arith.constant 3 : i32
      %dma_wait3A_150 = arith.constant 0 : i32
      %dma_wait3A_151 = tpu.memref_slice %arg7[%dma_wait3A_149, %dma_wait3A_150] : memref<9x2048xi32, #tpu.memory_space<vmem>> -> memref<1x2048xi32, #tpu.memory_space<vmem>>
      %dma_wait3A_152 = tpu.memref_squeeze %dma_wait3A_151 : memref<1x2048xi32, #tpu.memory_space<vmem>> -> memref<2048xi32, #tpu.memory_space<vmem>>
      %dma_wait3A_153 = arith.constant 0 : i32
      %dma_wait3A_154 = arith.constant 0 : i32
      %dma_wait3A_155 = tpu.memref_slice %arg11[%dma_wait3A_153, %dma_wait3A_154] : memref<10240x16xf32, #tpu.memory_space<vmem_shared>> -> memref<10240x16xf32, #tpu.memory_space<vmem_shared>>
      tpu.wait_indirect_dma semaphore(%arg13 : memref<!tpu.dma_semaphore, #tpu.memory_space<semaphore_mem>>) src(%arg9 : memref<2048x16xf32, #tpu.memory_space<vmem>>) dst(%dma_wait3A_155 : memref<10240x16xf32, #tpu.memory_space<vmem_shared>>)
      %dma_start3A_156 = arith.constant 5 : i32
      %dma_start3A_157 = arith.constant 0 : i32
      %dma_start3A_158 = tpu.memref_slice %arg6[%dma_start3A_156, %dma_start3A_157] : memref<9x2048xi32, #tpu.memory_space<vmem>> -> memref<1x2048xi32, #tpu.memory_space<vmem>>
      %dma_start3A_159 = tpu.memref_squeeze %dma_start3A_158 : memref<1x2048xi32, #tpu.memory_space<vmem>> -> memref<2048xi32, #tpu.memory_space<vmem>>
      %dma_start3A_160 = arith.constant 0 : i32
      %dma_start3A_161 = arith.constant 0 : i32
      %dma_start3A_162 = tpu.memref_slice %arg2[%dma_start3A_160, %dma_start3A_161] : memref<10000x16xf32, #tpu.memory_space<hbm>> -> memref<10000x16xf32, #tpu.memory_space<hbm>>
      tpu.enqueue_indirect_dma source(%dma_start3A_162 : memref<10000x16xf32, #tpu.memory_space<hbm>>) target(%arg9 : memref<2048x16xf32, #tpu.memory_space<vmem>>) offsets(%dma_start3A_159 : memref<2048xi32, #tpu.memory_space<vmem>>) semaphore(%arg12 : memref<!tpu.dma_semaphore, #tpu.memory_space<semaphore_mem>>)
      %dma_start3A_163 = arith.constant 4 : i32
      %dma_start3A_164 = arith.constant 0 : i32
      %dma_start3A_165 = tpu.memref_slice %arg7[%dma_start3A_163, %dma_start3A_164] : memref<9x2048xi32, #tpu.memory_space<vmem>> -> memref<1x2048xi32, #tpu.memory_space<vmem>>
      %dma_start3A_166 = tpu.memref_squeeze %dma_start3A_165 : memref<1x2048xi32, #tpu.memory_space<vmem>> -> memref<2048xi32, #tpu.memory_space<vmem>>
      %dma_start3A_167 = arith.constant 0 : i32
      %dma_start3A_168 = arith.constant 0 : i32
      %dma_start3A_169 = tpu.memref_slice %arg11[%dma_start3A_167, %dma_start3A_168] : memref<10240x16xf32, #tpu.memory_space<vmem_shared>> -> memref<10240x16xf32, #tpu.memory_space<vmem_shared>>
      tpu.enqueue_indirect_dma source(%arg8 : memref<2048x16xf32, #tpu.memory_space<vmem>>) target(%dma_start3A_169 : memref<10240x16xf32, #tpu.memory_space<vmem_shared>>) offsets(%dma_start3A_166 : memref<2048xi32, #tpu.memory_space<vmem>>) semaphore(%arg13 : memref<!tpu.dma_semaphore, #tpu.memory_space<semaphore_mem>>) {add = true}
      %dma_wait3A_170 = arith.constant 5 : i32
      %dma_wait3A_171 = arith.constant 0 : i32
      %dma_wait3A_172 = tpu.memref_slice %arg6[%dma_wait3A_170, %dma_wait3A_171] : memref<9x2048xi32, #tpu.memory_space<vmem>> -> memref<1x2048xi32, #tpu.memory_space<vmem>>
      %dma_wait3A_173 = tpu.memref_squeeze %dma_wait3A_172 : memref<1x2048xi32, #tpu.memory_space<vmem>> -> memref<2048xi32, #tpu.memory_space<vmem>>
      %dma_wait3A_174 = arith.constant 0 : i32
      %dma_wait3A_175 = arith.constant 0 : i32
      %dma_wait3A_176 = tpu.memref_slice %arg2[%dma_wait3A_174, %dma_wait3A_175] : memref<10000x16xf32, #tpu.memory_space<hbm>> -> memref<10000x16xf32, #tpu.memory_space<hbm>>
      tpu.wait_indirect_dma semaphore(%arg12 : memref<!tpu.dma_semaphore, #tpu.memory_space<semaphore_mem>>) src(%dma_wait3A_176 : memref<10000x16xf32, #tpu.memory_space<hbm>>) dst(%arg9 : memref<2048x16xf32, #tpu.memory_space<vmem>>)
      %dma_wait3A_177 = arith.constant 4 : i32
      %dma_wait3A_178 = arith.constant 0 : i32
      %dma_wait3A_179 = tpu.memref_slice %arg7[%dma_wait3A_177, %dma_wait3A_178] : memref<9x2048xi32, #tpu.memory_space<vmem>> -> memref<1x2048xi32, #tpu.memory_space<vmem>>
      %dma_wait3A_180 = tpu.memref_squeeze %dma_wait3A_179 : memref<1x2048xi32, #tpu.memory_space<vmem>> -> memref<2048xi32, #tpu.memory_space<vmem>>
      %dma_wait3A_181 = arith.constant 0 : i32
      %dma_wait3A_182 = arith.constant 0 : i32
      %dma_wait3A_183 = tpu.memref_slice %arg11[%dma_wait3A_181, %dma_wait3A_182] : memref<10240x16xf32, #tpu.memory_space<vmem_shared>> -> memref<10240x16xf32, #tpu.memory_space<vmem_shared>>
      tpu.wait_indirect_dma semaphore(%arg13 : memref<!tpu.dma_semaphore, #tpu.memory_space<semaphore_mem>>) src(%arg8 : memref<2048x16xf32, #tpu.memory_space<vmem>>) dst(%dma_wait3A_183 : memref<10240x16xf32, #tpu.memory_space<vmem_shared>>)
      %dma_start3A_184 = arith.constant 6 : i32
      %dma_start3A_185 = arith.constant 0 : i32
      %dma_start3A_186 = tpu.memref_slice %arg6[%dma_start3A_184, %dma_start3A_185] : memref<9x2048xi32, #tpu.memory_space<vmem>> -> memref<1x2048xi32, #tpu.memory_space<vmem>>
      %dma_start3A_187 = tpu.memref_squeeze %dma_start3A_186 : memref<1x2048xi32, #tpu.memory_space<vmem>> -> memref<2048xi32, #tpu.memory_space<vmem>>
      %dma_start3A_188 = arith.constant 0 : i32
      %dma_start3A_189 = arith.constant 0 : i32
      %dma_start3A_190 = tpu.memref_slice %arg2[%dma_start3A_188, %dma_start3A_189] : memref<10000x16xf32, #tpu.memory_space<hbm>> -> memref<10000x16xf32, #tpu.memory_space<hbm>>
      tpu.enqueue_indirect_dma source(%dma_start3A_190 : memref<10000x16xf32, #tpu.memory_space<hbm>>) target(%arg8 : memref<2048x16xf32, #tpu.memory_space<vmem>>) offsets(%dma_start3A_187 : memref<2048xi32, #tpu.memory_space<vmem>>) semaphore(%arg12 : memref<!tpu.dma_semaphore, #tpu.memory_space<semaphore_mem>>)
      %dma_start3A_191 = arith.constant 5 : i32
      %dma_start3A_192 = arith.constant 0 : i32
      %dma_start3A_193 = tpu.memref_slice %arg7[%dma_start3A_191, %dma_start3A_192] : memref<9x2048xi32, #tpu.memory_space<vmem>> -> memref<1x2048xi32, #tpu.memory_space<vmem>>
      %dma_start3A_194 = tpu.memref_squeeze %dma_start3A_193 : memref<1x2048xi32, #tpu.memory_space<vmem>> -> memref<2048xi32, #tpu.memory_space<vmem>>
      %dma_start3A_195 = arith.constant 0 : i32
      %dma_start3A_196 = arith.constant 0 : i32
      %dma_start3A_197 = tpu.memref_slice %arg11[%dma_start3A_195, %dma_start3A_196] : memref<10240x16xf32, #tpu.memory_space<vmem_shared>> -> memref<10240x16xf32, #tpu.memory_space<vmem_shared>>
      tpu.enqueue_indirect_dma source(%arg9 : memref<2048x16xf32, #tpu.memory_space<vmem>>) target(%dma_start3A_197 : memref<10240x16xf32, #tpu.memory_space<vmem_shared>>) offsets(%dma_start3A_194 : memref<2048xi32, #tpu.memory_space<vmem>>) semaphore(%arg13 : memref<!tpu.dma_semaphore, #tpu.memory_space<semaphore_mem>>) {add = true}
      %dma_wait3A_198 = arith.constant 6 : i32
      %dma_wait3A_199 = arith.constant 0 : i32
      %dma_wait3A_200 = tpu.memref_slice %arg6[%dma_wait3A_198, %dma_wait3A_199] : memref<9x2048xi32, #tpu.memory_space<vmem>> -> memref<1x2048xi32, #tpu.memory_space<vmem>>
      %dma_wait3A_201 = tpu.memref_squeeze %dma_wait3A_200 : memref<1x2048xi32, #tpu.memory_space<vmem>> -> memref<2048xi32, #tpu.memory_space<vmem>>
      %dma_wait3A_202 = arith.constant 0 : i32
      %dma_wait3A_203 = arith.constant 0 : i32
      %dma_wait3A_204 = tpu.memref_slice %arg2[%dma_wait3A_202, %dma_wait3A_203] : memref<10000x16xf32, #tpu.memory_space<hbm>> -> memref<10000x16xf32, #tpu.memory_space<hbm>>
      tpu.wait_indirect_dma semaphore(%arg12 : memref<!tpu.dma_semaphore, #tpu.memory_space<semaphore_mem>>) src(%dma_wait3A_204 : memref<10000x16xf32, #tpu.memory_space<hbm>>) dst(%arg8 : memref<2048x16xf32, #tpu.memory_space<vmem>>)
      %dma_wait3A_205 = arith.constant 5 : i32
      %dma_wait3A_206 = arith.constant 0 : i32
      %dma_wait3A_207 = tpu.memref_slice %arg7[%dma_wait3A_205, %dma_wait3A_206] : memref<9x2048xi32, #tpu.memory_space<vmem>> -> memref<1x2048xi32, #tpu.memory_space<vmem>>
      %dma_wait3A_208 = tpu.memref_squeeze %dma_wait3A_207 : memref<1x2048xi32, #tpu.memory_space<vmem>> -> memref<2048xi32, #tpu.memory_space<vmem>>
      %dma_wait3A_209 = arith.constant 0 : i32
      %dma_wait3A_210 = arith.constant 0 : i32
      %dma_wait3A_211 = tpu.memref_slice %arg11[%dma_wait3A_209, %dma_wait3A_210] : memref<10240x16xf32, #tpu.memory_space<vmem_shared>> -> memref<10240x16xf32, #tpu.memory_space<vmem_shared>>
      tpu.wait_indirect_dma semaphore(%arg13 : memref<!tpu.dma_semaphore, #tpu.memory_space<semaphore_mem>>) src(%arg9 : memref<2048x16xf32, #tpu.memory_space<vmem>>) dst(%dma_wait3A_211 : memref<10240x16xf32, #tpu.memory_space<vmem_shared>>)
      %dma_start3A_212 = arith.constant 7 : i32
      %dma_start3A_213 = arith.constant 0 : i32
      %dma_start3A_214 = tpu.memref_slice %arg6[%dma_start3A_212, %dma_start3A_213] : memref<9x2048xi32, #tpu.memory_space<vmem>> -> memref<1x2048xi32, #tpu.memory_space<vmem>>
      %dma_start3A_215 = tpu.memref_squeeze %dma_start3A_214 : memref<1x2048xi32, #tpu.memory_space<vmem>> -> memref<2048xi32, #tpu.memory_space<vmem>>
      %dma_start3A_216 = arith.constant 0 : i32
      %dma_start3A_217 = arith.constant 0 : i32
      %dma_start3A_218 = tpu.memref_slice %arg2[%dma_start3A_216, %dma_start3A_217] : memref<10000x16xf32, #tpu.memory_space<hbm>> -> memref<10000x16xf32, #tpu.memory_space<hbm>>
      tpu.enqueue_indirect_dma source(%dma_start3A_218 : memref<10000x16xf32, #tpu.memory_space<hbm>>) target(%arg9 : memref<2048x16xf32, #tpu.memory_space<vmem>>) offsets(%dma_start3A_215 : memref<2048xi32, #tpu.memory_space<vmem>>) semaphore(%arg12 : memref<!tpu.dma_semaphore, #tpu.memory_space<semaphore_mem>>)
      %dma_start3A_219 = arith.constant 6 : i32
      %dma_start3A_220 = arith.constant 0 : i32
      %dma_start3A_221 = tpu.memref_slice %arg7[%dma_start3A_219, %dma_start3A_220] : memref<9x2048xi32, #tpu.memory_space<vmem>> -> memref<1x2048xi32, #tpu.memory_space<vmem>>
      %dma_start3A_222 = tpu.memref_squeeze %dma_start3A_221 : memref<1x2048xi32, #tpu.memory_space<vmem>> -> memref<2048xi32, #tpu.memory_space<vmem>>
      %dma_start3A_223 = arith.constant 0 : i32
      %dma_start3A_224 = arith.constant 0 : i32
      %dma_start3A_225 = tpu.memref_slice %arg11[%dma_start3A_223, %dma_start3A_224] : memref<10240x16xf32, #tpu.memory_space<vmem_shared>> -> memref<10240x16xf32, #tpu.memory_space<vmem_shared>>
      tpu.enqueue_indirect_dma source(%arg8 : memref<2048x16xf32, #tpu.memory_space<vmem>>) target(%dma_start3A_225 : memref<10240x16xf32, #tpu.memory_space<vmem_shared>>) offsets(%dma_start3A_222 : memref<2048xi32, #tpu.memory_space<vmem>>) semaphore(%arg13 : memref<!tpu.dma_semaphore, #tpu.memory_space<semaphore_mem>>) {add = true}
      %dma_wait3A_226 = arith.constant 7 : i32
      %dma_wait3A_227 = arith.constant 0 : i32
      %dma_wait3A_228 = tpu.memref_slice %arg6[%dma_wait3A_226, %dma_wait3A_227] : memref<9x2048xi32, #tpu.memory_space<vmem>> -> memref<1x2048xi32, #tpu.memory_space<vmem>>
      %dma_wait3A_229 = tpu.memref_squeeze %dma_wait3A_228 : memref<1x2048xi32, #tpu.memory_space<vmem>> -> memref<2048xi32, #tpu.memory_space<vmem>>
      %dma_wait3A_230 = arith.constant 0 : i32
      %dma_wait3A_231 = arith.constant 0 : i32
      %dma_wait3A_232 = tpu.memref_slice %arg2[%dma_wait3A_230, %dma_wait3A_231] : memref<10000x16xf32, #tpu.memory_space<hbm>> -> memref<10000x16xf32, #tpu.memory_space<hbm>>
      tpu.wait_indirect_dma semaphore(%arg12 : memref<!tpu.dma_semaphore, #tpu.memory_space<semaphore_mem>>) src(%dma_wait3A_232 : memref<10000x16xf32, #tpu.memory_space<hbm>>) dst(%arg9 : memref<2048x16xf32, #tpu.memory_space<vmem>>)
      %dma_wait3A_233 = arith.constant 6 : i32
      %dma_wait3A_234 = arith.constant 0 : i32
      %dma_wait3A_235 = tpu.memref_slice %arg7[%dma_wait3A_233, %dma_wait3A_234] : memref<9x2048xi32, #tpu.memory_space<vmem>> -> memref<1x2048xi32, #tpu.memory_space<vmem>>
      %dma_wait3A_236 = tpu.memref_squeeze %dma_wait3A_235 : memref<1x2048xi32, #tpu.memory_space<vmem>> -> memref<2048xi32, #tpu.memory_space<vmem>>
      %dma_wait3A_237 = arith.constant 0 : i32
      %dma_wait3A_238 = arith.constant 0 : i32
      %dma_wait3A_239 = tpu.memref_slice %arg11[%dma_wait3A_237, %dma_wait3A_238] : memref<10240x16xf32, #tpu.memory_space<vmem_shared>> -> memref<10240x16xf32, #tpu.memory_space<vmem_shared>>
      tpu.wait_indirect_dma semaphore(%arg13 : memref<!tpu.dma_semaphore, #tpu.memory_space<semaphore_mem>>) src(%arg8 : memref<2048x16xf32, #tpu.memory_space<vmem>>) dst(%dma_wait3A_239 : memref<10240x16xf32, #tpu.memory_space<vmem_shared>>)
      %dma_start3A_240 = arith.constant 8 : i32
      %dma_start3A_241 = arith.constant 0 : i32
      %dma_start3A_242 = tpu.memref_slice %arg6[%dma_start3A_240, %dma_start3A_241] : memref<9x2048xi32, #tpu.memory_space<vmem>> -> memref<1x2048xi32, #tpu.memory_space<vmem>>
      %dma_start3A_243 = tpu.memref_squeeze %dma_start3A_242 : memref<1x2048xi32, #tpu.memory_space<vmem>> -> memref<2048xi32, #tpu.memory_space<vmem>>
      %dma_start3A_244 = arith.constant 0 : i32
      %dma_start3A_245 = arith.constant 0 : i32
      %dma_start3A_246 = tpu.memref_slice %arg2[%dma_start3A_244, %dma_start3A_245] : memref<10000x16xf32, #tpu.memory_space<hbm>> -> memref<10000x16xf32, #tpu.memory_space<hbm>>
      tpu.enqueue_indirect_dma source(%dma_start3A_246 : memref<10000x16xf32, #tpu.memory_space<hbm>>) target(%arg8 : memref<2048x16xf32, #tpu.memory_space<vmem>>) offsets(%dma_start3A_243 : memref<2048xi32, #tpu.memory_space<vmem>>) semaphore(%arg12 : memref<!tpu.dma_semaphore, #tpu.memory_space<semaphore_mem>>)
      %dma_start3A_247 = arith.constant 7 : i32
      %dma_start3A_248 = arith.constant 0 : i32
      %dma_start3A_249 = tpu.memref_slice %arg7[%dma_start3A_247, %dma_start3A_248] : memref<9x2048xi32, #tpu.memory_space<vmem>> -> memref<1x2048xi32, #tpu.memory_space<vmem>>
      %dma_start3A_250 = tpu.memref_squeeze %dma_start3A_249 : memref<1x2048xi32, #tpu.memory_space<vmem>> -> memref<2048xi32, #tpu.memory_space<vmem>>
      %dma_start3A_251 = arith.constant 0 : i32
      %dma_start3A_252 = arith.constant 0 : i32
      %dma_start3A_253 = tpu.memref_slice %arg11[%dma_start3A_251, %dma_start3A_252] : memref<10240x16xf32, #tpu.memory_space<vmem_shared>> -> memref<10240x16xf32, #tpu.memory_space<vmem_shared>>
      tpu.enqueue_indirect_dma source(%arg9 : memref<2048x16xf32, #tpu.memory_space<vmem>>) target(%dma_start3A_253 : memref<10240x16xf32, #tpu.memory_space<vmem_shared>>) offsets(%dma_start3A_250 : memref<2048xi32, #tpu.memory_space<vmem>>) semaphore(%arg13 : memref<!tpu.dma_semaphore, #tpu.memory_space<semaphore_mem>>) {add = true}
      %dma_wait3A_254 = arith.constant 8 : i32
      %dma_wait3A_255 = arith.constant 0 : i32
      %dma_wait3A_256 = tpu.memref_slice %arg6[%dma_wait3A_254, %dma_wait3A_255] : memref<9x2048xi32, #tpu.memory_space<vmem>> -> memref<1x2048xi32, #tpu.memory_space<vmem>>
      %dma_wait3A_257 = tpu.memref_squeeze %dma_wait3A_256 : memref<1x2048xi32, #tpu.memory_space<vmem>> -> memref<2048xi32, #tpu.memory_space<vmem>>
      %dma_wait3A_258 = arith.constant 0 : i32
      %dma_wait3A_259 = arith.constant 0 : i32
      %dma_wait3A_260 = tpu.memref_slice %arg2[%dma_wait3A_258, %dma_wait3A_259] : memref<10000x16xf32, #tpu.memory_space<hbm>> -> memref<10000x16xf32, #tpu.memory_space<hbm>>
      tpu.wait_indirect_dma semaphore(%arg12 : memref<!tpu.dma_semaphore, #tpu.memory_space<semaphore_mem>>) src(%dma_wait3A_260 : memref<10000x16xf32, #tpu.memory_space<hbm>>) dst(%arg8 : memref<2048x16xf32, #tpu.memory_space<vmem>>)
      %dma_wait3A_261 = arith.constant 7 : i32
      %dma_wait3A_262 = arith.constant 0 : i32
      %dma_wait3A_263 = tpu.memref_slice %arg7[%dma_wait3A_261, %dma_wait3A_262] : memref<9x2048xi32, #tpu.memory_space<vmem>> -> memref<1x2048xi32, #tpu.memory_space<vmem>>
      %dma_wait3A_264 = tpu.memref_squeeze %dma_wait3A_263 : memref<1x2048xi32, #tpu.memory_space<vmem>> -> memref<2048xi32, #tpu.memory_space<vmem>>
      %dma_wait3A_265 = arith.constant 0 : i32
      %dma_wait3A_266 = arith.constant 0 : i32
      %dma_wait3A_267 = tpu.memref_slice %arg11[%dma_wait3A_265, %dma_wait3A_266] : memref<10240x16xf32, #tpu.memory_space<vmem_shared>> -> memref<10240x16xf32, #tpu.memory_space<vmem_shared>>
      tpu.wait_indirect_dma semaphore(%arg13 : memref<!tpu.dma_semaphore, #tpu.memory_space<semaphore_mem>>) src(%arg9 : memref<2048x16xf32, #tpu.memory_space<vmem>>) dst(%dma_wait3A_267 : memref<10240x16xf32, #tpu.memory_space<vmem_shared>>)
      %dma_start3A_268 = arith.constant 8 : i32
      %dma_start3A_269 = arith.constant 0 : i32
      %dma_start3A_270 = tpu.memref_slice %arg7[%dma_start3A_268, %dma_start3A_269] : memref<9x2048xi32, #tpu.memory_space<vmem>> -> memref<1x2048xi32, #tpu.memory_space<vmem>>
      %dma_start3A_271 = tpu.memref_squeeze %dma_start3A_270 : memref<1x2048xi32, #tpu.memory_space<vmem>> -> memref<2048xi32, #tpu.memory_space<vmem>>
      %dma_start3A_272 = arith.constant 0 : i32
      %dma_start3A_273 = arith.constant 0 : i32
      %dma_start3A_274 = tpu.memref_slice %arg11[%dma_start3A_272, %dma_start3A_273] : memref<10240x16xf32, #tpu.memory_space<vmem_shared>> -> memref<10240x16xf32, #tpu.memory_space<vmem_shared>>
      tpu.enqueue_indirect_dma source(%arg8 : memref<2048x16xf32, #tpu.memory_space<vmem>>) target(%dma_start3A_274 : memref<10240x16xf32, #tpu.memory_space<vmem_shared>>) offsets(%dma_start3A_271 : memref<2048xi32, #tpu.memory_space<vmem>>) semaphore(%arg13 : memref<!tpu.dma_semaphore, #tpu.memory_space<semaphore_mem>>) {add = true}
      %dma_wait3A_275 = arith.constant 8 : i32
      %dma_wait3A_276 = arith.constant 0 : i32
      %dma_wait3A_277 = tpu.memref_slice %arg7[%dma_wait3A_275, %dma_wait3A_276] : memref<9x2048xi32, #tpu.memory_space<vmem>> -> memref<1x2048xi32, #tpu.memory_space<vmem>>
      %dma_wait3A_278 = tpu.memref_squeeze %dma_wait3A_277 : memref<1x2048xi32, #tpu.memory_space<vmem>> -> memref<2048xi32, #tpu.memory_space<vmem>>
      %dma_wait3A_279 = arith.constant 0 : i32
      %dma_wait3A_280 = arith.constant 0 : i32
      %dma_wait3A_281 = tpu.memref_slice %arg11[%dma_wait3A_279, %dma_wait3A_280] : memref<10240x16xf32, #tpu.memory_space<vmem_shared>> -> memref<10240x16xf32, #tpu.memory_space<vmem_shared>>
      tpu.wait_indirect_dma semaphore(%arg13 : memref<!tpu.dma_semaphore, #tpu.memory_space<semaphore_mem>>) src(%arg8 : memref<2048x16xf32, #tpu.memory_space<vmem>>) dst(%dma_wait3A_281 : memref<10240x16xf32, #tpu.memory_space<vmem_shared>>)
    } else {
    }
    %ne3A = arith.constant 0 : i32
    %ne3A_21 = arith.cmpi ne, %arg0, %ne3A : i32
    %convert_element_type3A_22 = arith.extui %ne3A_21 : i1 to i32
    %cond3A_23 = arith.constant 0 : i32
    %cond3A_24 = arith.cmpi ne, %convert_element_type3A_22, %cond3A_23 : i32
    scf.if %cond3A_24 {
      %mul3A_29 = arith.constant 1 : i32
      %mul3A_30 = arith.muli %arg1, %mul3A_29 : i32
      %add3A_31 = arith.constant 144 : i32
      %add3A_32 = arith.addi %add3A_31, %mul3A_30 : i32
      %multiple_of3A_33 = tpu.assume_multiple %add3A_32, 1 : i32
      "tpu.region"() ({
        %run_scoped3A = tpu.sem_alloc : memref<!tpu.dma_semaphore, #tpu.memory_space<semaphore_mem>>
        %dma_start3A_60 = arith.constant 0 : i32
        %dma_start3A_61 = arith.constant 0 : i32
        %dma_start3A_62 = tpu.memref_slice %arg6[%dma_start3A_60, %dma_start3A_61] : memref<9x2048xi32, #tpu.memory_space<vmem>> -> memref<1x2048xi32, #tpu.memory_space<vmem>>
        %dma_start3A_63 = arith.constant 0 : i32
        %dma_start3A_64 = tpu.memref_slice %arg3[%multiple_of3A_33, %dma_start3A_63] : memref<160x2048xi32, #tpu.memory_space<hbm>> -> memref<1x2048xi32, #tpu.memory_space<hbm>>
        %dma_start3A_65 = arith.constant 0 : i32
        %dma_start3A_66 = arith.constant 0 : i32
        %dma_start3A_67 = tpu.memref_slice %arg6[%dma_start3A_65, %dma_start3A_66] : memref<9x2048xi32, #tpu.memory_space<vmem>> -> memref<1x2048xi32, #tpu.memory_space<vmem>>
        %dma_start3A_68 = arith.constant 0 : i32
        %dma_start3A_69 = tpu.memref_slice %arg3[%multiple_of3A_33, %dma_start3A_68] : memref<160x2048xi32, #tpu.memory_space<hbm>> -> memref<1x2048xi32, #tpu.memory_space<hbm>>
        tpu.enqueue_dma source(%dma_start3A_69 : memref<1x2048xi32, #tpu.memory_space<hbm>>) target(%dma_start3A_67 : memref<1x2048xi32, #tpu.memory_space<vmem>>) target_semaphore(%run_scoped3A : memref<!tpu.dma_semaphore, #tpu.memory_space<semaphore_mem>>)
        %dma_wait3A_70 = arith.constant 0 : i32
        %dma_wait3A_71 = arith.constant 0 : i32
        %dma_wait3A_72 = tpu.memref_slice %arg6[%dma_wait3A_70, %dma_wait3A_71] : memref<9x2048xi32, #tpu.memory_space<vmem>> -> memref<1x2048xi32, #tpu.memory_space<vmem>>
        %dma_wait3A_73 = arith.constant 0 : i32
        %dma_wait3A_74 = tpu.memref_slice %arg3[%multiple_of3A_33, %dma_wait3A_73] : memref<160x2048xi32, #tpu.memory_space<hbm>> -> memref<1x2048xi32, #tpu.memory_space<hbm>>
        %dma_wait3A_75 = arith.constant 0 : i32
        %dma_wait3A_76 = arith.constant 0 : i32
        %dma_wait3A_77 = tpu.memref_slice %arg6[%dma_wait3A_75, %dma_wait3A_76] : memref<9x2048xi32, #tpu.memory_space<vmem>> -> memref<1x2048xi32, #tpu.memory_space<vmem>>
        %dma_wait3A_78 = arith.constant 0 : i32
        %dma_wait3A_79 = tpu.memref_slice %arg3[%multiple_of3A_33, %dma_wait3A_78] : memref<160x2048xi32, #tpu.memory_space<hbm>> -> memref<1x2048xi32, #tpu.memory_space<hbm>>
        tpu.wait_dma2 semaphore(%run_scoped3A : memref<!tpu.dma_semaphore, #tpu.memory_space<semaphore_mem>>) src(%dma_wait3A_79 : memref<1x2048xi32, #tpu.memory_space<hbm>>) dst(%dma_wait3A_77 : memref<1x2048xi32, #tpu.memory_space<vmem>>)
        tpu.yield
      }) : () -> ()
      "tpu.region"() ({
        %run_scoped3A = tpu.sem_alloc : memref<!tpu.dma_semaphore, #tpu.memory_space<semaphore_mem>>
        %dma_start3A_60 = arith.constant 0 : i32
        %dma_start3A_61 = arith.constant 0 : i32
        %dma_start3A_62 = tpu.memref_slice %arg7[%dma_start3A_60, %dma_start3A_61] : memref<9x2048xi32, #tpu.memory_space<vmem>> -> memref<1x2048xi32, #tpu.memory_space<vmem>>
        %dma_start3A_63 = arith.constant 0 : i32
        %dma_start3A_64 = tpu.memref_slice %arg4[%multiple_of3A_33, %dma_start3A_63] : memref<160x2048xi32, #tpu.memory_space<hbm>> -> memref<1x2048xi32, #tpu.memory_space<hbm>>
        %dma_start3A_65 = arith.constant 0 : i32
        %dma_start3A_66 = arith.constant 0 : i32
        %dma_start3A_67 = tpu.memref_slice %arg7[%dma_start3A_65, %dma_start3A_66] : memref<9x2048xi32, #tpu.memory_space<vmem>> -> memref<1x2048xi32, #tpu.memory_space<vmem>>
        %dma_start3A_68 = arith.constant 0 : i32
        %dma_start3A_69 = tpu.memref_slice %arg4[%multiple_of3A_33, %dma_start3A_68] : memref<160x2048xi32, #tpu.memory_space<hbm>> -> memref<1x2048xi32, #tpu.memory_space<hbm>>
        tpu.enqueue_dma source(%dma_start3A_69 : memref<1x2048xi32, #tpu.memory_space<hbm>>) target(%dma_start3A_67 : memref<1x2048xi32, #tpu.memory_space<vmem>>) target_semaphore(%run_scoped3A : memref<!tpu.dma_semaphore, #tpu.memory_space<semaphore_mem>>)
        %dma_wait3A_70 = arith.constant 0 : i32
        %dma_wait3A_71 = arith.constant 0 : i32
        %dma_wait3A_72 = tpu.memref_slice %arg7[%dma_wait3A_70, %dma_wait3A_71] : memref<9x2048xi32, #tpu.memory_space<vmem>> -> memref<1x2048xi32, #tpu.memory_space<vmem>>
        %dma_wait3A_73 = arith.constant 0 : i32
        %dma_wait3A_74 = tpu.memref_slice %arg4[%multiple_of3A_33, %dma_wait3A_73] : memref<160x2048xi32, #tpu.memory_space<hbm>> -> memref<1x2048xi32, #tpu.memory_space<hbm>>
        %dma_wait3A_75 = arith.constant 0 : i32
        %dma_wait3A_76 = arith.constant 0 : i32
        %dma_wait3A_77 = tpu.memref_slice %arg7[%dma_wait3A_75, %dma_wait3A_76] : memref<9x2048xi32, #tpu.memory_space<vmem>> -> memref<1x2048xi32, #tpu.memory_space<vmem>>
        %dma_wait3A_78 = arith.constant 0 : i32
        %dma_wait3A_79 = tpu.memref_slice %arg4[%multiple_of3A_33, %dma_wait3A_78] : memref<160x2048xi32, #tpu.memory_space<hbm>> -> memref<1x2048xi32, #tpu.memory_space<hbm>>
        tpu.wait_dma2 semaphore(%run_scoped3A : memref<!tpu.dma_semaphore, #tpu.memory_space<semaphore_mem>>) src(%dma_wait3A_79 : memref<1x2048xi32, #tpu.memory_space<hbm>>) dst(%dma_wait3A_77 : memref<1x2048xi32, #tpu.memory_space<vmem>>)
        tpu.yield
      }) : () -> ()
      %dma_start3A = arith.constant 0 : i32
      %dma_start3A_34 = arith.constant 0 : i32
      %dma_start3A_35 = tpu.memref_slice %arg6[%dma_start3A, %dma_start3A_34] : memref<9x2048xi32, #tpu.memory_space<vmem>> -> memref<1x2048xi32, #tpu.memory_space<vmem>>
      %dma_start3A_36 = tpu.memref_squeeze %dma_start3A_35 : memref<1x2048xi32, #tpu.memory_space<vmem>> -> memref<2048xi32, #tpu.memory_space<vmem>>
      %dma_start3A_37 = arith.constant 0 : i32
      %dma_start3A_38 = arith.constant 0 : i32
      %dma_start3A_39 = tpu.memref_slice %arg2[%dma_start3A_37, %dma_start3A_38] : memref<10000x16xf32, #tpu.memory_space<hbm>> -> memref<10000x16xf32, #tpu.memory_space<hbm>>
      tpu.enqueue_indirect_dma source(%dma_start3A_39 : memref<10000x16xf32, #tpu.memory_space<hbm>>) target(%arg8 : memref<2048x16xf32, #tpu.memory_space<vmem>>) offsets(%dma_start3A_36 : memref<2048xi32, #tpu.memory_space<vmem>>) semaphore(%arg12 : memref<!tpu.dma_semaphore, #tpu.memory_space<semaphore_mem>>)
      %dma_wait3A = arith.constant 0 : i32
      %dma_wait3A_40 = arith.constant 0 : i32
      %dma_wait3A_41 = tpu.memref_slice %arg6[%dma_wait3A, %dma_wait3A_40] : memref<9x2048xi32, #tpu.memory_space<vmem>> -> memref<1x2048xi32, #tpu.memory_space<vmem>>
      %dma_wait3A_42 = tpu.memref_squeeze %dma_wait3A_41 : memref<1x2048xi32, #tpu.memory_space<vmem>> -> memref<2048xi32, #tpu.memory_space<vmem>>
      %dma_wait3A_43 = arith.constant 0 : i32
      %dma_wait3A_44 = arith.constant 0 : i32
      %dma_wait3A_45 = tpu.memref_slice %arg2[%dma_wait3A_43, %dma_wait3A_44] : memref<10000x16xf32, #tpu.memory_space<hbm>> -> memref<10000x16xf32, #tpu.memory_space<hbm>>
      tpu.wait_indirect_dma semaphore(%arg12 : memref<!tpu.dma_semaphore, #tpu.memory_space<semaphore_mem>>) src(%dma_wait3A_45 : memref<10000x16xf32, #tpu.memory_space<hbm>>) dst(%arg8 : memref<2048x16xf32, #tpu.memory_space<vmem>>)
      %dma_start3A_46 = arith.constant 0 : i32
      %dma_start3A_47 = arith.constant 0 : i32
      %dma_start3A_48 = tpu.memref_slice %arg7[%dma_start3A_46, %dma_start3A_47] : memref<9x2048xi32, #tpu.memory_space<vmem>> -> memref<1x2048xi32, #tpu.memory_space<vmem>>
      %dma_start3A_49 = tpu.memref_squeeze %dma_start3A_48 : memref<1x2048xi32, #tpu.memory_space<vmem>> -> memref<2048xi32, #tpu.memory_space<vmem>>
      %dma_start3A_50 = arith.constant 0 : i32
      %dma_start3A_51 = arith.constant 0 : i32
      %dma_start3A_52 = tpu.memref_slice %arg11[%dma_start3A_50, %dma_start3A_51] : memref<10240x16xf32, #tpu.memory_space<vmem_shared>> -> memref<10240x16xf32, #tpu.memory_space<vmem_shared>>
      tpu.enqueue_indirect_dma source(%arg8 : memref<2048x16xf32, #tpu.memory_space<vmem>>) target(%dma_start3A_52 : memref<10240x16xf32, #tpu.memory_space<vmem_shared>>) offsets(%dma_start3A_49 : memref<2048xi32, #tpu.memory_space<vmem>>) semaphore(%arg13 : memref<!tpu.dma_semaphore, #tpu.memory_space<semaphore_mem>>) {add = true}
      %dma_wait3A_53 = arith.constant 0 : i32
      %dma_wait3A_54 = arith.constant 0 : i32
      %dma_wait3A_55 = tpu.memref_slice %arg7[%dma_wait3A_53, %dma_wait3A_54] : memref<9x2048xi32, #tpu.memory_space<vmem>> -> memref<1x2048xi32, #tpu.memory_space<vmem>>
      %dma_wait3A_56 = tpu.memref_squeeze %dma_wait3A_55 : memref<1x2048xi32, #tpu.memory_space<vmem>> -> memref<2048xi32, #tpu.memory_space<vmem>>
      %dma_wait3A_57 = arith.constant 0 : i32
      %dma_wait3A_58 = arith.constant 0 : i32
      %dma_wait3A_59 = tpu.memref_slice %arg11[%dma_wait3A_57, %dma_wait3A_58] : memref<10240x16xf32, #tpu.memory_space<vmem_shared>> -> memref<10240x16xf32, #tpu.memory_space<vmem_shared>>
      tpu.wait_indirect_dma semaphore(%arg13 : memref<!tpu.dma_semaphore, #tpu.memory_space<semaphore_mem>>) src(%arg8 : memref<2048x16xf32, #tpu.memory_space<vmem>>) dst(%dma_wait3A_59 : memref<10240x16xf32, #tpu.memory_space<vmem_shared>>)
    } else {
    }
    %barrier3A_25 = arith.constant 0 : index
    tpu.barrier barrier_id(%barrier3A_25)
    %mul3A_26 = arith.constant 625 : i32
    %mul3A_27 = arith.muli %arg1, %mul3A_26 : i32
    %multiple_of3A_28 = tpu.assume_multiple %mul3A_27, 1 : i32
    "tpu.region"() ({
      %run_scoped3A = tpu.sem_alloc : memref<!tpu.dma_semaphore, #tpu.memory_space<semaphore_mem>>
      %dma_start3A = arith.constant 0 : i32
      %dma_start3A_29 = tpu.memref_slice %arg5[%arg0, %multiple_of3A_28, %dma_start3A] : memref<2x10000x16xf32, #tpu.memory_space<hbm>> -> memref<1x625x16xf32, #tpu.memory_space<hbm>>
      %dma_start3A_30 = tpu.memref_squeeze %dma_start3A_29 : memref<1x625x16xf32, #tpu.memory_space<hbm>> -> memref<625x16xf32, #tpu.memory_space<hbm>>
      %dma_start3A_31 = arith.constant 0 : i32
      %dma_start3A_32 = tpu.memref_slice %arg11[%multiple_of3A_28, %dma_start3A_31] : memref<10240x16xf32, #tpu.memory_space<vmem_shared>> -> memref<625x16xf32, #tpu.memory_space<vmem_shared>>
      tpu.enqueue_dma source(%dma_start3A_32 : memref<625x16xf32, #tpu.memory_space<vmem_shared>>) target(%dma_start3A_30 : memref<625x16xf32, #tpu.memory_space<hbm>>) target_semaphore(%run_scoped3A : memref<!tpu.dma_semaphore, #tpu.memory_space<semaphore_mem>>)
      %dma_wait3A = arith.constant 0 : i32
      %dma_wait3A_33 = tpu.memref_slice %arg5[%arg0, %multiple_of3A_28, %dma_wait3A] : memref<2x10000x16xf32, #tpu.memory_space<hbm>> -> memref<1x625x16xf32, #tpu.memory_space<hbm>>
      %dma_wait3A_34 = tpu.memref_squeeze %dma_wait3A_33 : memref<1x625x16xf32, #tpu.memory_space<hbm>> -> memref<625x16xf32, #tpu.memory_space<hbm>>
      %dma_wait3A_35 = arith.constant 0 : i32
      %dma_wait3A_36 = tpu.memref_slice %arg11[%multiple_of3A_28, %dma_wait3A_35] : memref<10240x16xf32, #tpu.memory_space<vmem_shared>> -> memref<625x16xf32, #tpu.memory_space<vmem_shared>>
      tpu.wait_dma2 semaphore(%run_scoped3A : memref<!tpu.dma_semaphore, #tpu.memory_space<semaphore_mem>>) src(%dma_wait3A_36 : memref<625x16xf32, #tpu.memory_space<vmem_shared>>) dst(%dma_wait3A_34 : memref<625x16xf32, #tpu.memory_space<hbm>>)
      tpu.yield
    }) : () -> ()
    return
  }
}

#map = affine_map<(d0, d1) -> (0, 0)>
#map1 = affine_map<(d0, d1) -> (0, 0, 0)>
module attributes {stable_mosaic.version = 14 : i64} {
  func.func @body(%arg0: i32, %arg1: i32, %arg2: memref<10000x16xf32, #tpu.memory_space<hbm>>, %arg3: memref<160x2048xi32, #tpu.memory_space<hbm>>, %arg4: memref<160x2048xi32, #tpu.memory_space<hbm>>, %arg5: memref<2x10000x16xf32, #tpu.memory_space<hbm>>, %arg6: memref<2x10240xf32, #tpu.memory_space<hbm>>, %arg7: memref<9x2048xi32, #tpu.memory_space<vmem>>, %arg8: memref<9x2048xi32, #tpu.memory_space<vmem>>, %arg9: memref<2048x16xf32, #tpu.memory_space<vmem>>, %arg10: memref<2048x16xf32, #tpu.memory_space<vmem>>, %arg11: memref<128x16xf32, #tpu.memory_space<vmem>>, %arg12: memref<10240x16xf32, #tpu.memory_space<vmem_shared>>, %arg13: memref<!tpu.dma_semaphore, #tpu.memory_space<semaphore_mem>>, %arg14: memref<!tpu.dma_semaphore, #tpu.memory_space<semaphore_mem>>, %arg15: memref<2048xf32, #tpu.memory_space<vmem>>, %arg16: memref<640xf32, #tpu.memory_space<vmem>>, %arg17: memref<10240xf32, #tpu.memory_space<vmem_shared>>) attributes {dimension_semantics = [#tpu.dimension_semantics<core_parallel>, #tpu.dimension_semantics<subcore_parallel>], iteration_bounds = array<i64: 2, 16>, scalar_prefetch = 0 : i64, scratch_operands = 11 : i64, tpu.core_type = #tpu.core_type<sc_vector_subcore>, window_params = [{transform_indices = #map}, {transform_indices = #map}, {transform_indices = #map}, {transform_indices = #map1}, {transform_indices = #map}]} {
    %mul3A = arith.constant 16 : i32
    %mul3A_0 = arith.muli %arg0, %mul3A : i32
    %add3A = arith.addi %mul3A_0, %arg1 : i32
    %broadcast_in_dim3A = arith.constant 0.000000e+00 : f32
    %broadcast_in_dim3A_1 = vector.broadcast %broadcast_in_dim3A : f32 to vector<16xf32>
    %scan3A = arith.constant 0 : i32
    %scan3A_2 = arith.constant 0 : i32
    %scan3A_3 = arith.constant 128 : i32
    %scan3A_4 = arith.addi %scan3A_2, %scan3A_3 : i32
    %scan3A_5 = arith.constant 1 : i32
    scf.for %scan3A_43 = %scan3A_2 to %scan3A_4 step %scan3A_5  : i32 {
      %swap3A = arith.index_cast %scan3A_43 : i32 to index
      %swap3A_44 = arith.constant 0 : index
      %swap3A_45 = tpu.vector_load %arg11[%swap3A, %swap3A_44] {strides = array<i32>} : memref<128x16xf32, #tpu.memory_space<vmem>>, vector<1x16xf32>,
      %swap3A_46 = vector.shape_cast %swap3A_45 : vector<1x16xf32> to vector<16xf32>
      %swap3A_47 = vector.shape_cast %broadcast_in_dim3A_1 : vector<16xf32> to vector<1x16xf32>
      tpu.vector_store %arg11[%swap3A, %swap3A_44], %swap3A_47 {strides = array<i32>} : memref<128x16xf32, #tpu.memory_space<vmem>>, vector<1x16xf32>,
    }
    %scan3A_6 = arith.constant 128 : i32
    %mul3A_7 = arith.constant 640 : i32
    %mul3A_8 = arith.muli %arg1, %mul3A_7 : i32
    %multiple_of3A = tpu.assume_multiple %mul3A_8, 640 : i32
    %add3A_9 = arith.constant 0 : i32
    %add3A_10 = arith.addi %multiple_of3A, %add3A_9 : i32
    "tpu.region"() ({
      %run_scoped3A = tpu.sem_alloc : memref<!tpu.dma_semaphore, #tpu.memory_space<semaphore_mem>>
      %dma_start3A = arith.constant 0 : i32
      %dma_start3A_43 = tpu.memref_slice %arg12[%add3A_10, %dma_start3A] : memref<10240x16xf32, #tpu.memory_space<vmem_shared>> -> memref<128x16xf32, #tpu.memory_space<vmem_shared>>
      %dma_start3A_44 = arith.constant 0 : i32
      %dma_start3A_45 = tpu.memref_slice %arg12[%add3A_10, %dma_start3A_44] : memref<10240x16xf32, #tpu.memory_space<vmem_shared>> -> memref<128x16xf32, #tpu.memory_space<vmem_shared>>
      tpu.enqueue_dma source(%arg11 : memref<128x16xf32, #tpu.memory_space<vmem>>) target(%dma_start3A_45 : memref<128x16xf32, #tpu.memory_space<vmem_shared>>) target_semaphore(%run_scoped3A : memref<!tpu.dma_semaphore, #tpu.memory_space<semaphore_mem>>)
      %dma_wait3A = arith.constant 0 : i32
      %dma_wait3A_46 = tpu.memref_slice %arg12[%add3A_10, %dma_wait3A] : memref<10240x16xf32, #tpu.memory_space<vmem_shared>> -> memref<128x16xf32, #tpu.memory_space<vmem_shared>>
      %dma_wait3A_47 = arith.constant 0 : i32
      %dma_wait3A_48 = tpu.memref_slice %arg12[%add3A_10, %dma_wait3A_47] : memref<10240x16xf32, #tpu.memory_space<vmem_shared>> -> memref<128x16xf32, #tpu.memory_space<vmem_shared>>
      tpu.wait_dma2 semaphore(%run_scoped3A : memref<!tpu.dma_semaphore, #tpu.memory_space<semaphore_mem>>) src(%arg11 : memref<128x16xf32, #tpu.memory_space<vmem>>) dst(%dma_wait3A_48 : memref<128x16xf32, #tpu.memory_space<vmem_shared>>)
      tpu.yield
    }) : () -> ()
    %add3A_11 = arith.constant 128 : i32
    %add3A_12 = arith.addi %multiple_of3A, %add3A_11 : i32
    "tpu.region"() ({
      %run_scoped3A = tpu.sem_alloc : memref<!tpu.dma_semaphore, #tpu.memory_space<semaphore_mem>>
      %dma_start3A = arith.constant 0 : i32
      %dma_start3A_43 = tpu.memref_slice %arg12[%add3A_12, %dma_start3A] : memref<10240x16xf32, #tpu.memory_space<vmem_shared>> -> memref<128x16xf32, #tpu.memory_space<vmem_shared>>
      %dma_start3A_44 = arith.constant 0 : i32
      %dma_start3A_45 = tpu.memref_slice %arg12[%add3A_12, %dma_start3A_44] : memref<10240x16xf32, #tpu.memory_space<vmem_shared>> -> memref<128x16xf32, #tpu.memory_space<vmem_shared>>
      tpu.enqueue_dma source(%arg11 : memref<128x16xf32, #tpu.memory_space<vmem>>) target(%dma_start3A_45 : memref<128x16xf32, #tpu.memory_space<vmem_shared>>) target_semaphore(%run_scoped3A : memref<!tpu.dma_semaphore, #tpu.memory_space<semaphore_mem>>)
      %dma_wait3A = arith.constant 0 : i32
      %dma_wait3A_46 = tpu.memref_slice %arg12[%add3A_12, %dma_wait3A] : memref<10240x16xf32, #tpu.memory_space<vmem_shared>> -> memref<128x16xf32, #tpu.memory_space<vmem_shared>>
      %dma_wait3A_47 = arith.constant 0 : i32
      %dma_wait3A_48 = tpu.memref_slice %arg12[%add3A_12, %dma_wait3A_47] : memref<10240x16xf32, #tpu.memory_space<vmem_shared>> -> memref<128x16xf32, #tpu.memory_space<vmem_shared>>
      tpu.wait_dma2 semaphore(%run_scoped3A : memref<!tpu.dma_semaphore, #tpu.memory_space<semaphore_mem>>) src(%arg11 : memref<128x16xf32, #tpu.memory_space<vmem>>) dst(%dma_wait3A_48 : memref<128x16xf32, #tpu.memory_space<vmem_shared>>)
      tpu.yield
    }) : () -> ()
    %add3A_13 = arith.constant 256 : i32
    %add3A_14 = arith.addi %multiple_of3A, %add3A_13 : i32
    "tpu.region"() ({
      %run_scoped3A = tpu.sem_alloc : memref<!tpu.dma_semaphore, #tpu.memory_space<semaphore_mem>>
      %dma_start3A = arith.constant 0 : i32
      %dma_start3A_43 = tpu.memref_slice %arg12[%add3A_14, %dma_start3A] : memref<10240x16xf32, #tpu.memory_space<vmem_shared>> -> memref<128x16xf32, #tpu.memory_space<vmem_shared>>
      %dma_start3A_44 = arith.constant 0 : i32
      %dma_start3A_45 = tpu.memref_slice %arg12[%add3A_14, %dma_start3A_44] : memref<10240x16xf32, #tpu.memory_space<vmem_shared>> -> memref<128x16xf32, #tpu.memory_space<vmem_shared>>
      tpu.enqueue_dma source(%arg11 : memref<128x16xf32, #tpu.memory_space<vmem>>) target(%dma_start3A_45 : memref<128x16xf32, #tpu.memory_space<vmem_shared>>) target_semaphore(%run_scoped3A : memref<!tpu.dma_semaphore, #tpu.memory_space<semaphore_mem>>)
      %dma_wait3A = arith.constant 0 : i32
      %dma_wait3A_46 = tpu.memref_slice %arg12[%add3A_14, %dma_wait3A] : memref<10240x16xf32, #tpu.memory_space<vmem_shared>> -> memref<128x16xf32, #tpu.memory_space<vmem_shared>>
      %dma_wait3A_47 = arith.constant 0 : i32
      %dma_wait3A_48 = tpu.memref_slice %arg12[%add3A_14, %dma_wait3A_47] : memref<10240x16xf32, #tpu.memory_space<vmem_shared>> -> memref<128x16xf32, #tpu.memory_space<vmem_shared>>
      tpu.wait_dma2 semaphore(%run_scoped3A : memref<!tpu.dma_semaphore, #tpu.memory_space<semaphore_mem>>) src(%arg11 : memref<128x16xf32, #tpu.memory_space<vmem>>) dst(%dma_wait3A_48 : memref<128x16xf32, #tpu.memory_space<vmem_shared>>)
      tpu.yield
    }) : () -> ()
    %add3A_15 = arith.constant 384 : i32
    %add3A_16 = arith.addi %multiple_of3A, %add3A_15 : i32
    "tpu.region"() ({
      %run_scoped3A = tpu.sem_alloc : memref<!tpu.dma_semaphore, #tpu.memory_space<semaphore_mem>>
      %dma_start3A = arith.constant 0 : i32
      %dma_start3A_43 = tpu.memref_slice %arg12[%add3A_16, %dma_start3A] : memref<10240x16xf32, #tpu.memory_space<vmem_shared>> -> memref<128x16xf32, #tpu.memory_space<vmem_shared>>
      %dma_start3A_44 = arith.constant 0 : i32
      %dma_start3A_45 = tpu.memref_slice %arg12[%add3A_16, %dma_start3A_44] : memref<10240x16xf32, #tpu.memory_space<vmem_shared>> -> memref<128x16xf32, #tpu.memory_space<vmem_shared>>
      tpu.enqueue_dma source(%arg11 : memref<128x16xf32, #tpu.memory_space<vmem>>) target(%dma_start3A_45 : memref<128x16xf32, #tpu.memory_space<vmem_shared>>) target_semaphore(%run_scoped3A : memref<!tpu.dma_semaphore, #tpu.memory_space<semaphore_mem>>)
      %dma_wait3A = arith.constant 0 : i32
      %dma_wait3A_46 = tpu.memref_slice %arg12[%add3A_16, %dma_wait3A] : memref<10240x16xf32, #tpu.memory_space<vmem_shared>> -> memref<128x16xf32, #tpu.memory_space<vmem_shared>>
      %dma_wait3A_47 = arith.constant 0 : i32
      %dma_wait3A_48 = tpu.memref_slice %arg12[%add3A_16, %dma_wait3A_47] : memref<10240x16xf32, #tpu.memory_space<vmem_shared>> -> memref<128x16xf32, #tpu.memory_space<vmem_shared>>
      tpu.wait_dma2 semaphore(%run_scoped3A : memref<!tpu.dma_semaphore, #tpu.memory_space<semaphore_mem>>) src(%arg11 : memref<128x16xf32, #tpu.memory_space<vmem>>) dst(%dma_wait3A_48 : memref<128x16xf32, #tpu.memory_space<vmem_shared>>)
      tpu.yield
    }) : () -> ()
    %add3A_17 = arith.constant 512 : i32
    %add3A_18 = arith.addi %multiple_of3A, %add3A_17 : i32
    "tpu.region"() ({
      %run_scoped3A = tpu.sem_alloc : memref<!tpu.dma_semaphore, #tpu.memory_space<semaphore_mem>>
      %dma_start3A = arith.constant 0 : i32
      %dma_start3A_43 = tpu.memref_slice %arg12[%add3A_18, %dma_start3A] : memref<10240x16xf32, #tpu.memory_space<vmem_shared>> -> memref<128x16xf32, #tpu.memory_space<vmem_shared>>
      %dma_start3A_44 = arith.constant 0 : i32
      %dma_start3A_45 = tpu.memref_slice %arg12[%add3A_18, %dma_start3A_44] : memref<10240x16xf32, #tpu.memory_space<vmem_shared>> -> memref<128x16xf32, #tpu.memory_space<vmem_shared>>
      tpu.enqueue_dma source(%arg11 : memref<128x16xf32, #tpu.memory_space<vmem>>) target(%dma_start3A_45 : memref<128x16xf32, #tpu.memory_space<vmem_shared>>) target_semaphore(%run_scoped3A : memref<!tpu.dma_semaphore, #tpu.memory_space<semaphore_mem>>)
      %dma_wait3A = arith.constant 0 : i32
      %dma_wait3A_46 = tpu.memref_slice %arg12[%add3A_18, %dma_wait3A] : memref<10240x16xf32, #tpu.memory_space<vmem_shared>> -> memref<128x16xf32, #tpu.memory_space<vmem_shared>>
      %dma_wait3A_47 = arith.constant 0 : i32
      %dma_wait3A_48 = tpu.memref_slice %arg12[%add3A_18, %dma_wait3A_47] : memref<10240x16xf32, #tpu.memory_space<vmem_shared>> -> memref<128x16xf32, #tpu.memory_space<vmem_shared>>
      tpu.wait_dma2 semaphore(%run_scoped3A : memref<!tpu.dma_semaphore, #tpu.memory_space<semaphore_mem>>) src(%arg11 : memref<128x16xf32, #tpu.memory_space<vmem>>) dst(%dma_wait3A_48 : memref<128x16xf32, #tpu.memory_space<vmem_shared>>)
      tpu.yield
    }) : () -> ()
    %scan3A_19 = arith.constant 0 : i32
    %scan3A_20 = arith.constant 0 : i32
    %scan3A_21 = arith.constant 40 : i32
    %scan3A_22 = arith.addi %scan3A_20, %scan3A_21 : i32
    %scan3A_23 = arith.constant 1 : i32
    scf.for %scan3A_43 = %scan3A_20 to %scan3A_22 step %scan3A_23  : i32 {
      %mul3A_44 = arith.constant 16 : i32
      %mul3A_45 = arith.muli %scan3A_43, %mul3A_44 : i32
      %swap3A = arith.index_cast %mul3A_45 : i32 to index
      %swap3A_46 = tpu.vector_load %arg16[%swap3A] {strides = array<i32>} : memref<640xf32, #tpu.memory_space<vmem>>, vector<16xf32>,
      %swap3A_47 = vector.shape_cast %swap3A_46 : vector<16xf32> to vector<16xf32>
      %swap3A_48 = vector.shape_cast %broadcast_in_dim3A_1 : vector<16xf32> to vector<16xf32>
      tpu.vector_store %arg16[%swap3A], %swap3A_48 {strides = array<i32>} : memref<640xf32, #tpu.memory_space<vmem>>, vector<16xf32>,
    }
    %scan3A_24 = arith.constant 40 : i32
    %broadcast_in_dim3A_25 = arith.constant 1.000000e+00 : f32
    %broadcast_in_dim3A_26 = vector.broadcast %broadcast_in_dim3A_25 : f32 to vector<16xf32>
    %scan3A_27 = arith.constant 0 : i32
    %scan3A_28 = arith.constant 0 : i32
    %scan3A_29 = arith.constant 128 : i32
    %scan3A_30 = arith.addi %scan3A_28, %scan3A_29 : i32
    %scan3A_31 = arith.constant 1 : i32
    scf.for %scan3A_43 = %scan3A_28 to %scan3A_30 step %scan3A_31  : i32 {
      %mul3A_44 = arith.constant 16 : i32
      %mul3A_45 = arith.muli %scan3A_43, %mul3A_44 : i32
      %swap3A = arith.index_cast %mul3A_45 : i32 to index
      %swap3A_46 = tpu.vector_load %arg15[%swap3A] {strides = array<i32>} : memref<2048xf32, #tpu.memory_space<vmem>>, vector<16xf32>,
      %swap3A_47 = vector.shape_cast %swap3A_46 : vector<16xf32> to vector<16xf32>
      %swap3A_48 = vector.shape_cast %broadcast_in_dim3A_26 : vector<16xf32> to vector<16xf32>
      tpu.vector_store %arg15[%swap3A], %swap3A_48 {strides = array<i32>} : memref<2048xf32, #tpu.memory_space<vmem>>, vector<16xf32>,
    }
    %scan3A_32 = arith.constant 128 : i32
    "tpu.region"() ({
      %run_scoped3A = tpu.sem_alloc : memref<!tpu.dma_semaphore, #tpu.memory_space<semaphore_mem>>
      %dma_start3A = tpu.memref_slice %arg17[%multiple_of3A] : memref<10240xf32, #tpu.memory_space<vmem_shared>> -> memref<640xf32, #tpu.memory_space<vmem_shared>>
      %dma_start3A_43 = tpu.memref_slice %arg17[%multiple_of3A] : memref<10240xf32, #tpu.memory_space<vmem_shared>> -> memref<640xf32, #tpu.memory_space<vmem_shared>>
      tpu.enqueue_dma source(%arg16 : memref<640xf32, #tpu.memory_space<vmem>>) target(%dma_start3A_43 : memref<640xf32, #tpu.memory_space<vmem_shared>>) target_semaphore(%run_scoped3A : memref<!tpu.dma_semaphore, #tpu.memory_space<semaphore_mem>>)
      %dma_wait3A = tpu.memref_slice %arg17[%multiple_of3A] : memref<10240xf32, #tpu.memory_space<vmem_shared>> -> memref<640xf32, #tpu.memory_space<vmem_shared>>
      %dma_wait3A_44 = tpu.memref_slice %arg17[%multiple_of3A] : memref<10240xf32, #tpu.memory_space<vmem_shared>> -> memref<640xf32, #tpu.memory_space<vmem_shared>>
      tpu.wait_dma2 semaphore(%run_scoped3A : memref<!tpu.dma_semaphore, #tpu.memory_space<semaphore_mem>>) src(%arg16 : memref<640xf32, #tpu.memory_space<vmem>>) dst(%dma_wait3A_44 : memref<640xf32, #tpu.memory_space<vmem_shared>>)
      tpu.yield
    }) : () -> ()
    %barrier3A = arith.constant 0 : index
    tpu.barrier barrier_id(%barrier3A)
    %eq3A = arith.constant 0 : i32
    %eq3A_33 = arith.cmpi eq, %arg0, %eq3A : i32
    %convert_element_type3A = arith.extui %eq3A_33 : i1 to i32
    %cond3A = arith.constant 0 : i32
    %cond3A_34 = arith.cmpi ne, %convert_element_type3A, %cond3A : i32
    scf.if %cond3A_34 {
      %mul3A_43 = arith.constant 9 : i32
      %mul3A_44 = arith.muli %arg1, %mul3A_43 : i32
      %multiple_of3A_45 = tpu.assume_multiple %mul3A_44, 1 : i32
      "tpu.region"() ({
        %run_scoped3A = tpu.sem_alloc : memref<!tpu.dma_semaphore, #tpu.memory_space<semaphore_mem>>
        %dma_start3A_404 = arith.constant 0 : i32
        %dma_start3A_405 = arith.constant 0 : i32
        %dma_start3A_406 = tpu.memref_slice %arg7[%dma_start3A_404, %dma_start3A_405] : memref<9x2048xi32, #tpu.memory_space<vmem>> -> memref<9x2048xi32, #tpu.memory_space<vmem>>
        %dma_start3A_407 = arith.constant 0 : i32
        %dma_start3A_408 = tpu.memref_slice %arg3[%multiple_of3A_45, %dma_start3A_407] : memref<160x2048xi32, #tpu.memory_space<hbm>> -> memref<9x2048xi32, #tpu.memory_space<hbm>>
        %dma_start3A_409 = arith.constant 0 : i32
        %dma_start3A_410 = arith.constant 0 : i32
        %dma_start3A_411 = tpu.memref_slice %arg7[%dma_start3A_409, %dma_start3A_410] : memref<9x2048xi32, #tpu.memory_space<vmem>> -> memref<9x2048xi32, #tpu.memory_space<vmem>>
        %dma_start3A_412 = arith.constant 0 : i32
        %dma_start3A_413 = tpu.memref_slice %arg3[%multiple_of3A_45, %dma_start3A_412] : memref<160x2048xi32, #tpu.memory_space<hbm>> -> memref<9x2048xi32, #tpu.memory_space<hbm>>
        tpu.enqueue_dma source(%dma_start3A_413 : memref<9x2048xi32, #tpu.memory_space<hbm>>) target(%dma_start3A_411 : memref<9x2048xi32, #tpu.memory_space<vmem>>) target_semaphore(%run_scoped3A : memref<!tpu.dma_semaphore, #tpu.memory_space<semaphore_mem>>)
        %dma_wait3A_414 = arith.constant 0 : i32
        %dma_wait3A_415 = arith.constant 0 : i32
        %dma_wait3A_416 = tpu.memref_slice %arg7[%dma_wait3A_414, %dma_wait3A_415] : memref<9x2048xi32, #tpu.memory_space<vmem>> -> memref<9x2048xi32, #tpu.memory_space<vmem>>
        %dma_wait3A_417 = arith.constant 0 : i32
        %dma_wait3A_418 = tpu.memref_slice %arg3[%multiple_of3A_45, %dma_wait3A_417] : memref<160x2048xi32, #tpu.memory_space<hbm>> -> memref<9x2048xi32, #tpu.memory_space<hbm>>
        %dma_wait3A_419 = arith.constant 0 : i32
        %dma_wait3A_420 = arith.constant 0 : i32
        %dma_wait3A_421 = tpu.memref_slice %arg7[%dma_wait3A_419, %dma_wait3A_420] : memref<9x2048xi32, #tpu.memory_space<vmem>> -> memref<9x2048xi32, #tpu.memory_space<vmem>>
        %dma_wait3A_422 = arith.constant 0 : i32
        %dma_wait3A_423 = tpu.memref_slice %arg3[%multiple_of3A_45, %dma_wait3A_422] : memref<160x2048xi32, #tpu.memory_space<hbm>> -> memref<9x2048xi32, #tpu.memory_space<hbm>>
        tpu.wait_dma2 semaphore(%run_scoped3A : memref<!tpu.dma_semaphore, #tpu.memory_space<semaphore_mem>>) src(%dma_wait3A_423 : memref<9x2048xi32, #tpu.memory_space<hbm>>) dst(%dma_wait3A_421 : memref<9x2048xi32, #tpu.memory_space<vmem>>)
        tpu.yield
      }) : () -> ()
      "tpu.region"() ({
        %run_scoped3A = tpu.sem_alloc : memref<!tpu.dma_semaphore, #tpu.memory_space<semaphore_mem>>
        %dma_start3A_404 = arith.constant 0 : i32
        %dma_start3A_405 = arith.constant 0 : i32
        %dma_start3A_406 = tpu.memref_slice %arg8[%dma_start3A_404, %dma_start3A_405] : memref<9x2048xi32, #tpu.memory_space<vmem>> -> memref<9x2048xi32, #tpu.memory_space<vmem>>
        %dma_start3A_407 = arith.constant 0 : i32
        %dma_start3A_408 = tpu.memref_slice %arg4[%multiple_of3A_45, %dma_start3A_407] : memref<160x2048xi32, #tpu.memory_space<hbm>> -> memref<9x2048xi32, #tpu.memory_space<hbm>>
        %dma_start3A_409 = arith.constant 0 : i32
        %dma_start3A_410 = arith.constant 0 : i32
        %dma_start3A_411 = tpu.memref_slice %arg8[%dma_start3A_409, %dma_start3A_410] : memref<9x2048xi32, #tpu.memory_space<vmem>> -> memref<9x2048xi32, #tpu.memory_space<vmem>>
        %dma_start3A_412 = arith.constant 0 : i32
        %dma_start3A_413 = tpu.memref_slice %arg4[%multiple_of3A_45, %dma_start3A_412] : memref<160x2048xi32, #tpu.memory_space<hbm>> -> memref<9x2048xi32, #tpu.memory_space<hbm>>
        tpu.enqueue_dma source(%dma_start3A_413 : memref<9x2048xi32, #tpu.memory_space<hbm>>) target(%dma_start3A_411 : memref<9x2048xi32, #tpu.memory_space<vmem>>) target_semaphore(%run_scoped3A : memref<!tpu.dma_semaphore, #tpu.memory_space<semaphore_mem>>)
        %dma_wait3A_414 = arith.constant 0 : i32
        %dma_wait3A_415 = arith.constant 0 : i32
        %dma_wait3A_416 = tpu.memref_slice %arg8[%dma_wait3A_414, %dma_wait3A_415] : memref<9x2048xi32, #tpu.memory_space<vmem>> -> memref<9x2048xi32, #tpu.memory_space<vmem>>
        %dma_wait3A_417 = arith.constant 0 : i32
        %dma_wait3A_418 = tpu.memref_slice %arg4[%multiple_of3A_45, %dma_wait3A_417] : memref<160x2048xi32, #tpu.memory_space<hbm>> -> memref<9x2048xi32, #tpu.memory_space<hbm>>
        %dma_wait3A_419 = arith.constant 0 : i32
        %dma_wait3A_420 = arith.constant 0 : i32
        %dma_wait3A_421 = tpu.memref_slice %arg8[%dma_wait3A_419, %dma_wait3A_420] : memref<9x2048xi32, #tpu.memory_space<vmem>> -> memref<9x2048xi32, #tpu.memory_space<vmem>>
        %dma_wait3A_422 = arith.constant 0 : i32
        %dma_wait3A_423 = tpu.memref_slice %arg4[%multiple_of3A_45, %dma_wait3A_422] : memref<160x2048xi32, #tpu.memory_space<hbm>> -> memref<9x2048xi32, #tpu.memory_space<hbm>>
        tpu.wait_dma2 semaphore(%run_scoped3A : memref<!tpu.dma_semaphore, #tpu.memory_space<semaphore_mem>>) src(%dma_wait3A_423 : memref<9x2048xi32, #tpu.memory_space<hbm>>) dst(%dma_wait3A_421 : memref<9x2048xi32, #tpu.memory_space<vmem>>)
        tpu.yield
      }) : () -> ()
      %dma_start3A = arith.constant 0 : i32
      %dma_start3A_46 = arith.constant 0 : i32
      %dma_start3A_47 = tpu.memref_slice %arg7[%dma_start3A, %dma_start3A_46] : memref<9x2048xi32, #tpu.memory_space<vmem>> -> memref<1x2048xi32, #tpu.memory_space<vmem>>
      %dma_start3A_48 = tpu.memref_squeeze %dma_start3A_47 : memref<1x2048xi32, #tpu.memory_space<vmem>> -> memref<2048xi32, #tpu.memory_space<vmem>>
      %dma_start3A_49 = arith.constant 0 : i32
      %dma_start3A_50 = arith.constant 0 : i32
      %dma_start3A_51 = tpu.memref_slice %arg2[%dma_start3A_49, %dma_start3A_50] : memref<10000x16xf32, #tpu.memory_space<hbm>> -> memref<10000x16xf32, #tpu.memory_space<hbm>>
      tpu.enqueue_indirect_dma source(%dma_start3A_51 : memref<10000x16xf32, #tpu.memory_space<hbm>>) target(%arg9 : memref<2048x16xf32, #tpu.memory_space<vmem>>) offsets(%dma_start3A_48 : memref<2048xi32, #tpu.memory_space<vmem>>) semaphore(%arg13 : memref<!tpu.dma_semaphore, #tpu.memory_space<semaphore_mem>>)
      %dma_wait3A = arith.constant 0 : i32
      %dma_wait3A_52 = arith.constant 0 : i32
      %dma_wait3A_53 = tpu.memref_slice %arg7[%dma_wait3A, %dma_wait3A_52] : memref<9x2048xi32, #tpu.memory_space<vmem>> -> memref<1x2048xi32, #tpu.memory_space<vmem>>
      %dma_wait3A_54 = tpu.memref_squeeze %dma_wait3A_53 : memref<1x2048xi32, #tpu.memory_space<vmem>> -> memref<2048xi32, #tpu.memory_space<vmem>>
      %dma_wait3A_55 = arith.constant 0 : i32
      %dma_wait3A_56 = arith.constant 0 : i32
      %dma_wait3A_57 = tpu.memref_slice %arg2[%dma_wait3A_55, %dma_wait3A_56] : memref<10000x16xf32, #tpu.memory_space<hbm>> -> memref<10000x16xf32, #tpu.memory_space<hbm>>
      tpu.wait_indirect_dma semaphore(%arg13 : memref<!tpu.dma_semaphore, #tpu.memory_space<semaphore_mem>>) src(%dma_wait3A_57 : memref<10000x16xf32, #tpu.memory_space<hbm>>) dst(%arg9 : memref<2048x16xf32, #tpu.memory_space<vmem>>)
      %dma_start3A_58 = arith.constant 1 : i32
      %dma_start3A_59 = arith.constant 0 : i32
      %dma_start3A_60 = tpu.memref_slice %arg7[%dma_start3A_58, %dma_start3A_59] : memref<9x2048xi32, #tpu.memory_space<vmem>> -> memref<1x2048xi32, #tpu.memory_space<vmem>>
      %dma_start3A_61 = tpu.memref_squeeze %dma_start3A_60 : memref<1x2048xi32, #tpu.memory_space<vmem>> -> memref<2048xi32, #tpu.memory_space<vmem>>
      %dma_start3A_62 = arith.constant 0 : i32
      %dma_start3A_63 = arith.constant 0 : i32
      %dma_start3A_64 = tpu.memref_slice %arg2[%dma_start3A_62, %dma_start3A_63] : memref<10000x16xf32, #tpu.memory_space<hbm>> -> memref<10000x16xf32, #tpu.memory_space<hbm>>
      tpu.enqueue_indirect_dma source(%dma_start3A_64 : memref<10000x16xf32, #tpu.memory_space<hbm>>) target(%arg10 : memref<2048x16xf32, #tpu.memory_space<vmem>>) offsets(%dma_start3A_61 : memref<2048xi32, #tpu.memory_space<vmem>>) semaphore(%arg13 : memref<!tpu.dma_semaphore, #tpu.memory_space<semaphore_mem>>)
      %dma_start3A_65 = arith.constant 0 : i32
      %dma_start3A_66 = arith.constant 0 : i32
      %dma_start3A_67 = tpu.memref_slice %arg8[%dma_start3A_65, %dma_start3A_66] : memref<9x2048xi32, #tpu.memory_space<vmem>> -> memref<1x2048xi32, #tpu.memory_space<vmem>>
      %dma_start3A_68 = tpu.memref_squeeze %dma_start3A_67 : memref<1x2048xi32, #tpu.memory_space<vmem>> -> memref<2048xi32, #tpu.memory_space<vmem>>
      %dma_start3A_69 = arith.constant 0 : i32
      %dma_start3A_70 = arith.constant 0 : i32
      %dma_start3A_71 = tpu.memref_slice %arg12[%dma_start3A_69, %dma_start3A_70] : memref<10240x16xf32, #tpu.memory_space<vmem_shared>> -> memref<10240x16xf32, #tpu.memory_space<vmem_shared>>
      tpu.enqueue_indirect_dma source(%arg9 : memref<2048x16xf32, #tpu.memory_space<vmem>>) target(%dma_start3A_71 : memref<10240x16xf32, #tpu.memory_space<vmem_shared>>) offsets(%dma_start3A_68 : memref<2048xi32, #tpu.memory_space<vmem>>) semaphore(%arg14 : memref<!tpu.dma_semaphore, #tpu.memory_space<semaphore_mem>>) {add = true}
      %dma_start3A_72 = arith.constant 0 : i32
      %dma_start3A_73 = arith.constant 0 : i32
      %dma_start3A_74 = tpu.memref_slice %arg8[%dma_start3A_72, %dma_start3A_73] : memref<9x2048xi32, #tpu.memory_space<vmem>> -> memref<1x2048xi32, #tpu.memory_space<vmem>>
      %dma_start3A_75 = tpu.memref_squeeze %dma_start3A_74 : memref<1x2048xi32, #tpu.memory_space<vmem>> -> memref<2048xi32, #tpu.memory_space<vmem>>
      %dma_start3A_76 = arith.constant 0 : i32
      %dma_start3A_77 = tpu.memref_slice %arg17[%dma_start3A_76] : memref<10240xf32, #tpu.memory_space<vmem_shared>> -> memref<10240xf32, #tpu.memory_space<vmem_shared>>
      tpu.enqueue_indirect_dma source(%arg15 : memref<2048xf32, #tpu.memory_space<vmem>>) target(%dma_start3A_77 : memref<10240xf32, #tpu.memory_space<vmem_shared>>) offsets(%dma_start3A_75 : memref<2048xi32, #tpu.memory_space<vmem>>) semaphore(%arg14 : memref<!tpu.dma_semaphore, #tpu.memory_space<semaphore_mem>>) {add = true}
      %dma_wait3A_78 = arith.constant 1 : i32
      %dma_wait3A_79 = arith.constant 0 : i32
      %dma_wait3A_80 = tpu.memref_slice %arg7[%dma_wait3A_78, %dma_wait3A_79] : memref<9x2048xi32, #tpu.memory_space<vmem>> -> memref<1x2048xi32, #tpu.memory_space<vmem>>
      %dma_wait3A_81 = tpu.memref_squeeze %dma_wait3A_80 : memref<1x2048xi32, #tpu.memory_space<vmem>> -> memref<2048xi32, #tpu.memory_space<vmem>>
      %dma_wait3A_82 = arith.constant 0 : i32
      %dma_wait3A_83 = arith.constant 0 : i32
      %dma_wait3A_84 = tpu.memref_slice %arg2[%dma_wait3A_82, %dma_wait3A_83] : memref<10000x16xf32, #tpu.memory_space<hbm>> -> memref<10000x16xf32, #tpu.memory_space<hbm>>
      tpu.wait_indirect_dma semaphore(%arg13 : memref<!tpu.dma_semaphore, #tpu.memory_space<semaphore_mem>>) src(%dma_wait3A_84 : memref<10000x16xf32, #tpu.memory_space<hbm>>) dst(%arg10 : memref<2048x16xf32, #tpu.memory_space<vmem>>)
      %dma_wait3A_85 = arith.constant 0 : i32
      %dma_wait3A_86 = arith.constant 0 : i32
      %dma_wait3A_87 = tpu.memref_slice %arg8[%dma_wait3A_85, %dma_wait3A_86] : memref<9x2048xi32, #tpu.memory_space<vmem>> -> memref<1x2048xi32, #tpu.memory_space<vmem>>
      %dma_wait3A_88 = tpu.memref_squeeze %dma_wait3A_87 : memref<1x2048xi32, #tpu.memory_space<vmem>> -> memref<2048xi32, #tpu.memory_space<vmem>>
      %dma_wait3A_89 = arith.constant 0 : i32
      %dma_wait3A_90 = arith.constant 0 : i32
      %dma_wait3A_91 = tpu.memref_slice %arg12[%dma_wait3A_89, %dma_wait3A_90] : memref<10240x16xf32, #tpu.memory_space<vmem_shared>> -> memref<10240x16xf32, #tpu.memory_space<vmem_shared>>
      tpu.wait_indirect_dma semaphore(%arg14 : memref<!tpu.dma_semaphore, #tpu.memory_space<semaphore_mem>>) src(%arg9 : memref<2048x16xf32, #tpu.memory_space<vmem>>) dst(%dma_wait3A_91 : memref<10240x16xf32, #tpu.memory_space<vmem_shared>>)
      %dma_wait3A_92 = arith.constant 0 : i32
      %dma_wait3A_93 = arith.constant 0 : i32
      %dma_wait3A_94 = tpu.memref_slice %arg8[%dma_wait3A_92, %dma_wait3A_93] : memref<9x2048xi32, #tpu.memory_space<vmem>> -> memref<1x2048xi32, #tpu.memory_space<vmem>>
      %dma_wait3A_95 = tpu.memref_squeeze %dma_wait3A_94 : memref<1x2048xi32, #tpu.memory_space<vmem>> -> memref<2048xi32, #tpu.memory_space<vmem>>
      %dma_wait3A_96 = arith.constant 0 : i32
      %dma_wait3A_97 = tpu.memref_slice %arg17[%dma_wait3A_96] : memref<10240xf32, #tpu.memory_space<vmem_shared>> -> memref<10240xf32, #tpu.memory_space<vmem_shared>>
      tpu.wait_indirect_dma semaphore(%arg14 : memref<!tpu.dma_semaphore, #tpu.memory_space<semaphore_mem>>) src(%arg15 : memref<2048xf32, #tpu.memory_space<vmem>>) dst(%dma_wait3A_97 : memref<10240xf32, #tpu.memory_space<vmem_shared>>)
      %dma_start3A_98 = arith.constant 2 : i32
      %dma_start3A_99 = arith.constant 0 : i32
      %dma_start3A_100 = tpu.memref_slice %arg7[%dma_start3A_98, %dma_start3A_99] : memref<9x2048xi32, #tpu.memory_space<vmem>> -> memref<1x2048xi32, #tpu.memory_space<vmem>>
      %dma_start3A_101 = tpu.memref_squeeze %dma_start3A_100 : memref<1x2048xi32, #tpu.memory_space<vmem>> -> memref<2048xi32, #tpu.memory_space<vmem>>
      %dma_start3A_102 = arith.constant 0 : i32
      %dma_start3A_103 = arith.constant 0 : i32
      %dma_start3A_104 = tpu.memref_slice %arg2[%dma_start3A_102, %dma_start3A_103] : memref<10000x16xf32, #tpu.memory_space<hbm>> -> memref<10000x16xf32, #tpu.memory_space<hbm>>
      tpu.enqueue_indirect_dma source(%dma_start3A_104 : memref<10000x16xf32, #tpu.memory_space<hbm>>) target(%arg9 : memref<2048x16xf32, #tpu.memory_space<vmem>>) offsets(%dma_start3A_101 : memref<2048xi32, #tpu.memory_space<vmem>>) semaphore(%arg13 : memref<!tpu.dma_semaphore, #tpu.memory_space<semaphore_mem>>)
      %dma_start3A_105 = arith.constant 1 : i32
      %dma_start3A_106 = arith.constant 0 : i32
      %dma_start3A_107 = tpu.memref_slice %arg8[%dma_start3A_105, %dma_start3A_106] : memref<9x2048xi32, #tpu.memory_space<vmem>> -> memref<1x2048xi32, #tpu.memory_space<vmem>>
      %dma_start3A_108 = tpu.memref_squeeze %dma_start3A_107 : memref<1x2048xi32, #tpu.memory_space<vmem>> -> memref<2048xi32, #tpu.memory_space<vmem>>
      %dma_start3A_109 = arith.constant 0 : i32
      %dma_start3A_110 = arith.constant 0 : i32
      %dma_start3A_111 = tpu.memref_slice %arg12[%dma_start3A_109, %dma_start3A_110] : memref<10240x16xf32, #tpu.memory_space<vmem_shared>> -> memref<10240x16xf32, #tpu.memory_space<vmem_shared>>
      tpu.enqueue_indirect_dma source(%arg10 : memref<2048x16xf32, #tpu.memory_space<vmem>>) target(%dma_start3A_111 : memref<10240x16xf32, #tpu.memory_space<vmem_shared>>) offsets(%dma_start3A_108 : memref<2048xi32, #tpu.memory_space<vmem>>) semaphore(%arg14 : memref<!tpu.dma_semaphore, #tpu.memory_space<semaphore_mem>>) {add = true}
      %dma_start3A_112 = arith.constant 1 : i32
      %dma_start3A_113 = arith.constant 0 : i32
      %dma_start3A_114 = tpu.memref_slice %arg8[%dma_start3A_112, %dma_start3A_113] : memref<9x2048xi32, #tpu.memory_space<vmem>> -> memref<1x2048xi32, #tpu.memory_space<vmem>>
      %dma_start3A_115 = tpu.memref_squeeze %dma_start3A_114 : memref<1x2048xi32, #tpu.memory_space<vmem>> -> memref<2048xi32, #tpu.memory_space<vmem>>
      %dma_start3A_116 = arith.constant 0 : i32
      %dma_start3A_117 = tpu.memref_slice %arg17[%dma_start3A_116] : memref<10240xf32, #tpu.memory_space<vmem_shared>> -> memref<10240xf32, #tpu.memory_space<vmem_shared>>
      tpu.enqueue_indirect_dma source(%arg15 : memref<2048xf32, #tpu.memory_space<vmem>>) target(%dma_start3A_117 : memref<10240xf32, #tpu.memory_space<vmem_shared>>) offsets(%dma_start3A_115 : memref<2048xi32, #tpu.memory_space<vmem>>) semaphore(%arg14 : memref<!tpu.dma_semaphore, #tpu.memory_space<semaphore_mem>>) {add = true}
      %dma_wait3A_118 = arith.constant 2 : i32
      %dma_wait3A_119 = arith.constant 0 : i32
      %dma_wait3A_120 = tpu.memref_slice %arg7[%dma_wait3A_118, %dma_wait3A_119] : memref<9x2048xi32, #tpu.memory_space<vmem>> -> memref<1x2048xi32, #tpu.memory_space<vmem>>
      %dma_wait3A_121 = tpu.memref_squeeze %dma_wait3A_120 : memref<1x2048xi32, #tpu.memory_space<vmem>> -> memref<2048xi32, #tpu.memory_space<vmem>>
      %dma_wait3A_122 = arith.constant 0 : i32
      %dma_wait3A_123 = arith.constant 0 : i32
      %dma_wait3A_124 = tpu.memref_slice %arg2[%dma_wait3A_122, %dma_wait3A_123] : memref<10000x16xf32, #tpu.memory_space<hbm>> -> memref<10000x16xf32, #tpu.memory_space<hbm>>
      tpu.wait_indirect_dma semaphore(%arg13 : memref<!tpu.dma_semaphore, #tpu.memory_space<semaphore_mem>>) src(%dma_wait3A_124 : memref<10000x16xf32, #tpu.memory_space<hbm>>) dst(%arg9 : memref<2048x16xf32, #tpu.memory_space<vmem>>)
      %dma_wait3A_125 = arith.constant 1 : i32
      %dma_wait3A_126 = arith.constant 0 : i32
      %dma_wait3A_127 = tpu.memref_slice %arg8[%dma_wait3A_125, %dma_wait3A_126] : memref<9x2048xi32, #tpu.memory_space<vmem>> -> memref<1x2048xi32, #tpu.memory_space<vmem>>
      %dma_wait3A_128 = tpu.memref_squeeze %dma_wait3A_127 : memref<1x2048xi32, #tpu.memory_space<vmem>> -> memref<2048xi32, #tpu.memory_space<vmem>>
      %dma_wait3A_129 = arith.constant 0 : i32
      %dma_wait3A_130 = arith.constant 0 : i32
      %dma_wait3A_131 = tpu.memref_slice %arg12[%dma_wait3A_129, %dma_wait3A_130] : memref<10240x16xf32, #tpu.memory_space<vmem_shared>> -> memref<10240x16xf32, #tpu.memory_space<vmem_shared>>
      tpu.wait_indirect_dma semaphore(%arg14 : memref<!tpu.dma_semaphore, #tpu.memory_space<semaphore_mem>>) src(%arg10 : memref<2048x16xf32, #tpu.memory_space<vmem>>) dst(%dma_wait3A_131 : memref<10240x16xf32, #tpu.memory_space<vmem_shared>>)
      %dma_wait3A_132 = arith.constant 1 : i32
      %dma_wait3A_133 = arith.constant 0 : i32
      %dma_wait3A_134 = tpu.memref_slice %arg8[%dma_wait3A_132, %dma_wait3A_133] : memref<9x2048xi32, #tpu.memory_space<vmem>> -> memref<1x2048xi32, #tpu.memory_space<vmem>>
      %dma_wait3A_135 = tpu.memref_squeeze %dma_wait3A_134 : memref<1x2048xi32, #tpu.memory_space<vmem>> -> memref<2048xi32, #tpu.memory_space<vmem>>
      %dma_wait3A_136 = arith.constant 0 : i32
      %dma_wait3A_137 = tpu.memref_slice %arg17[%dma_wait3A_136] : memref<10240xf32, #tpu.memory_space<vmem_shared>> -> memref<10240xf32, #tpu.memory_space<vmem_shared>>
      tpu.wait_indirect_dma semaphore(%arg14 : memref<!tpu.dma_semaphore, #tpu.memory_space<semaphore_mem>>) src(%arg15 : memref<2048xf32, #tpu.memory_space<vmem>>) dst(%dma_wait3A_137 : memref<10240xf32, #tpu.memory_space<vmem_shared>>)
      %dma_start3A_138 = arith.constant 3 : i32
      %dma_start3A_139 = arith.constant 0 : i32
      %dma_start3A_140 = tpu.memref_slice %arg7[%dma_start3A_138, %dma_start3A_139] : memref<9x2048xi32, #tpu.memory_space<vmem>> -> memref<1x2048xi32, #tpu.memory_space<vmem>>
      %dma_start3A_141 = tpu.memref_squeeze %dma_start3A_140 : memref<1x2048xi32, #tpu.memory_space<vmem>> -> memref<2048xi32, #tpu.memory_space<vmem>>
      %dma_start3A_142 = arith.constant 0 : i32
      %dma_start3A_143 = arith.constant 0 : i32
      %dma_start3A_144 = tpu.memref_slice %arg2[%dma_start3A_142, %dma_start3A_143] : memref<10000x16xf32, #tpu.memory_space<hbm>> -> memref<10000x16xf32, #tpu.memory_space<hbm>>
      tpu.enqueue_indirect_dma source(%dma_start3A_144 : memref<10000x16xf32, #tpu.memory_space<hbm>>) target(%arg10 : memref<2048x16xf32, #tpu.memory_space<vmem>>) offsets(%dma_start3A_141 : memref<2048xi32, #tpu.memory_space<vmem>>) semaphore(%arg13 : memref<!tpu.dma_semaphore, #tpu.memory_space<semaphore_mem>>)
      %dma_start3A_145 = arith.constant 2 : i32
      %dma_start3A_146 = arith.constant 0 : i32
      %dma_start3A_147 = tpu.memref_slice %arg8[%dma_start3A_145, %dma_start3A_146] : memref<9x2048xi32, #tpu.memory_space<vmem>> -> memref<1x2048xi32, #tpu.memory_space<vmem>>
      %dma_start3A_148 = tpu.memref_squeeze %dma_start3A_147 : memref<1x2048xi32, #tpu.memory_space<vmem>> -> memref<2048xi32, #tpu.memory_space<vmem>>
      %dma_start3A_149 = arith.constant 0 : i32
      %dma_start3A_150 = arith.constant 0 : i32
      %dma_start3A_151 = tpu.memref_slice %arg12[%dma_start3A_149, %dma_start3A_150] : memref<10240x16xf32, #tpu.memory_space<vmem_shared>> -> memref<10240x16xf32, #tpu.memory_space<vmem_shared>>
      tpu.enqueue_indirect_dma source(%arg9 : memref<2048x16xf32, #tpu.memory_space<vmem>>) target(%dma_start3A_151 : memref<10240x16xf32, #tpu.memory_space<vmem_shared>>) offsets(%dma_start3A_148 : memref<2048xi32, #tpu.memory_space<vmem>>) semaphore(%arg14 : memref<!tpu.dma_semaphore, #tpu.memory_space<semaphore_mem>>) {add = true}
      %dma_start3A_152 = arith.constant 2 : i32
      %dma_start3A_153 = arith.constant 0 : i32
      %dma_start3A_154 = tpu.memref_slice %arg8[%dma_start3A_152, %dma_start3A_153] : memref<9x2048xi32, #tpu.memory_space<vmem>> -> memref<1x2048xi32, #tpu.memory_space<vmem>>
      %dma_start3A_155 = tpu.memref_squeeze %dma_start3A_154 : memref<1x2048xi32, #tpu.memory_space<vmem>> -> memref<2048xi32, #tpu.memory_space<vmem>>
      %dma_start3A_156 = arith.constant 0 : i32
      %dma_start3A_157 = tpu.memref_slice %arg17[%dma_start3A_156] : memref<10240xf32, #tpu.memory_space<vmem_shared>> -> memref<10240xf32, #tpu.memory_space<vmem_shared>>
      tpu.enqueue_indirect_dma source(%arg15 : memref<2048xf32, #tpu.memory_space<vmem>>) target(%dma_start3A_157 : memref<10240xf32, #tpu.memory_space<vmem_shared>>) offsets(%dma_start3A_155 : memref<2048xi32, #tpu.memory_space<vmem>>) semaphore(%arg14 : memref<!tpu.dma_semaphore, #tpu.memory_space<semaphore_mem>>) {add = true}
      %dma_wait3A_158 = arith.constant 3 : i32
      %dma_wait3A_159 = arith.constant 0 : i32
      %dma_wait3A_160 = tpu.memref_slice %arg7[%dma_wait3A_158, %dma_wait3A_159] : memref<9x2048xi32, #tpu.memory_space<vmem>> -> memref<1x2048xi32, #tpu.memory_space<vmem>>
      %dma_wait3A_161 = tpu.memref_squeeze %dma_wait3A_160 : memref<1x2048xi32, #tpu.memory_space<vmem>> -> memref<2048xi32, #tpu.memory_space<vmem>>
      %dma_wait3A_162 = arith.constant 0 : i32
      %dma_wait3A_163 = arith.constant 0 : i32
      %dma_wait3A_164 = tpu.memref_slice %arg2[%dma_wait3A_162, %dma_wait3A_163] : memref<10000x16xf32, #tpu.memory_space<hbm>> -> memref<10000x16xf32, #tpu.memory_space<hbm>>
      tpu.wait_indirect_dma semaphore(%arg13 : memref<!tpu.dma_semaphore, #tpu.memory_space<semaphore_mem>>) src(%dma_wait3A_164 : memref<10000x16xf32, #tpu.memory_space<hbm>>) dst(%arg10 : memref<2048x16xf32, #tpu.memory_space<vmem>>)
      %dma_wait3A_165 = arith.constant 2 : i32
      %dma_wait3A_166 = arith.constant 0 : i32
      %dma_wait3A_167 = tpu.memref_slice %arg8[%dma_wait3A_165, %dma_wait3A_166] : memref<9x2048xi32, #tpu.memory_space<vmem>> -> memref<1x2048xi32, #tpu.memory_space<vmem>>
      %dma_wait3A_168 = tpu.memref_squeeze %dma_wait3A_167 : memref<1x2048xi32, #tpu.memory_space<vmem>> -> memref<2048xi32, #tpu.memory_space<vmem>>
      %dma_wait3A_169 = arith.constant 0 : i32
      %dma_wait3A_170 = arith.constant 0 : i32
      %dma_wait3A_171 = tpu.memref_slice %arg12[%dma_wait3A_169, %dma_wait3A_170] : memref<10240x16xf32, #tpu.memory_space<vmem_shared>> -> memref<10240x16xf32, #tpu.memory_space<vmem_shared>>
      tpu.wait_indirect_dma semaphore(%arg14 : memref<!tpu.dma_semaphore, #tpu.memory_space<semaphore_mem>>) src(%arg9 : memref<2048x16xf32, #tpu.memory_space<vmem>>) dst(%dma_wait3A_171 : memref<10240x16xf32, #tpu.memory_space<vmem_shared>>)
      %dma_wait3A_172 = arith.constant 2 : i32
      %dma_wait3A_173 = arith.constant 0 : i32
      %dma_wait3A_174 = tpu.memref_slice %arg8[%dma_wait3A_172, %dma_wait3A_173] : memref<9x2048xi32, #tpu.memory_space<vmem>> -> memref<1x2048xi32, #tpu.memory_space<vmem>>
      %dma_wait3A_175 = tpu.memref_squeeze %dma_wait3A_174 : memref<1x2048xi32, #tpu.memory_space<vmem>> -> memref<2048xi32, #tpu.memory_space<vmem>>
      %dma_wait3A_176 = arith.constant 0 : i32
      %dma_wait3A_177 = tpu.memref_slice %arg17[%dma_wait3A_176] : memref<10240xf32, #tpu.memory_space<vmem_shared>> -> memref<10240xf32, #tpu.memory_space<vmem_shared>>
      tpu.wait_indirect_dma semaphore(%arg14 : memref<!tpu.dma_semaphore, #tpu.memory_space<semaphore_mem>>) src(%arg15 : memref<2048xf32, #tpu.memory_space<vmem>>) dst(%dma_wait3A_177 : memref<10240xf32, #tpu.memory_space<vmem_shared>>)
      %dma_start3A_178 = arith.constant 4 : i32
      %dma_start3A_179 = arith.constant 0 : i32
      %dma_start3A_180 = tpu.memref_slice %arg7[%dma_start3A_178, %dma_start3A_179] : memref<9x2048xi32, #tpu.memory_space<vmem>> -> memref<1x2048xi32, #tpu.memory_space<vmem>>
      %dma_start3A_181 = tpu.memref_squeeze %dma_start3A_180 : memref<1x2048xi32, #tpu.memory_space<vmem>> -> memref<2048xi32, #tpu.memory_space<vmem>>
      %dma_start3A_182 = arith.constant 0 : i32
      %dma_start3A_183 = arith.constant 0 : i32
      %dma_start3A_184 = tpu.memref_slice %arg2[%dma_start3A_182, %dma_start3A_183] : memref<10000x16xf32, #tpu.memory_space<hbm>> -> memref<10000x16xf32, #tpu.memory_space<hbm>>
      tpu.enqueue_indirect_dma source(%dma_start3A_184 : memref<10000x16xf32, #tpu.memory_space<hbm>>) target(%arg9 : memref<2048x16xf32, #tpu.memory_space<vmem>>) offsets(%dma_start3A_181 : memref<2048xi32, #tpu.memory_space<vmem>>) semaphore(%arg13 : memref<!tpu.dma_semaphore, #tpu.memory_space<semaphore_mem>>)
      %dma_start3A_185 = arith.constant 3 : i32
      %dma_start3A_186 = arith.constant 0 : i32
      %dma_start3A_187 = tpu.memref_slice %arg8[%dma_start3A_185, %dma_start3A_186] : memref<9x2048xi32, #tpu.memory_space<vmem>> -> memref<1x2048xi32, #tpu.memory_space<vmem>>
      %dma_start3A_188 = tpu.memref_squeeze %dma_start3A_187 : memref<1x2048xi32, #tpu.memory_space<vmem>> -> memref<2048xi32, #tpu.memory_space<vmem>>
      %dma_start3A_189 = arith.constant 0 : i32
      %dma_start3A_190 = arith.constant 0 : i32
      %dma_start3A_191 = tpu.memref_slice %arg12[%dma_start3A_189, %dma_start3A_190] : memref<10240x16xf32, #tpu.memory_space<vmem_shared>> -> memref<10240x16xf32, #tpu.memory_space<vmem_shared>>
      tpu.enqueue_indirect_dma source(%arg10 : memref<2048x16xf32, #tpu.memory_space<vmem>>) target(%dma_start3A_191 : memref<10240x16xf32, #tpu.memory_space<vmem_shared>>) offsets(%dma_start3A_188 : memref<2048xi32, #tpu.memory_space<vmem>>) semaphore(%arg14 : memref<!tpu.dma_semaphore, #tpu.memory_space<semaphore_mem>>) {add = true}
      %dma_start3A_192 = arith.constant 3 : i32
      %dma_start3A_193 = arith.constant 0 : i32
      %dma_start3A_194 = tpu.memref_slice %arg8[%dma_start3A_192, %dma_start3A_193] : memref<9x2048xi32, #tpu.memory_space<vmem>> -> memref<1x2048xi32, #tpu.memory_space<vmem>>
      %dma_start3A_195 = tpu.memref_squeeze %dma_start3A_194 : memref<1x2048xi32, #tpu.memory_space<vmem>> -> memref<2048xi32, #tpu.memory_space<vmem>>
      %dma_start3A_196 = arith.constant 0 : i32
      %dma_start3A_197 = tpu.memref_slice %arg17[%dma_start3A_196] : memref<10240xf32, #tpu.memory_space<vmem_shared>> -> memref<10240xf32, #tpu.memory_space<vmem_shared>>
      tpu.enqueue_indirect_dma source(%arg15 : memref<2048xf32, #tpu.memory_space<vmem>>) target(%dma_start3A_197 : memref<10240xf32, #tpu.memory_space<vmem_shared>>) offsets(%dma_start3A_195 : memref<2048xi32, #tpu.memory_space<vmem>>) semaphore(%arg14 : memref<!tpu.dma_semaphore, #tpu.memory_space<semaphore_mem>>) {add = true}
      %dma_wait3A_198 = arith.constant 4 : i32
      %dma_wait3A_199 = arith.constant 0 : i32
      %dma_wait3A_200 = tpu.memref_slice %arg7[%dma_wait3A_198, %dma_wait3A_199] : memref<9x2048xi32, #tpu.memory_space<vmem>> -> memref<1x2048xi32, #tpu.memory_space<vmem>>
      %dma_wait3A_201 = tpu.memref_squeeze %dma_wait3A_200 : memref<1x2048xi32, #tpu.memory_space<vmem>> -> memref<2048xi32, #tpu.memory_space<vmem>>
      %dma_wait3A_202 = arith.constant 0 : i32
      %dma_wait3A_203 = arith.constant 0 : i32
      %dma_wait3A_204 = tpu.memref_slice %arg2[%dma_wait3A_202, %dma_wait3A_203] : memref<10000x16xf32, #tpu.memory_space<hbm>> -> memref<10000x16xf32, #tpu.memory_space<hbm>>
      tpu.wait_indirect_dma semaphore(%arg13 : memref<!tpu.dma_semaphore, #tpu.memory_space<semaphore_mem>>) src(%dma_wait3A_204 : memref<10000x16xf32, #tpu.memory_space<hbm>>) dst(%arg9 : memref<2048x16xf32, #tpu.memory_space<vmem>>)
      %dma_wait3A_205 = arith.constant 3 : i32
      %dma_wait3A_206 = arith.constant 0 : i32
      %dma_wait3A_207 = tpu.memref_slice %arg8[%dma_wait3A_205, %dma_wait3A_206] : memref<9x2048xi32, #tpu.memory_space<vmem>> -> memref<1x2048xi32, #tpu.memory_space<vmem>>
      %dma_wait3A_208 = tpu.memref_squeeze %dma_wait3A_207 : memref<1x2048xi32, #tpu.memory_space<vmem>> -> memref<2048xi32, #tpu.memory_space<vmem>>
      %dma_wait3A_209 = arith.constant 0 : i32
      %dma_wait3A_210 = arith.constant 0 : i32
      %dma_wait3A_211 = tpu.memref_slice %arg12[%dma_wait3A_209, %dma_wait3A_210] : memref<10240x16xf32, #tpu.memory_space<vmem_shared>> -> memref<10240x16xf32, #tpu.memory_space<vmem_shared>>
      tpu.wait_indirect_dma semaphore(%arg14 : memref<!tpu.dma_semaphore, #tpu.memory_space<semaphore_mem>>) src(%arg10 : memref<2048x16xf32, #tpu.memory_space<vmem>>) dst(%dma_wait3A_211 : memref<10240x16xf32, #tpu.memory_space<vmem_shared>>)
      %dma_wait3A_212 = arith.constant 3 : i32
      %dma_wait3A_213 = arith.constant 0 : i32
      %dma_wait3A_214 = tpu.memref_slice %arg8[%dma_wait3A_212, %dma_wait3A_213] : memref<9x2048xi32, #tpu.memory_space<vmem>> -> memref<1x2048xi32, #tpu.memory_space<vmem>>
      %dma_wait3A_215 = tpu.memref_squeeze %dma_wait3A_214 : memref<1x2048xi32, #tpu.memory_space<vmem>> -> memref<2048xi32, #tpu.memory_space<vmem>>
      %dma_wait3A_216 = arith.constant 0 : i32
      %dma_wait3A_217 = tpu.memref_slice %arg17[%dma_wait3A_216] : memref<10240xf32, #tpu.memory_space<vmem_shared>> -> memref<10240xf32, #tpu.memory_space<vmem_shared>>
      tpu.wait_indirect_dma semaphore(%arg14 : memref<!tpu.dma_semaphore, #tpu.memory_space<semaphore_mem>>) src(%arg15 : memref<2048xf32, #tpu.memory_space<vmem>>) dst(%dma_wait3A_217 : memref<10240xf32, #tpu.memory_space<vmem_shared>>)
      %dma_start3A_218 = arith.constant 5 : i32
      %dma_start3A_219 = arith.constant 0 : i32
      %dma_start3A_220 = tpu.memref_slice %arg7[%dma_start3A_218, %dma_start3A_219] : memref<9x2048xi32, #tpu.memory_space<vmem>> -> memref<1x2048xi32, #tpu.memory_space<vmem>>
      %dma_start3A_221 = tpu.memref_squeeze %dma_start3A_220 : memref<1x2048xi32, #tpu.memory_space<vmem>> -> memref<2048xi32, #tpu.memory_space<vmem>>
      %dma_start3A_222 = arith.constant 0 : i32
      %dma_start3A_223 = arith.constant 0 : i32
      %dma_start3A_224 = tpu.memref_slice %arg2[%dma_start3A_222, %dma_start3A_223] : memref<10000x16xf32, #tpu.memory_space<hbm>> -> memref<10000x16xf32, #tpu.memory_space<hbm>>
      tpu.enqueue_indirect_dma source(%dma_start3A_224 : memref<10000x16xf32, #tpu.memory_space<hbm>>) target(%arg10 : memref<2048x16xf32, #tpu.memory_space<vmem>>) offsets(%dma_start3A_221 : memref<2048xi32, #tpu.memory_space<vmem>>) semaphore(%arg13 : memref<!tpu.dma_semaphore, #tpu.memory_space<semaphore_mem>>)
      %dma_start3A_225 = arith.constant 4 : i32
      %dma_start3A_226 = arith.constant 0 : i32
      %dma_start3A_227 = tpu.memref_slice %arg8[%dma_start3A_225, %dma_start3A_226] : memref<9x2048xi32, #tpu.memory_space<vmem>> -> memref<1x2048xi32, #tpu.memory_space<vmem>>
      %dma_start3A_228 = tpu.memref_squeeze %dma_start3A_227 : memref<1x2048xi32, #tpu.memory_space<vmem>> -> memref<2048xi32, #tpu.memory_space<vmem>>
      %dma_start3A_229 = arith.constant 0 : i32
      %dma_start3A_230 = arith.constant 0 : i32
      %dma_start3A_231 = tpu.memref_slice %arg12[%dma_start3A_229, %dma_start3A_230] : memref<10240x16xf32, #tpu.memory_space<vmem_shared>> -> memref<10240x16xf32, #tpu.memory_space<vmem_shared>>
      tpu.enqueue_indirect_dma source(%arg9 : memref<2048x16xf32, #tpu.memory_space<vmem>>) target(%dma_start3A_231 : memref<10240x16xf32, #tpu.memory_space<vmem_shared>>) offsets(%dma_start3A_228 : memref<2048xi32, #tpu.memory_space<vmem>>) semaphore(%arg14 : memref<!tpu.dma_semaphore, #tpu.memory_space<semaphore_mem>>) {add = true}
      %dma_start3A_232 = arith.constant 4 : i32
      %dma_start3A_233 = arith.constant 0 : i32
      %dma_start3A_234 = tpu.memref_slice %arg8[%dma_start3A_232, %dma_start3A_233] : memref<9x2048xi32, #tpu.memory_space<vmem>> -> memref<1x2048xi32, #tpu.memory_space<vmem>>
      %dma_start3A_235 = tpu.memref_squeeze %dma_start3A_234 : memref<1x2048xi32, #tpu.memory_space<vmem>> -> memref<2048xi32, #tpu.memory_space<vmem>>
      %dma_start3A_236 = arith.constant 0 : i32
      %dma_start3A_237 = tpu.memref_slice %arg17[%dma_start3A_236] : memref<10240xf32, #tpu.memory_space<vmem_shared>> -> memref<10240xf32, #tpu.memory_space<vmem_shared>>
      tpu.enqueue_indirect_dma source(%arg15 : memref<2048xf32, #tpu.memory_space<vmem>>) target(%dma_start3A_237 : memref<10240xf32, #tpu.memory_space<vmem_shared>>) offsets(%dma_start3A_235 : memref<2048xi32, #tpu.memory_space<vmem>>) semaphore(%arg14 : memref<!tpu.dma_semaphore, #tpu.memory_space<semaphore_mem>>) {add = true}
      %dma_wait3A_238 = arith.constant 5 : i32
      %dma_wait3A_239 = arith.constant 0 : i32
      %dma_wait3A_240 = tpu.memref_slice %arg7[%dma_wait3A_238, %dma_wait3A_239] : memref<9x2048xi32, #tpu.memory_space<vmem>> -> memref<1x2048xi32, #tpu.memory_space<vmem>>
      %dma_wait3A_241 = tpu.memref_squeeze %dma_wait3A_240 : memref<1x2048xi32, #tpu.memory_space<vmem>> -> memref<2048xi32, #tpu.memory_space<vmem>>
      %dma_wait3A_242 = arith.constant 0 : i32
      %dma_wait3A_243 = arith.constant 0 : i32
      %dma_wait3A_244 = tpu.memref_slice %arg2[%dma_wait3A_242, %dma_wait3A_243] : memref<10000x16xf32, #tpu.memory_space<hbm>> -> memref<10000x16xf32, #tpu.memory_space<hbm>>
      tpu.wait_indirect_dma semaphore(%arg13 : memref<!tpu.dma_semaphore, #tpu.memory_space<semaphore_mem>>) src(%dma_wait3A_244 : memref<10000x16xf32, #tpu.memory_space<hbm>>) dst(%arg10 : memref<2048x16xf32, #tpu.memory_space<vmem>>)
      %dma_wait3A_245 = arith.constant 4 : i32
      %dma_wait3A_246 = arith.constant 0 : i32
      %dma_wait3A_247 = tpu.memref_slice %arg8[%dma_wait3A_245, %dma_wait3A_246] : memref<9x2048xi32, #tpu.memory_space<vmem>> -> memref<1x2048xi32, #tpu.memory_space<vmem>>
      %dma_wait3A_248 = tpu.memref_squeeze %dma_wait3A_247 : memref<1x2048xi32, #tpu.memory_space<vmem>> -> memref<2048xi32, #tpu.memory_space<vmem>>
      %dma_wait3A_249 = arith.constant 0 : i32
      %dma_wait3A_250 = arith.constant 0 : i32
      %dma_wait3A_251 = tpu.memref_slice %arg12[%dma_wait3A_249, %dma_wait3A_250] : memref<10240x16xf32, #tpu.memory_space<vmem_shared>> -> memref<10240x16xf32, #tpu.memory_space<vmem_shared>>
      tpu.wait_indirect_dma semaphore(%arg14 : memref<!tpu.dma_semaphore, #tpu.memory_space<semaphore_mem>>) src(%arg9 : memref<2048x16xf32, #tpu.memory_space<vmem>>) dst(%dma_wait3A_251 : memref<10240x16xf32, #tpu.memory_space<vmem_shared>>)
      %dma_wait3A_252 = arith.constant 4 : i32
      %dma_wait3A_253 = arith.constant 0 : i32
      %dma_wait3A_254 = tpu.memref_slice %arg8[%dma_wait3A_252, %dma_wait3A_253] : memref<9x2048xi32, #tpu.memory_space<vmem>> -> memref<1x2048xi32, #tpu.memory_space<vmem>>
      %dma_wait3A_255 = tpu.memref_squeeze %dma_wait3A_254 : memref<1x2048xi32, #tpu.memory_space<vmem>> -> memref<2048xi32, #tpu.memory_space<vmem>>
      %dma_wait3A_256 = arith.constant 0 : i32
      %dma_wait3A_257 = tpu.memref_slice %arg17[%dma_wait3A_256] : memref<10240xf32, #tpu.memory_space<vmem_shared>> -> memref<10240xf32, #tpu.memory_space<vmem_shared>>
      tpu.wait_indirect_dma semaphore(%arg14 : memref<!tpu.dma_semaphore, #tpu.memory_space<semaphore_mem>>) src(%arg15 : memref<2048xf32, #tpu.memory_space<vmem>>) dst(%dma_wait3A_257 : memref<10240xf32, #tpu.memory_space<vmem_shared>>)
      %dma_start3A_258 = arith.constant 6 : i32
      %dma_start3A_259 = arith.constant 0 : i32
      %dma_start3A_260 = tpu.memref_slice %arg7[%dma_start3A_258, %dma_start3A_259] : memref<9x2048xi32, #tpu.memory_space<vmem>> -> memref<1x2048xi32, #tpu.memory_space<vmem>>
      %dma_start3A_261 = tpu.memref_squeeze %dma_start3A_260 : memref<1x2048xi32, #tpu.memory_space<vmem>> -> memref<2048xi32, #tpu.memory_space<vmem>>
      %dma_start3A_262 = arith.constant 0 : i32
      %dma_start3A_263 = arith.constant 0 : i32
      %dma_start3A_264 = tpu.memref_slice %arg2[%dma_start3A_262, %dma_start3A_263] : memref<10000x16xf32, #tpu.memory_space<hbm>> -> memref<10000x16xf32, #tpu.memory_space<hbm>>
      tpu.enqueue_indirect_dma source(%dma_start3A_264 : memref<10000x16xf32, #tpu.memory_space<hbm>>) target(%arg9 : memref<2048x16xf32, #tpu.memory_space<vmem>>) offsets(%dma_start3A_261 : memref<2048xi32, #tpu.memory_space<vmem>>) semaphore(%arg13 : memref<!tpu.dma_semaphore, #tpu.memory_space<semaphore_mem>>)
      %dma_start3A_265 = arith.constant 5 : i32
      %dma_start3A_266 = arith.constant 0 : i32
      %dma_start3A_267 = tpu.memref_slice %arg8[%dma_start3A_265, %dma_start3A_266] : memref<9x2048xi32, #tpu.memory_space<vmem>> -> memref<1x2048xi32, #tpu.memory_space<vmem>>
      %dma_start3A_268 = tpu.memref_squeeze %dma_start3A_267 : memref<1x2048xi32, #tpu.memory_space<vmem>> -> memref<2048xi32, #tpu.memory_space<vmem>>
      %dma_start3A_269 = arith.constant 0 : i32
      %dma_start3A_270 = arith.constant 0 : i32
      %dma_start3A_271 = tpu.memref_slice %arg12[%dma_start3A_269, %dma_start3A_270] : memref<10240x16xf32, #tpu.memory_space<vmem_shared>> -> memref<10240x16xf32, #tpu.memory_space<vmem_shared>>
      tpu.enqueue_indirect_dma source(%arg10 : memref<2048x16xf32, #tpu.memory_space<vmem>>) target(%dma_start3A_271 : memref<10240x16xf32, #tpu.memory_space<vmem_shared>>) offsets(%dma_start3A_268 : memref<2048xi32, #tpu.memory_space<vmem>>) semaphore(%arg14 : memref<!tpu.dma_semaphore, #tpu.memory_space<semaphore_mem>>) {add = true}
      %dma_start3A_272 = arith.constant 5 : i32
      %dma_start3A_273 = arith.constant 0 : i32
      %dma_start3A_274 = tpu.memref_slice %arg8[%dma_start3A_272, %dma_start3A_273] : memref<9x2048xi32, #tpu.memory_space<vmem>> -> memref<1x2048xi32, #tpu.memory_space<vmem>>
      %dma_start3A_275 = tpu.memref_squeeze %dma_start3A_274 : memref<1x2048xi32, #tpu.memory_space<vmem>> -> memref<2048xi32, #tpu.memory_space<vmem>>
      %dma_start3A_276 = arith.constant 0 : i32
      %dma_start3A_277 = tpu.memref_slice %arg17[%dma_start3A_276] : memref<10240xf32, #tpu.memory_space<vmem_shared>> -> memref<10240xf32, #tpu.memory_space<vmem_shared>>
      tpu.enqueue_indirect_dma source(%arg15 : memref<2048xf32, #tpu.memory_space<vmem>>) target(%dma_start3A_277 : memref<10240xf32, #tpu.memory_space<vmem_shared>>) offsets(%dma_start3A_275 : memref<2048xi32, #tpu.memory_space<vmem>>) semaphore(%arg14 : memref<!tpu.dma_semaphore, #tpu.memory_space<semaphore_mem>>) {add = true}
      %dma_wait3A_278 = arith.constant 6 : i32
      %dma_wait3A_279 = arith.constant 0 : i32
      %dma_wait3A_280 = tpu.memref_slice %arg7[%dma_wait3A_278, %dma_wait3A_279] : memref<9x2048xi32, #tpu.memory_space<vmem>> -> memref<1x2048xi32, #tpu.memory_space<vmem>>
      %dma_wait3A_281 = tpu.memref_squeeze %dma_wait3A_280 : memref<1x2048xi32, #tpu.memory_space<vmem>> -> memref<2048xi32, #tpu.memory_space<vmem>>
      %dma_wait3A_282 = arith.constant 0 : i32
      %dma_wait3A_283 = arith.constant 0 : i32
      %dma_wait3A_284 = tpu.memref_slice %arg2[%dma_wait3A_282, %dma_wait3A_283] : memref<10000x16xf32, #tpu.memory_space<hbm>> -> memref<10000x16xf32, #tpu.memory_space<hbm>>
      tpu.wait_indirect_dma semaphore(%arg13 : memref<!tpu.dma_semaphore, #tpu.memory_space<semaphore_mem>>) src(%dma_wait3A_284 : memref<10000x16xf32, #tpu.memory_space<hbm>>) dst(%arg9 : memref<2048x16xf32, #tpu.memory_space<vmem>>)
      %dma_wait3A_285 = arith.constant 5 : i32
      %dma_wait3A_286 = arith.constant 0 : i32
      %dma_wait3A_287 = tpu.memref_slice %arg8[%dma_wait3A_285, %dma_wait3A_286] : memref<9x2048xi32, #tpu.memory_space<vmem>> -> memref<1x2048xi32, #tpu.memory_space<vmem>>
      %dma_wait3A_288 = tpu.memref_squeeze %dma_wait3A_287 : memref<1x2048xi32, #tpu.memory_space<vmem>> -> memref<2048xi32, #tpu.memory_space<vmem>>
      %dma_wait3A_289 = arith.constant 0 : i32
      %dma_wait3A_290 = arith.constant 0 : i32
      %dma_wait3A_291 = tpu.memref_slice %arg12[%dma_wait3A_289, %dma_wait3A_290] : memref<10240x16xf32, #tpu.memory_space<vmem_shared>> -> memref<10240x16xf32, #tpu.memory_space<vmem_shared>>
      tpu.wait_indirect_dma semaphore(%arg14 : memref<!tpu.dma_semaphore, #tpu.memory_space<semaphore_mem>>) src(%arg10 : memref<2048x16xf32, #tpu.memory_space<vmem>>) dst(%dma_wait3A_291 : memref<10240x16xf32, #tpu.memory_space<vmem_shared>>)
      %dma_wait3A_292 = arith.constant 5 : i32
      %dma_wait3A_293 = arith.constant 0 : i32
      %dma_wait3A_294 = tpu.memref_slice %arg8[%dma_wait3A_292, %dma_wait3A_293] : memref<9x2048xi32, #tpu.memory_space<vmem>> -> memref<1x2048xi32, #tpu.memory_space<vmem>>
      %dma_wait3A_295 = tpu.memref_squeeze %dma_wait3A_294 : memref<1x2048xi32, #tpu.memory_space<vmem>> -> memref<2048xi32, #tpu.memory_space<vmem>>
      %dma_wait3A_296 = arith.constant 0 : i32
      %dma_wait3A_297 = tpu.memref_slice %arg17[%dma_wait3A_296] : memref<10240xf32, #tpu.memory_space<vmem_shared>> -> memref<10240xf32, #tpu.memory_space<vmem_shared>>
      tpu.wait_indirect_dma semaphore(%arg14 : memref<!tpu.dma_semaphore, #tpu.memory_space<semaphore_mem>>) src(%arg15 : memref<2048xf32, #tpu.memory_space<vmem>>) dst(%dma_wait3A_297 : memref<10240xf32, #tpu.memory_space<vmem_shared>>)
      %dma_start3A_298 = arith.constant 7 : i32
      %dma_start3A_299 = arith.constant 0 : i32
      %dma_start3A_300 = tpu.memref_slice %arg7[%dma_start3A_298, %dma_start3A_299] : memref<9x2048xi32, #tpu.memory_space<vmem>> -> memref<1x2048xi32, #tpu.memory_space<vmem>>
      %dma_start3A_301 = tpu.memref_squeeze %dma_start3A_300 : memref<1x2048xi32, #tpu.memory_space<vmem>> -> memref<2048xi32, #tpu.memory_space<vmem>>
      %dma_start3A_302 = arith.constant 0 : i32
      %dma_start3A_303 = arith.constant 0 : i32
      %dma_start3A_304 = tpu.memref_slice %arg2[%dma_start3A_302, %dma_start3A_303] : memref<10000x16xf32, #tpu.memory_space<hbm>> -> memref<10000x16xf32, #tpu.memory_space<hbm>>
      tpu.enqueue_indirect_dma source(%dma_start3A_304 : memref<10000x16xf32, #tpu.memory_space<hbm>>) target(%arg10 : memref<2048x16xf32, #tpu.memory_space<vmem>>) offsets(%dma_start3A_301 : memref<2048xi32, #tpu.memory_space<vmem>>) semaphore(%arg13 : memref<!tpu.dma_semaphore, #tpu.memory_space<semaphore_mem>>)
      %dma_start3A_305 = arith.constant 6 : i32
      %dma_start3A_306 = arith.constant 0 : i32
      %dma_start3A_307 = tpu.memref_slice %arg8[%dma_start3A_305, %dma_start3A_306] : memref<9x2048xi32, #tpu.memory_space<vmem>> -> memref<1x2048xi32, #tpu.memory_space<vmem>>
      %dma_start3A_308 = tpu.memref_squeeze %dma_start3A_307 : memref<1x2048xi32, #tpu.memory_space<vmem>> -> memref<2048xi32, #tpu.memory_space<vmem>>
      %dma_start3A_309 = arith.constant 0 : i32
      %dma_start3A_310 = arith.constant 0 : i32
      %dma_start3A_311 = tpu.memref_slice %arg12[%dma_start3A_309, %dma_start3A_310] : memref<10240x16xf32, #tpu.memory_space<vmem_shared>> -> memref<10240x16xf32, #tpu.memory_space<vmem_shared>>
      tpu.enqueue_indirect_dma source(%arg9 : memref<2048x16xf32, #tpu.memory_space<vmem>>) target(%dma_start3A_311 : memref<10240x16xf32, #tpu.memory_space<vmem_shared>>) offsets(%dma_start3A_308 : memref<2048xi32, #tpu.memory_space<vmem>>) semaphore(%arg14 : memref<!tpu.dma_semaphore, #tpu.memory_space<semaphore_mem>>) {add = true}
      %dma_start3A_312 = arith.constant 6 : i32
      %dma_start3A_313 = arith.constant 0 : i32
      %dma_start3A_314 = tpu.memref_slice %arg8[%dma_start3A_312, %dma_start3A_313] : memref<9x2048xi32, #tpu.memory_space<vmem>> -> memref<1x2048xi32, #tpu.memory_space<vmem>>
      %dma_start3A_315 = tpu.memref_squeeze %dma_start3A_314 : memref<1x2048xi32, #tpu.memory_space<vmem>> -> memref<2048xi32, #tpu.memory_space<vmem>>
      %dma_start3A_316 = arith.constant 0 : i32
      %dma_start3A_317 = tpu.memref_slice %arg17[%dma_start3A_316] : memref<10240xf32, #tpu.memory_space<vmem_shared>> -> memref<10240xf32, #tpu.memory_space<vmem_shared>>
      tpu.enqueue_indirect_dma source(%arg15 : memref<2048xf32, #tpu.memory_space<vmem>>) target(%dma_start3A_317 : memref<10240xf32, #tpu.memory_space<vmem_shared>>) offsets(%dma_start3A_315 : memref<2048xi32, #tpu.memory_space<vmem>>) semaphore(%arg14 : memref<!tpu.dma_semaphore, #tpu.memory_space<semaphore_mem>>) {add = true}
      %dma_wait3A_318 = arith.constant 7 : i32
      %dma_wait3A_319 = arith.constant 0 : i32
      %dma_wait3A_320 = tpu.memref_slice %arg7[%dma_wait3A_318, %dma_wait3A_319] : memref<9x2048xi32, #tpu.memory_space<vmem>> -> memref<1x2048xi32, #tpu.memory_space<vmem>>
      %dma_wait3A_321 = tpu.memref_squeeze %dma_wait3A_320 : memref<1x2048xi32, #tpu.memory_space<vmem>> -> memref<2048xi32, #tpu.memory_space<vmem>>
      %dma_wait3A_322 = arith.constant 0 : i32
      %dma_wait3A_323 = arith.constant 0 : i32
      %dma_wait3A_324 = tpu.memref_slice %arg2[%dma_wait3A_322, %dma_wait3A_323] : memref<10000x16xf32, #tpu.memory_space<hbm>> -> memref<10000x16xf32, #tpu.memory_space<hbm>>
      tpu.wait_indirect_dma semaphore(%arg13 : memref<!tpu.dma_semaphore, #tpu.memory_space<semaphore_mem>>) src(%dma_wait3A_324 : memref<10000x16xf32, #tpu.memory_space<hbm>>) dst(%arg10 : memref<2048x16xf32, #tpu.memory_space<vmem>>)
      %dma_wait3A_325 = arith.constant 6 : i32
      %dma_wait3A_326 = arith.constant 0 : i32
      %dma_wait3A_327 = tpu.memref_slice %arg8[%dma_wait3A_325, %dma_wait3A_326] : memref<9x2048xi32, #tpu.memory_space<vmem>> -> memref<1x2048xi32, #tpu.memory_space<vmem>>
      %dma_wait3A_328 = tpu.memref_squeeze %dma_wait3A_327 : memref<1x2048xi32, #tpu.memory_space<vmem>> -> memref<2048xi32, #tpu.memory_space<vmem>>
      %dma_wait3A_329 = arith.constant 0 : i32
      %dma_wait3A_330 = arith.constant 0 : i32
      %dma_wait3A_331 = tpu.memref_slice %arg12[%dma_wait3A_329, %dma_wait3A_330] : memref<10240x16xf32, #tpu.memory_space<vmem_shared>> -> memref<10240x16xf32, #tpu.memory_space<vmem_shared>>
      tpu.wait_indirect_dma semaphore(%arg14 : memref<!tpu.dma_semaphore, #tpu.memory_space<semaphore_mem>>) src(%arg9 : memref<2048x16xf32, #tpu.memory_space<vmem>>) dst(%dma_wait3A_331 : memref<10240x16xf32, #tpu.memory_space<vmem_shared>>)
      %dma_wait3A_332 = arith.constant 6 : i32
      %dma_wait3A_333 = arith.constant 0 : i32
      %dma_wait3A_334 = tpu.memref_slice %arg8[%dma_wait3A_332, %dma_wait3A_333] : memref<9x2048xi32, #tpu.memory_space<vmem>> -> memref<1x2048xi32, #tpu.memory_space<vmem>>
      %dma_wait3A_335 = tpu.memref_squeeze %dma_wait3A_334 : memref<1x2048xi32, #tpu.memory_space<vmem>> -> memref<2048xi32, #tpu.memory_space<vmem>>
      %dma_wait3A_336 = arith.constant 0 : i32
      %dma_wait3A_337 = tpu.memref_slice %arg17[%dma_wait3A_336] : memref<10240xf32, #tpu.memory_space<vmem_shared>> -> memref<10240xf32, #tpu.memory_space<vmem_shared>>
      tpu.wait_indirect_dma semaphore(%arg14 : memref<!tpu.dma_semaphore, #tpu.memory_space<semaphore_mem>>) src(%arg15 : memref<2048xf32, #tpu.memory_space<vmem>>) dst(%dma_wait3A_337 : memref<10240xf32, #tpu.memory_space<vmem_shared>>)
      %dma_start3A_338 = arith.constant 8 : i32
      %dma_start3A_339 = arith.constant 0 : i32
      %dma_start3A_340 = tpu.memref_slice %arg7[%dma_start3A_338, %dma_start3A_339] : memref<9x2048xi32, #tpu.memory_space<vmem>> -> memref<1x2048xi32, #tpu.memory_space<vmem>>
      %dma_start3A_341 = tpu.memref_squeeze %dma_start3A_340 : memref<1x2048xi32, #tpu.memory_space<vmem>> -> memref<2048xi32, #tpu.memory_space<vmem>>
      %dma_start3A_342 = arith.constant 0 : i32
      %dma_start3A_343 = arith.constant 0 : i32
      %dma_start3A_344 = tpu.memref_slice %arg2[%dma_start3A_342, %dma_start3A_343] : memref<10000x16xf32, #tpu.memory_space<hbm>> -> memref<10000x16xf32, #tpu.memory_space<hbm>>
      tpu.enqueue_indirect_dma source(%dma_start3A_344 : memref<10000x16xf32, #tpu.memory_space<hbm>>) target(%arg9 : memref<2048x16xf32, #tpu.memory_space<vmem>>) offsets(%dma_start3A_341 : memref<2048xi32, #tpu.memory_space<vmem>>) semaphore(%arg13 : memref<!tpu.dma_semaphore, #tpu.memory_space<semaphore_mem>>)
      %dma_start3A_345 = arith.constant 7 : i32
      %dma_start3A_346 = arith.constant 0 : i32
      %dma_start3A_347 = tpu.memref_slice %arg8[%dma_start3A_345, %dma_start3A_346] : memref<9x2048xi32, #tpu.memory_space<vmem>> -> memref<1x2048xi32, #tpu.memory_space<vmem>>
      %dma_start3A_348 = tpu.memref_squeeze %dma_start3A_347 : memref<1x2048xi32, #tpu.memory_space<vmem>> -> memref<2048xi32, #tpu.memory_space<vmem>>
      %dma_start3A_349 = arith.constant 0 : i32
      %dma_start3A_350 = arith.constant 0 : i32
      %dma_start3A_351 = tpu.memref_slice %arg12[%dma_start3A_349, %dma_start3A_350] : memref<10240x16xf32, #tpu.memory_space<vmem_shared>> -> memref<10240x16xf32, #tpu.memory_space<vmem_shared>>
      tpu.enqueue_indirect_dma source(%arg10 : memref<2048x16xf32, #tpu.memory_space<vmem>>) target(%dma_start3A_351 : memref<10240x16xf32, #tpu.memory_space<vmem_shared>>) offsets(%dma_start3A_348 : memref<2048xi32, #tpu.memory_space<vmem>>) semaphore(%arg14 : memref<!tpu.dma_semaphore, #tpu.memory_space<semaphore_mem>>) {add = true}
      %dma_start3A_352 = arith.constant 7 : i32
      %dma_start3A_353 = arith.constant 0 : i32
      %dma_start3A_354 = tpu.memref_slice %arg8[%dma_start3A_352, %dma_start3A_353] : memref<9x2048xi32, #tpu.memory_space<vmem>> -> memref<1x2048xi32, #tpu.memory_space<vmem>>
      %dma_start3A_355 = tpu.memref_squeeze %dma_start3A_354 : memref<1x2048xi32, #tpu.memory_space<vmem>> -> memref<2048xi32, #tpu.memory_space<vmem>>
      %dma_start3A_356 = arith.constant 0 : i32
      %dma_start3A_357 = tpu.memref_slice %arg17[%dma_start3A_356] : memref<10240xf32, #tpu.memory_space<vmem_shared>> -> memref<10240xf32, #tpu.memory_space<vmem_shared>>
      tpu.enqueue_indirect_dma source(%arg15 : memref<2048xf32, #tpu.memory_space<vmem>>) target(%dma_start3A_357 : memref<10240xf32, #tpu.memory_space<vmem_shared>>) offsets(%dma_start3A_355 : memref<2048xi32, #tpu.memory_space<vmem>>) semaphore(%arg14 : memref<!tpu.dma_semaphore, #tpu.memory_space<semaphore_mem>>) {add = true}
      %dma_wait3A_358 = arith.constant 8 : i32
      %dma_wait3A_359 = arith.constant 0 : i32
      %dma_wait3A_360 = tpu.memref_slice %arg7[%dma_wait3A_358, %dma_wait3A_359] : memref<9x2048xi32, #tpu.memory_space<vmem>> -> memref<1x2048xi32, #tpu.memory_space<vmem>>
      %dma_wait3A_361 = tpu.memref_squeeze %dma_wait3A_360 : memref<1x2048xi32, #tpu.memory_space<vmem>> -> memref<2048xi32, #tpu.memory_space<vmem>>
      %dma_wait3A_362 = arith.constant 0 : i32
      %dma_wait3A_363 = arith.constant 0 : i32
      %dma_wait3A_364 = tpu.memref_slice %arg2[%dma_wait3A_362, %dma_wait3A_363] : memref<10000x16xf32, #tpu.memory_space<hbm>> -> memref<10000x16xf32, #tpu.memory_space<hbm>>
      tpu.wait_indirect_dma semaphore(%arg13 : memref<!tpu.dma_semaphore, #tpu.memory_space<semaphore_mem>>) src(%dma_wait3A_364 : memref<10000x16xf32, #tpu.memory_space<hbm>>) dst(%arg9 : memref<2048x16xf32, #tpu.memory_space<vmem>>)
      %dma_wait3A_365 = arith.constant 7 : i32
      %dma_wait3A_366 = arith.constant 0 : i32
      %dma_wait3A_367 = tpu.memref_slice %arg8[%dma_wait3A_365, %dma_wait3A_366] : memref<9x2048xi32, #tpu.memory_space<vmem>> -> memref<1x2048xi32, #tpu.memory_space<vmem>>
      %dma_wait3A_368 = tpu.memref_squeeze %dma_wait3A_367 : memref<1x2048xi32, #tpu.memory_space<vmem>> -> memref<2048xi32, #tpu.memory_space<vmem>>
      %dma_wait3A_369 = arith.constant 0 : i32
      %dma_wait3A_370 = arith.constant 0 : i32
      %dma_wait3A_371 = tpu.memref_slice %arg12[%dma_wait3A_369, %dma_wait3A_370] : memref<10240x16xf32, #tpu.memory_space<vmem_shared>> -> memref<10240x16xf32, #tpu.memory_space<vmem_shared>>
      tpu.wait_indirect_dma semaphore(%arg14 : memref<!tpu.dma_semaphore, #tpu.memory_space<semaphore_mem>>) src(%arg10 : memref<2048x16xf32, #tpu.memory_space<vmem>>) dst(%dma_wait3A_371 : memref<10240x16xf32, #tpu.memory_space<vmem_shared>>)
      %dma_wait3A_372 = arith.constant 7 : i32
      %dma_wait3A_373 = arith.constant 0 : i32
      %dma_wait3A_374 = tpu.memref_slice %arg8[%dma_wait3A_372, %dma_wait3A_373] : memref<9x2048xi32, #tpu.memory_space<vmem>> -> memref<1x2048xi32, #tpu.memory_space<vmem>>
      %dma_wait3A_375 = tpu.memref_squeeze %dma_wait3A_374 : memref<1x2048xi32, #tpu.memory_space<vmem>> -> memref<2048xi32, #tpu.memory_space<vmem>>
      %dma_wait3A_376 = arith.constant 0 : i32
      %dma_wait3A_377 = tpu.memref_slice %arg17[%dma_wait3A_376] : memref<10240xf32, #tpu.memory_space<vmem_shared>> -> memref<10240xf32, #tpu.memory_space<vmem_shared>>
      tpu.wait_indirect_dma semaphore(%arg14 : memref<!tpu.dma_semaphore, #tpu.memory_space<semaphore_mem>>) src(%arg15 : memref<2048xf32, #tpu.memory_space<vmem>>) dst(%dma_wait3A_377 : memref<10240xf32, #tpu.memory_space<vmem_shared>>)
      %dma_start3A_378 = arith.constant 8 : i32
      %dma_start3A_379 = arith.constant 0 : i32
      %dma_start3A_380 = tpu.memref_slice %arg8[%dma_start3A_378, %dma_start3A_379] : memref<9x2048xi32, #tpu.memory_space<vmem>> -> memref<1x2048xi32, #tpu.memory_space<vmem>>
      %dma_start3A_381 = tpu.memref_squeeze %dma_start3A_380 : memref<1x2048xi32, #tpu.memory_space<vmem>> -> memref<2048xi32, #tpu.memory_space<vmem>>
      %dma_start3A_382 = arith.constant 0 : i32
      %dma_start3A_383 = arith.constant 0 : i32
      %dma_start3A_384 = tpu.memref_slice %arg12[%dma_start3A_382, %dma_start3A_383] : memref<10240x16xf32, #tpu.memory_space<vmem_shared>> -> memref<10240x16xf32, #tpu.memory_space<vmem_shared>>
      tpu.enqueue_indirect_dma source(%arg9 : memref<2048x16xf32, #tpu.memory_space<vmem>>) target(%dma_start3A_384 : memref<10240x16xf32, #tpu.memory_space<vmem_shared>>) offsets(%dma_start3A_381 : memref<2048xi32, #tpu.memory_space<vmem>>) semaphore(%arg14 : memref<!tpu.dma_semaphore, #tpu.memory_space<semaphore_mem>>) {add = true}
      %dma_start3A_385 = arith.constant 8 : i32
      %dma_start3A_386 = arith.constant 0 : i32
      %dma_start3A_387 = tpu.memref_slice %arg8[%dma_start3A_385, %dma_start3A_386] : memref<9x2048xi32, #tpu.memory_space<vmem>> -> memref<1x2048xi32, #tpu.memory_space<vmem>>
      %dma_start3A_388 = tpu.memref_squeeze %dma_start3A_387 : memref<1x2048xi32, #tpu.memory_space<vmem>> -> memref<2048xi32, #tpu.memory_space<vmem>>
      %dma_start3A_389 = arith.constant 0 : i32
      %dma_start3A_390 = tpu.memref_slice %arg17[%dma_start3A_389] : memref<10240xf32, #tpu.memory_space<vmem_shared>> -> memref<10240xf32, #tpu.memory_space<vmem_shared>>
      tpu.enqueue_indirect_dma source(%arg15 : memref<2048xf32, #tpu.memory_space<vmem>>) target(%dma_start3A_390 : memref<10240xf32, #tpu.memory_space<vmem_shared>>) offsets(%dma_start3A_388 : memref<2048xi32, #tpu.memory_space<vmem>>) semaphore(%arg14 : memref<!tpu.dma_semaphore, #tpu.memory_space<semaphore_mem>>) {add = true}
      %dma_wait3A_391 = arith.constant 8 : i32
      %dma_wait3A_392 = arith.constant 0 : i32
      %dma_wait3A_393 = tpu.memref_slice %arg8[%dma_wait3A_391, %dma_wait3A_392] : memref<9x2048xi32, #tpu.memory_space<vmem>> -> memref<1x2048xi32, #tpu.memory_space<vmem>>
      %dma_wait3A_394 = tpu.memref_squeeze %dma_wait3A_393 : memref<1x2048xi32, #tpu.memory_space<vmem>> -> memref<2048xi32, #tpu.memory_space<vmem>>
      %dma_wait3A_395 = arith.constant 0 : i32
      %dma_wait3A_396 = arith.constant 0 : i32
      %dma_wait3A_397 = tpu.memref_slice %arg12[%dma_wait3A_395, %dma_wait3A_396] : memref<10240x16xf32, #tpu.memory_space<vmem_shared>> -> memref<10240x16xf32, #tpu.memory_space<vmem_shared>>
      tpu.wait_indirect_dma semaphore(%arg14 : memref<!tpu.dma_semaphore, #tpu.memory_space<semaphore_mem>>) src(%arg9 : memref<2048x16xf32, #tpu.memory_space<vmem>>) dst(%dma_wait3A_397 : memref<10240x16xf32, #tpu.memory_space<vmem_shared>>)
      %dma_wait3A_398 = arith.constant 8 : i32
      %dma_wait3A_399 = arith.constant 0 : i32
      %dma_wait3A_400 = tpu.memref_slice %arg8[%dma_wait3A_398, %dma_wait3A_399] : memref<9x2048xi32, #tpu.memory_space<vmem>> -> memref<1x2048xi32, #tpu.memory_space<vmem>>
      %dma_wait3A_401 = tpu.memref_squeeze %dma_wait3A_400 : memref<1x2048xi32, #tpu.memory_space<vmem>> -> memref<2048xi32, #tpu.memory_space<vmem>>
      %dma_wait3A_402 = arith.constant 0 : i32
      %dma_wait3A_403 = tpu.memref_slice %arg17[%dma_wait3A_402] : memref<10240xf32, #tpu.memory_space<vmem_shared>> -> memref<10240xf32, #tpu.memory_space<vmem_shared>>
      tpu.wait_indirect_dma semaphore(%arg14 : memref<!tpu.dma_semaphore, #tpu.memory_space<semaphore_mem>>) src(%arg15 : memref<2048xf32, #tpu.memory_space<vmem>>) dst(%dma_wait3A_403 : memref<10240xf32, #tpu.memory_space<vmem_shared>>)
    } else {
    }
    %ne3A = arith.constant 0 : i32
    %ne3A_35 = arith.cmpi ne, %arg0, %ne3A : i32
    %convert_element_type3A_36 = arith.extui %ne3A_35 : i1 to i32
    %cond3A_37 = arith.constant 0 : i32
    %cond3A_38 = arith.cmpi ne, %convert_element_type3A_36, %cond3A_37 : i32
    scf.if %cond3A_38 {
      %mul3A_43 = arith.constant 1 : i32
      %mul3A_44 = arith.muli %arg1, %mul3A_43 : i32
      %add3A_45 = arith.constant 144 : i32
      %add3A_46 = arith.addi %add3A_45, %mul3A_44 : i32
      %multiple_of3A_47 = tpu.assume_multiple %add3A_46, 1 : i32
      "tpu.region"() ({
        %run_scoped3A = tpu.sem_alloc : memref<!tpu.dma_semaphore, #tpu.memory_space<semaphore_mem>>
        %dma_start3A_86 = arith.constant 0 : i32
        %dma_start3A_87 = arith.constant 0 : i32
        %dma_start3A_88 = tpu.memref_slice %arg7[%dma_start3A_86, %dma_start3A_87] : memref<9x2048xi32, #tpu.memory_space<vmem>> -> memref<1x2048xi32, #tpu.memory_space<vmem>>
        %dma_start3A_89 = arith.constant 0 : i32
        %dma_start3A_90 = tpu.memref_slice %arg3[%multiple_of3A_47, %dma_start3A_89] : memref<160x2048xi32, #tpu.memory_space<hbm>> -> memref<1x2048xi32, #tpu.memory_space<hbm>>
        %dma_start3A_91 = arith.constant 0 : i32
        %dma_start3A_92 = arith.constant 0 : i32
        %dma_start3A_93 = tpu.memref_slice %arg7[%dma_start3A_91, %dma_start3A_92] : memref<9x2048xi32, #tpu.memory_space<vmem>> -> memref<1x2048xi32, #tpu.memory_space<vmem>>
        %dma_start3A_94 = arith.constant 0 : i32
        %dma_start3A_95 = tpu.memref_slice %arg3[%multiple_of3A_47, %dma_start3A_94] : memref<160x2048xi32, #tpu.memory_space<hbm>> -> memref<1x2048xi32, #tpu.memory_space<hbm>>
        tpu.enqueue_dma source(%dma_start3A_95 : memref<1x2048xi32, #tpu.memory_space<hbm>>) target(%dma_start3A_93 : memref<1x2048xi32, #tpu.memory_space<vmem>>) target_semaphore(%run_scoped3A : memref<!tpu.dma_semaphore, #tpu.memory_space<semaphore_mem>>)
        %dma_wait3A_96 = arith.constant 0 : i32
        %dma_wait3A_97 = arith.constant 0 : i32
        %dma_wait3A_98 = tpu.memref_slice %arg7[%dma_wait3A_96, %dma_wait3A_97] : memref<9x2048xi32, #tpu.memory_space<vmem>> -> memref<1x2048xi32, #tpu.memory_space<vmem>>
        %dma_wait3A_99 = arith.constant 0 : i32
        %dma_wait3A_100 = tpu.memref_slice %arg3[%multiple_of3A_47, %dma_wait3A_99] : memref<160x2048xi32, #tpu.memory_space<hbm>> -> memref<1x2048xi32, #tpu.memory_space<hbm>>
        %dma_wait3A_101 = arith.constant 0 : i32
        %dma_wait3A_102 = arith.constant 0 : i32
        %dma_wait3A_103 = tpu.memref_slice %arg7[%dma_wait3A_101, %dma_wait3A_102] : memref<9x2048xi32, #tpu.memory_space<vmem>> -> memref<1x2048xi32, #tpu.memory_space<vmem>>
        %dma_wait3A_104 = arith.constant 0 : i32
        %dma_wait3A_105 = tpu.memref_slice %arg3[%multiple_of3A_47, %dma_wait3A_104] : memref<160x2048xi32, #tpu.memory_space<hbm>> -> memref<1x2048xi32, #tpu.memory_space<hbm>>
        tpu.wait_dma2 semaphore(%run_scoped3A : memref<!tpu.dma_semaphore, #tpu.memory_space<semaphore_mem>>) src(%dma_wait3A_105 : memref<1x2048xi32, #tpu.memory_space<hbm>>) dst(%dma_wait3A_103 : memref<1x2048xi32, #tpu.memory_space<vmem>>)
        tpu.yield
      }) : () -> ()
      "tpu.region"() ({
        %run_scoped3A = tpu.sem_alloc : memref<!tpu.dma_semaphore, #tpu.memory_space<semaphore_mem>>
        %dma_start3A_86 = arith.constant 0 : i32
        %dma_start3A_87 = arith.constant 0 : i32
        %dma_start3A_88 = tpu.memref_slice %arg8[%dma_start3A_86, %dma_start3A_87] : memref<9x2048xi32, #tpu.memory_space<vmem>> -> memref<1x2048xi32, #tpu.memory_space<vmem>>
        %dma_start3A_89 = arith.constant 0 : i32
        %dma_start3A_90 = tpu.memref_slice %arg4[%multiple_of3A_47, %dma_start3A_89] : memref<160x2048xi32, #tpu.memory_space<hbm>> -> memref<1x2048xi32, #tpu.memory_space<hbm>>
        %dma_start3A_91 = arith.constant 0 : i32
        %dma_start3A_92 = arith.constant 0 : i32
        %dma_start3A_93 = tpu.memref_slice %arg8[%dma_start3A_91, %dma_start3A_92] : memref<9x2048xi32, #tpu.memory_space<vmem>> -> memref<1x2048xi32, #tpu.memory_space<vmem>>
        %dma_start3A_94 = arith.constant 0 : i32
        %dma_start3A_95 = tpu.memref_slice %arg4[%multiple_of3A_47, %dma_start3A_94] : memref<160x2048xi32, #tpu.memory_space<hbm>> -> memref<1x2048xi32, #tpu.memory_space<hbm>>
        tpu.enqueue_dma source(%dma_start3A_95 : memref<1x2048xi32, #tpu.memory_space<hbm>>) target(%dma_start3A_93 : memref<1x2048xi32, #tpu.memory_space<vmem>>) target_semaphore(%run_scoped3A : memref<!tpu.dma_semaphore, #tpu.memory_space<semaphore_mem>>)
        %dma_wait3A_96 = arith.constant 0 : i32
        %dma_wait3A_97 = arith.constant 0 : i32
        %dma_wait3A_98 = tpu.memref_slice %arg8[%dma_wait3A_96, %dma_wait3A_97] : memref<9x2048xi32, #tpu.memory_space<vmem>> -> memref<1x2048xi32, #tpu.memory_space<vmem>>
        %dma_wait3A_99 = arith.constant 0 : i32
        %dma_wait3A_100 = tpu.memref_slice %arg4[%multiple_of3A_47, %dma_wait3A_99] : memref<160x2048xi32, #tpu.memory_space<hbm>> -> memref<1x2048xi32, #tpu.memory_space<hbm>>
        %dma_wait3A_101 = arith.constant 0 : i32
        %dma_wait3A_102 = arith.constant 0 : i32
        %dma_wait3A_103 = tpu.memref_slice %arg8[%dma_wait3A_101, %dma_wait3A_102] : memref<9x2048xi32, #tpu.memory_space<vmem>> -> memref<1x2048xi32, #tpu.memory_space<vmem>>
        %dma_wait3A_104 = arith.constant 0 : i32
        %dma_wait3A_105 = tpu.memref_slice %arg4[%multiple_of3A_47, %dma_wait3A_104] : memref<160x2048xi32, #tpu.memory_space<hbm>> -> memref<1x2048xi32, #tpu.memory_space<hbm>>
        tpu.wait_dma2 semaphore(%run_scoped3A : memref<!tpu.dma_semaphore, #tpu.memory_space<semaphore_mem>>) src(%dma_wait3A_105 : memref<1x2048xi32, #tpu.memory_space<hbm>>) dst(%dma_wait3A_103 : memref<1x2048xi32, #tpu.memory_space<vmem>>)
        tpu.yield
      }) : () -> ()
      %dma_start3A = arith.constant 0 : i32
      %dma_start3A_48 = arith.constant 0 : i32
      %dma_start3A_49 = tpu.memref_slice %arg7[%dma_start3A, %dma_start3A_48] : memref<9x2048xi32, #tpu.memory_space<vmem>> -> memref<1x2048xi32, #tpu.memory_space<vmem>>
      %dma_start3A_50 = tpu.memref_squeeze %dma_start3A_49 : memref<1x2048xi32, #tpu.memory_space<vmem>> -> memref<2048xi32, #tpu.memory_space<vmem>>
      %dma_start3A_51 = arith.constant 0 : i32
      %dma_start3A_52 = arith.constant 0 : i32
      %dma_start3A_53 = tpu.memref_slice %arg2[%dma_start3A_51, %dma_start3A_52] : memref<10000x16xf32, #tpu.memory_space<hbm>> -> memref<10000x16xf32, #tpu.memory_space<hbm>>
      tpu.enqueue_indirect_dma source(%dma_start3A_53 : memref<10000x16xf32, #tpu.memory_space<hbm>>) target(%arg9 : memref<2048x16xf32, #tpu.memory_space<vmem>>) offsets(%dma_start3A_50 : memref<2048xi32, #tpu.memory_space<vmem>>) semaphore(%arg13 : memref<!tpu.dma_semaphore, #tpu.memory_space<semaphore_mem>>)
      %dma_wait3A = arith.constant 0 : i32
      %dma_wait3A_54 = arith.constant 0 : i32
      %dma_wait3A_55 = tpu.memref_slice %arg7[%dma_wait3A, %dma_wait3A_54] : memref<9x2048xi32, #tpu.memory_space<vmem>> -> memref<1x2048xi32, #tpu.memory_space<vmem>>
      %dma_wait3A_56 = tpu.memref_squeeze %dma_wait3A_55 : memref<1x2048xi32, #tpu.memory_space<vmem>> -> memref<2048xi32, #tpu.memory_space<vmem>>
      %dma_wait3A_57 = arith.constant 0 : i32
      %dma_wait3A_58 = arith.constant 0 : i32
      %dma_wait3A_59 = tpu.memref_slice %arg2[%dma_wait3A_57, %dma_wait3A_58] : memref<10000x16xf32, #tpu.memory_space<hbm>> -> memref<10000x16xf32, #tpu.memory_space<hbm>>
      tpu.wait_indirect_dma semaphore(%arg13 : memref<!tpu.dma_semaphore, #tpu.memory_space<semaphore_mem>>) src(%dma_wait3A_59 : memref<10000x16xf32, #tpu.memory_space<hbm>>) dst(%arg9 : memref<2048x16xf32, #tpu.memory_space<vmem>>)
      %dma_start3A_60 = arith.constant 0 : i32
      %dma_start3A_61 = arith.constant 0 : i32
      %dma_start3A_62 = tpu.memref_slice %arg8[%dma_start3A_60, %dma_start3A_61] : memref<9x2048xi32, #tpu.memory_space<vmem>> -> memref<1x2048xi32, #tpu.memory_space<vmem>>
      %dma_start3A_63 = tpu.memref_squeeze %dma_start3A_62 : memref<1x2048xi32, #tpu.memory_space<vmem>> -> memref<2048xi32, #tpu.memory_space<vmem>>
      %dma_start3A_64 = arith.constant 0 : i32
      %dma_start3A_65 = arith.constant 0 : i32
      %dma_start3A_66 = tpu.memref_slice %arg12[%dma_start3A_64, %dma_start3A_65] : memref<10240x16xf32, #tpu.memory_space<vmem_shared>> -> memref<10240x16xf32, #tpu.memory_space<vmem_shared>>
      tpu.enqueue_indirect_dma source(%arg9 : memref<2048x16xf32, #tpu.memory_space<vmem>>) target(%dma_start3A_66 : memref<10240x16xf32, #tpu.memory_space<vmem_shared>>) offsets(%dma_start3A_63 : memref<2048xi32, #tpu.memory_space<vmem>>) semaphore(%arg14 : memref<!tpu.dma_semaphore, #tpu.memory_space<semaphore_mem>>) {add = true}
      %dma_start3A_67 = arith.constant 0 : i32
      %dma_start3A_68 = arith.constant 0 : i32
      %dma_start3A_69 = tpu.memref_slice %arg8[%dma_start3A_67, %dma_start3A_68] : memref<9x2048xi32, #tpu.memory_space<vmem>> -> memref<1x2048xi32, #tpu.memory_space<vmem>>
      %dma_start3A_70 = tpu.memref_squeeze %dma_start3A_69 : memref<1x2048xi32, #tpu.memory_space<vmem>> -> memref<2048xi32, #tpu.memory_space<vmem>>
      %dma_start3A_71 = arith.constant 0 : i32
      %dma_start3A_72 = tpu.memref_slice %arg17[%dma_start3A_71] : memref<10240xf32, #tpu.memory_space<vmem_shared>> -> memref<10240xf32, #tpu.memory_space<vmem_shared>>
      tpu.enqueue_indirect_dma source(%arg15 : memref<2048xf32, #tpu.memory_space<vmem>>) target(%dma_start3A_72 : memref<10240xf32, #tpu.memory_space<vmem_shared>>) offsets(%dma_start3A_70 : memref<2048xi32, #tpu.memory_space<vmem>>) semaphore(%arg14 : memref<!tpu.dma_semaphore, #tpu.memory_space<semaphore_mem>>) {add = true}
      %dma_wait3A_73 = arith.constant 0 : i32
      %dma_wait3A_74 = arith.constant 0 : i32
      %dma_wait3A_75 = tpu.memref_slice %arg8[%dma_wait3A_73, %dma_wait3A_74] : memref<9x2048xi32, #tpu.memory_space<vmem>> -> memref<1x2048xi32, #tpu.memory_space<vmem>>
      %dma_wait3A_76 = tpu.memref_squeeze %dma_wait3A_75 : memref<1x2048xi32, #tpu.memory_space<vmem>> -> memref<2048xi32, #tpu.memory_space<vmem>>
      %dma_wait3A_77 = arith.constant 0 : i32
      %dma_wait3A_78 = arith.constant 0 : i32
      %dma_wait3A_79 = tpu.memref_slice %arg12[%dma_wait3A_77, %dma_wait3A_78] : memref<10240x16xf32, #tpu.memory_space<vmem_shared>> -> memref<10240x16xf32, #tpu.memory_space<vmem_shared>>
      tpu.wait_indirect_dma semaphore(%arg14 : memref<!tpu.dma_semaphore, #tpu.memory_space<semaphore_mem>>) src(%arg9 : memref<2048x16xf32, #tpu.memory_space<vmem>>) dst(%dma_wait3A_79 : memref<10240x16xf32, #tpu.memory_space<vmem_shared>>)
      %dma_wait3A_80 = arith.constant 0 : i32
      %dma_wait3A_81 = arith.constant 0 : i32
      %dma_wait3A_82 = tpu.memref_slice %arg8[%dma_wait3A_80, %dma_wait3A_81] : memref<9x2048xi32, #tpu.memory_space<vmem>> -> memref<1x2048xi32, #tpu.memory_space<vmem>>
      %dma_wait3A_83 = tpu.memref_squeeze %dma_wait3A_82 : memref<1x2048xi32, #tpu.memory_space<vmem>> -> memref<2048xi32, #tpu.memory_space<vmem>>
      %dma_wait3A_84 = arith.constant 0 : i32
      %dma_wait3A_85 = tpu.memref_slice %arg17[%dma_wait3A_84] : memref<10240xf32, #tpu.memory_space<vmem_shared>> -> memref<10240xf32, #tpu.memory_space<vmem_shared>>
      tpu.wait_indirect_dma semaphore(%arg14 : memref<!tpu.dma_semaphore, #tpu.memory_space<semaphore_mem>>) src(%arg15 : memref<2048xf32, #tpu.memory_space<vmem>>) dst(%dma_wait3A_85 : memref<10240xf32, #tpu.memory_space<vmem_shared>>)
    } else {
    }
    %barrier3A_39 = arith.constant 0 : index
    tpu.barrier barrier_id(%barrier3A_39)
    %mul3A_40 = arith.constant 625 : i32
    %mul3A_41 = arith.muli %arg1, %mul3A_40 : i32
    %multiple_of3A_42 = tpu.assume_multiple %mul3A_41, 1 : i32
    "tpu.region"() ({
      %run_scoped3A = tpu.sem_alloc : memref<!tpu.dma_semaphore, #tpu.memory_space<semaphore_mem>>
      %dma_start3A = arith.constant 0 : i32
      %dma_start3A_43 = tpu.memref_slice %arg5[%arg0, %multiple_of3A_42, %dma_start3A] : memref<2x10000x16xf32, #tpu.memory_space<hbm>> -> memref<1x625x16xf32, #tpu.memory_space<hbm>>
      %dma_start3A_44 = tpu.memref_squeeze %dma_start3A_43 : memref<1x625x16xf32, #tpu.memory_space<hbm>> -> memref<625x16xf32, #tpu.memory_space<hbm>>
      %dma_start3A_45 = arith.constant 0 : i32
      %dma_start3A_46 = tpu.memref_slice %arg12[%multiple_of3A_42, %dma_start3A_45] : memref<10240x16xf32, #tpu.memory_space<vmem_shared>> -> memref<625x16xf32, #tpu.memory_space<vmem_shared>>
      tpu.enqueue_dma source(%dma_start3A_46 : memref<625x16xf32, #tpu.memory_space<vmem_shared>>) target(%dma_start3A_44 : memref<625x16xf32, #tpu.memory_space<hbm>>) target_semaphore(%run_scoped3A : memref<!tpu.dma_semaphore, #tpu.memory_space<semaphore_mem>>)
      %dma_wait3A = arith.constant 0 : i32
      %dma_wait3A_47 = tpu.memref_slice %arg5[%arg0, %multiple_of3A_42, %dma_wait3A] : memref<2x10000x16xf32, #tpu.memory_space<hbm>> -> memref<1x625x16xf32, #tpu.memory_space<hbm>>
      %dma_wait3A_48 = tpu.memref_squeeze %dma_wait3A_47 : memref<1x625x16xf32, #tpu.memory_space<hbm>> -> memref<625x16xf32, #tpu.memory_space<hbm>>
      %dma_wait3A_49 = arith.constant 0 : i32
      %dma_wait3A_50 = tpu.memref_slice %arg12[%multiple_of3A_42, %dma_wait3A_49] : memref<10240x16xf32, #tpu.memory_space<vmem_shared>> -> memref<625x16xf32, #tpu.memory_space<vmem_shared>>
      tpu.wait_dma2 semaphore(%run_scoped3A : memref<!tpu.dma_semaphore, #tpu.memory_space<semaphore_mem>>) src(%dma_wait3A_50 : memref<625x16xf32, #tpu.memory_space<vmem_shared>>) dst(%dma_wait3A_48 : memref<625x16xf32, #tpu.memory_space<hbm>>)
      tpu.yield
    }) : () -> ()
    "tpu.region"() ({
      %run_scoped3A = tpu.sem_alloc : memref<!tpu.dma_semaphore, #tpu.memory_space<semaphore_mem>>
      %dma_start3A = tpu.memref_slice %arg6[%arg0, %multiple_of3A] : memref<2x10240xf32, #tpu.memory_space<hbm>> -> memref<1x640xf32, #tpu.memory_space<hbm>>
      %dma_start3A_43 = tpu.memref_squeeze %dma_start3A : memref<1x640xf32, #tpu.memory_space<hbm>> -> memref<640xf32, #tpu.memory_space<hbm>>
      %dma_start3A_44 = tpu.memref_slice %arg17[%multiple_of3A] : memref<10240xf32, #tpu.memory_space<vmem_shared>> -> memref<640xf32, #tpu.memory_space<vmem_shared>>
      tpu.enqueue_dma source(%dma_start3A_44 : memref<640xf32, #tpu.memory_space<vmem_shared>>) target(%dma_start3A_43 : memref<640xf32, #tpu.memory_space<hbm>>) target_semaphore(%run_scoped3A : memref<!tpu.dma_semaphore, #tpu.memory_space<semaphore_mem>>)
      %dma_wait3A = tpu.memref_slice %arg6[%arg0, %multiple_of3A] : memref<2x10240xf32, #tpu.memory_space<hbm>> -> memref<1x640xf32, #tpu.memory_space<hbm>>
      %dma_wait3A_45 = tpu.memref_squeeze %dma_wait3A : memref<1x640xf32, #tpu.memory_space<hbm>> -> memref<640xf32, #tpu.memory_space<hbm>>
      %dma_wait3A_46 = tpu.memref_slice %arg17[%multiple_of3A] : memref<10240xf32, #tpu.memory_space<vmem_shared>> -> memref<640xf32, #tpu.memory_space<vmem_shared>>
      tpu.wait_dma2 semaphore(%run_scoped3A : memref<!tpu.dma_semaphore, #tpu.memory_space<semaphore_mem>>) src(%dma_wait3A_46 : memref<640xf32, #tpu.memory_space<vmem_shared>>) dst(%dma_wait3A_45 : memref<640xf32, #tpu.memory_space<hbm>>)
      tpu.yield
    }) : () -> ()
    return
  }
}

module attributes {stable_mosaic.version = 14 : i64} {
  func.func @body(%arg0: i32, %arg1: memref<2000x128xf32, #tpu.memory_space<vmem>>, %arg2: memref<128x16xf32, #tpu.memory_space<vmem>>, %arg3: memref<128x16xf32, #tpu.memory_space<vmem>>, %arg4: memref<1x16xf32, #tpu.memory_space<vmem>>, %arg5: memref<2000x16xf32, #tpu.memory_space<vmem>>, %arg6: memref<2000x16xf32, #tpu.memory_space<vmem>>) attributes {dimension_semantics = [#tpu.dimension_semantics<arbitrary>], iteration_bounds = array<i64: 5>, scalar_prefetch = 0 : i64, scratch_operands = 0 : i64, tpu.core_type = #tpu.core_type<tc>, window_params = [{transform_indices = @transform_0, window_bounds = array<i64: 2000, 128>}, {pipeline_mode = #tpu.pipeline_mode<synchronous>, transform_indices = @transform_1, window_bounds = array<i64: 128, 16>}, {pipeline_mode = #tpu.pipeline_mode<synchronous>, transform_indices = @transform_2, window_bounds = array<i64: 128, 16>}, {pipeline_mode = #tpu.pipeline_mode<synchronous>, transform_indices = @transform_3, window_bounds = array<i64: 1, 16>}, {transform_indices = @transform_4, window_bounds = array<i64: 2000, 16>}, {transform_indices = @transform_5, window_bounds = array<i64: 2000, 16>}]} {
    %get3A = arith.constant 0 : index
    %get3A_0 = arith.constant 0 : index
    %get3A_1 = vector.load %arg1[%get3A, %get3A_0] : memref<2000x128xf32, #tpu.memory_space<vmem>>, vector<2000x128xf32>
    %get3A_2 = arith.constant 0 : index
    %get3A_3 = arith.constant 0 : index
    %get3A_4 = vector.load %arg2[%get3A_2, %get3A_3] : memref<128x16xf32, #tpu.memory_space<vmem>>, vector<128x16xf32>
    %dot_general3A = arith.constant dense<0.000000e+00> : vector<2000x16xf32>
    %dot_general3A_5 = tpu.matmul %get3A_1, %get3A_4, %dot_general3A {dimension_numbers = #tpu.dot_dimension_numbers<[1], [0], [0], [1], [0, 0, 1, 1], [], []>, transpose_lhs_hint = false} : vector<2000x128xf32>, vector<128x16xf32>, vector<2000x16xf32> -> vector<2000x16xf32>
    %swap3A = arith.constant 0 : index
    %swap3A_6 = arith.constant 0 : index
    %swap3A_7 = vector.load %arg5[%swap3A, %swap3A_6] : memref<2000x16xf32, #tpu.memory_space<vmem>>, vector<2000x16xf32>
    tpu.vector_store %arg5[%swap3A, %swap3A_6], %dot_general3A_5 {strides = array<i32>} : memref<2000x16xf32, #tpu.memory_space<vmem>>, vector<2000x16xf32>,
    %get3A_8 = arith.constant 0 : index
    %get3A_9 = arith.constant 0 : index
    %get3A_10 = vector.load %arg3[%get3A_8, %get3A_9] : memref<128x16xf32, #tpu.memory_space<vmem>>, vector<128x16xf32>
    %dot_general3A_11 = arith.constant dense<0.000000e+00> : vector<2000x16xf32>
    %dot_general3A_12 = tpu.matmul %get3A_1, %get3A_10, %dot_general3A_11 {dimension_numbers = #tpu.dot_dimension_numbers<[1], [0], [0], [1], [0, 0, 1, 1], [], []>, transpose_lhs_hint = false} : vector<2000x128xf32>, vector<128x16xf32>, vector<2000x16xf32> -> vector<2000x16xf32>
    %get3A_13 = arith.constant 0 : index
    %get3A_14 = arith.constant 0 : index
    %get3A_15 = vector.load %arg4[%get3A_13, %get3A_14] : memref<1x16xf32, #tpu.memory_space<vmem>>, vector<1x16xf32>
    %add3A = vector.broadcast %get3A_15 : vector<1x16xf32> to vector<2000x16xf32>
    %add3A_16 = arith.addf %dot_general3A_12, %add3A : vector<2000x16xf32>
    %swap3A_17 = arith.constant 0 : index
    %swap3A_18 = arith.constant 0 : index
    %swap3A_19 = vector.load %arg6[%swap3A_17, %swap3A_18] : memref<2000x16xf32, #tpu.memory_space<vmem>>, vector<2000x16xf32>
    tpu.vector_store %arg6[%swap3A_17, %swap3A_18], %add3A_16 {strides = array<i32>} : memref<2000x16xf32, #tpu.memory_space<vmem>>, vector<2000x16xf32>,
    return
  }
  func.func @transform_0(%arg0: i32) -> (i32, i32) {
    %c0_i32 = arith.constant 0 : i32
    %c0_i32_0 = arith.constant 0 : i32
    return %arg0, %c0_i32 : i32, i32
  }
  func.func @transform_1(%arg0: i32) -> (i32, i32) {
    %c0_i32 = arith.constant 0 : i32
    %c0_i32_0 = arith.constant 0 : i32
    %c0_i32_1 = arith.constant 0 : i32
    return %c0_i32, %c0_i32_0 : i32, i32
  }
  func.func @transform_2(%arg0: i32) -> (i32, i32) {
    %c0_i32 = arith.constant 0 : i32
    %c0_i32_0 = arith.constant 0 : i32
    %c0_i32_1 = arith.constant 0 : i32
    return %c0_i32, %c0_i32_0 : i32, i32
  }
  func.func @transform_3(%arg0: i32) -> (i32, i32) {
    %c0_i32 = arith.constant 0 : i32
    %c0_i32_0 = arith.constant 0 : i32
    %c0_i32_1 = arith.constant 0 : i32
    return %c0_i32, %c0_i32_0 : i32, i32
  }
  func.func @transform_4(%arg0: i32) -> (i32, i32) {
    %c0_i32 = arith.constant 0 : i32
    %c0_i32_0 = arith.constant 0 : i32
    return %arg0, %c0_i32 : i32, i32
  }
  func.func @transform_5(%arg0: i32) -> (i32, i32) {
    %c0_i32 = arith.constant 0 : i32
    %c0_i32_0 = arith.constant 0 : i32
    return %arg0, %c0_i32 : i32, i32
  }
}

module attributes {stable_mosaic.version = 14 : i64} {
  func.func @body(%arg0: i32, %arg1: memref<2x2000x16xf32, #tpu.memory_space<vmem>>, %arg2: memref<2x2000x1xf32, #tpu.memory_space<vmem>>, %arg3: memref<2000x16xf32, #tpu.memory_space<vmem>>, %arg4: memref<2000x16xf32, #tpu.memory_space<vmem>>) attributes {dimension_semantics = [#tpu.dimension_semantics<arbitrary>], iteration_bounds = array<i64: 5>, scalar_prefetch = 0 : i64, scratch_operands = 0 : i64, tpu.core_type = #tpu.core_type<tc>, window_params = [{transform_indices = @transform_0, window_bounds = array<i64: 2, 2000, 16>}, {transform_indices = @transform_1, window_bounds = array<i64: 2, 2000, 1>}, {transform_indices = @transform_2, window_bounds = array<i64: 2000, 16>}, {transform_indices = @transform_3, window_bounds = array<i64: 2000, 16>}]} {
    %get3A = arith.constant 0 : index
    %get3A_0 = arith.constant 0 : index
    %get3A_1 = arith.constant 0 : index
    %get3A_2 = vector.load %arg1[%get3A, %get3A_0, %get3A_1] : memref<2x2000x16xf32, #tpu.memory_space<vmem>>, vector<1x2000x16xf32>
    %get3A_3 = vector.shape_cast %get3A_2 : vector<1x2000x16xf32> to vector<2000x16xf32>
    %get3A_4 = arith.constant 1 : index
    %get3A_5 = arith.constant 0 : index
    %get3A_6 = arith.constant 0 : index
    %get3A_7 = vector.load %arg1[%get3A_4, %get3A_5, %get3A_6] : memref<2x2000x16xf32, #tpu.memory_space<vmem>>, vector<1x2000x16xf32>
    %get3A_8 = vector.shape_cast %get3A_7 : vector<1x2000x16xf32> to vector<2000x16xf32>
    %add3A = arith.addf %get3A_3, %get3A_8 : vector<2000x16xf32>
    %get3A_9 = arith.constant 0 : index
    %get3A_10 = arith.constant 0 : index
    %get3A_11 = arith.constant 0 : index
    %get3A_12 = vector.load %arg2[%get3A_9, %get3A_10, %get3A_11] : memref<2x2000x1xf32, #tpu.memory_space<vmem>>, vector<1x2000x1xf32>
    %get3A_13 = vector.shape_cast %get3A_12 : vector<1x2000x1xf32> to vector<2000x1xf32>
    %get3A_14 = arith.constant 1 : index
    %get3A_15 = arith.constant 0 : index
    %get3A_16 = arith.constant 0 : index
    %get3A_17 = vector.load %arg2[%get3A_14, %get3A_15, %get3A_16] : memref<2x2000x1xf32, #tpu.memory_space<vmem>>, vector<1x2000x1xf32>
    %get3A_18 = vector.shape_cast %get3A_17 : vector<1x2000x1xf32> to vector<2000x1xf32>
    %add3A_19 = arith.addf %get3A_13, %get3A_18 : vector<2000x1xf32>
    %max3A = arith.constant 1.000000e+00 : f32
    %max3A_20 = vector.broadcast %max3A : f32 to vector<2000x1xf32>
    %max3A_21 = arith.maximumf %add3A_19, %max3A_20 : vector<2000x1xf32>
    %div3A = arith.constant 1.000000e+00 : f32
    %div3A_22 = vector.broadcast %div3A : f32 to vector<2000x1xf32>
    %div3A_23 = arith.divf %div3A_22, %max3A_21 : vector<2000x1xf32>
    %mul3A = vector.broadcast %div3A_23 : vector<2000x1xf32> to vector<2000x16xf32>
    %mul3A_24 = arith.mulf %add3A, %mul3A : vector<2000x16xf32>
    %get3A_25 = arith.constant 0 : index
    %get3A_26 = arith.constant 0 : index
    %get3A_27 = vector.load %arg3[%get3A_25, %get3A_26] : memref<2000x16xf32, #tpu.memory_space<vmem>>, vector<2000x16xf32>
    %add3A_28 = arith.addf %mul3A_24, %get3A_27 : vector<2000x16xf32>
    %max3A_29 = arith.constant 0.000000e+00 : f32
    %max3A_30 = vector.broadcast %max3A_29 : f32 to vector<2000x16xf32>
    %max3A_31 = arith.maximumf %add3A_28, %max3A_30 : vector<2000x16xf32>
    %swap3A = arith.constant 0 : index
    %swap3A_32 = arith.constant 0 : index
    %swap3A_33 = vector.load %arg4[%swap3A, %swap3A_32] : memref<2000x16xf32, #tpu.memory_space<vmem>>, vector<2000x16xf32>
    tpu.vector_store %arg4[%swap3A, %swap3A_32], %max3A_31 {strides = array<i32>} : memref<2000x16xf32, #tpu.memory_space<vmem>>, vector<2000x16xf32>,
    return
  }
  func.func @transform_0(%arg0: i32) -> (i32, i32, i32) {
    %c0_i32 = arith.constant 0 : i32
    %c0_i32_0 = arith.constant 0 : i32
    %c0_i32_1 = arith.constant 0 : i32
    return %c0_i32, %arg0, %c0_i32_0 : i32, i32, i32
  }
  func.func @transform_1(%arg0: i32) -> (i32, i32, i32) {
    %c0_i32 = arith.constant 0 : i32
    %c0_i32_0 = arith.constant 0 : i32
    %c0_i32_1 = arith.constant 0 : i32
    return %c0_i32, %arg0, %c0_i32_0 : i32, i32, i32
  }
  func.func @transform_2(%arg0: i32) -> (i32, i32) {
    %c0_i32 = arith.constant 0 : i32
    %c0_i32_0 = arith.constant 0 : i32
    return %arg0, %c0_i32 : i32, i32
  }
  func.func @transform_3(%arg0: i32) -> (i32, i32) {
    %c0_i32 = arith.constant 0 : i32
    %c0_i32_0 = arith.constant 0 : i32
    return %arg0, %c0_i32 : i32, i32
  }
}

module attributes {stable_mosaic.version = 14 : i64} {
  func.func @body(%arg0: i32, %arg1: memref<2x2000x16xf32, #tpu.memory_space<vmem>>, %arg2: memref<2x2000x1xf32, #tpu.memory_space<vmem>>, %arg3: memref<2000x16xf32, #tpu.memory_space<vmem>>, %arg4: memref<16x40xf32, #tpu.memory_space<vmem>>, %arg5: memref<16x40xf32, #tpu.memory_space<vmem>>, %arg6: memref<1x40xf32, #tpu.memory_space<vmem>>, %arg7: memref<2000x40xf32, #tpu.memory_space<vmem>>) attributes {dimension_semantics = [#tpu.dimension_semantics<arbitrary>], iteration_bounds = array<i64: 5>, scalar_prefetch = 0 : i64, scratch_operands = 0 : i64, tpu.core_type = #tpu.core_type<tc>, window_params = [{transform_indices = @transform_0, window_bounds = array<i64: 2, 2000, 16>}, {transform_indices = @transform_1, window_bounds = array<i64: 2, 2000, 1>}, {transform_indices = @transform_2, window_bounds = array<i64: 2000, 16>}, {pipeline_mode = #tpu.pipeline_mode<synchronous>, transform_indices = @transform_3, window_bounds = array<i64: 16, 40>}, {pipeline_mode = #tpu.pipeline_mode<synchronous>, transform_indices = @transform_4, window_bounds = array<i64: 16, 40>}, {pipeline_mode = #tpu.pipeline_mode<synchronous>, transform_indices = @transform_5, window_bounds = array<i64: 1, 40>}, {transform_indices = @transform_6, window_bounds = array<i64: 2000, 40>}]} {
    %get3A = arith.constant 0 : index
    %get3A_0 = arith.constant 0 : index
    %get3A_1 = arith.constant 0 : index
    %get3A_2 = vector.load %arg1[%get3A, %get3A_0, %get3A_1] : memref<2x2000x16xf32, #tpu.memory_space<vmem>>, vector<1x2000x16xf32>
    %get3A_3 = vector.shape_cast %get3A_2 : vector<1x2000x16xf32> to vector<2000x16xf32>
    %get3A_4 = arith.constant 1 : index
    %get3A_5 = arith.constant 0 : index
    %get3A_6 = arith.constant 0 : index
    %get3A_7 = vector.load %arg1[%get3A_4, %get3A_5, %get3A_6] : memref<2x2000x16xf32, #tpu.memory_space<vmem>>, vector<1x2000x16xf32>
    %get3A_8 = vector.shape_cast %get3A_7 : vector<1x2000x16xf32> to vector<2000x16xf32>
    %add3A = arith.addf %get3A_3, %get3A_8 : vector<2000x16xf32>
    %get3A_9 = arith.constant 0 : index
    %get3A_10 = arith.constant 0 : index
    %get3A_11 = arith.constant 0 : index
    %get3A_12 = vector.load %arg2[%get3A_9, %get3A_10, %get3A_11] : memref<2x2000x1xf32, #tpu.memory_space<vmem>>, vector<1x2000x1xf32>
    %get3A_13 = vector.shape_cast %get3A_12 : vector<1x2000x1xf32> to vector<2000x1xf32>
    %get3A_14 = arith.constant 1 : index
    %get3A_15 = arith.constant 0 : index
    %get3A_16 = arith.constant 0 : index
    %get3A_17 = vector.load %arg2[%get3A_14, %get3A_15, %get3A_16] : memref<2x2000x1xf32, #tpu.memory_space<vmem>>, vector<1x2000x1xf32>
    %get3A_18 = vector.shape_cast %get3A_17 : vector<1x2000x1xf32> to vector<2000x1xf32>
    %add3A_19 = arith.addf %get3A_13, %get3A_18 : vector<2000x1xf32>
    %max3A = arith.constant 1.000000e+00 : f32
    %max3A_20 = vector.broadcast %max3A : f32 to vector<2000x1xf32>
    %max3A_21 = arith.maximumf %add3A_19, %max3A_20 : vector<2000x1xf32>
    %div3A = arith.constant 1.000000e+00 : f32
    %div3A_22 = vector.broadcast %div3A : f32 to vector<2000x1xf32>
    %div3A_23 = arith.divf %div3A_22, %max3A_21 : vector<2000x1xf32>
    %mul3A = vector.broadcast %div3A_23 : vector<2000x1xf32> to vector<2000x16xf32>
    %mul3A_24 = arith.mulf %add3A, %mul3A : vector<2000x16xf32>
    %get3A_25 = arith.constant 0 : index
    %get3A_26 = arith.constant 0 : index
    %get3A_27 = vector.load %arg4[%get3A_25, %get3A_26] : memref<16x40xf32, #tpu.memory_space<vmem>>, vector<16x40xf32>
    %dot_general3A = arith.constant dense<0.000000e+00> : vector<2000x40xf32>
    %dot_general3A_28 = tpu.matmul %mul3A_24, %get3A_27, %dot_general3A {dimension_numbers = #tpu.dot_dimension_numbers<[1], [0], [0], [1], [0, 0, 1, 1], [], []>, transpose_lhs_hint = false} : vector<2000x16xf32>, vector<16x40xf32>, vector<2000x40xf32> -> vector<2000x40xf32>
    %get3A_29 = arith.constant 0 : index
    %get3A_30 = arith.constant 0 : index
    %get3A_31 = vector.load %arg3[%get3A_29, %get3A_30] : memref<2000x16xf32, #tpu.memory_space<vmem>>, vector<2000x16xf32>
    %get3A_32 = arith.constant 0 : index
    %get3A_33 = arith.constant 0 : index
    %get3A_34 = vector.load %arg5[%get3A_32, %get3A_33] : memref<16x40xf32, #tpu.memory_space<vmem>>, vector<16x40xf32>
    %dot_general3A_35 = arith.constant dense<0.000000e+00> : vector<2000x40xf32>
    %dot_general3A_36 = tpu.matmul %get3A_31, %get3A_34, %dot_general3A_35 {dimension_numbers = #tpu.dot_dimension_numbers<[1], [0], [0], [1], [0, 0, 1, 1], [], []>, transpose_lhs_hint = false} : vector<2000x16xf32>, vector<16x40xf32>, vector<2000x40xf32> -> vector<2000x40xf32>
    %add3A_37 = arith.addf %dot_general3A_28, %dot_general3A_36 : vector<2000x40xf32>
    %get3A_38 = arith.constant 0 : index
    %get3A_39 = arith.constant 0 : index
    %get3A_40 = vector.load %arg6[%get3A_38, %get3A_39] : memref<1x40xf32, #tpu.memory_space<vmem>>, vector<1x40xf32>
    %add3A_41 = vector.broadcast %get3A_40 : vector<1x40xf32> to vector<2000x40xf32>
    %add3A_42 = arith.addf %add3A_37, %add3A_41 : vector<2000x40xf32>
    %reduce_max3A = arith.constant dense<0xFF800000> : vector<2000xf32>
    %reduce_max3A_43 = vector.multi_reduction <maximumf>, %add3A_42, %reduce_max3A [1] : vector<2000x40xf32> to vector<2000xf32>
    %broadcast_in_dim3A = vector.shape_cast %reduce_max3A_43 : vector<2000xf32> to vector<2000x1xf32>
    %sub3A = vector.broadcast %broadcast_in_dim3A : vector<2000x1xf32> to vector<2000x40xf32>
    %sub3A_44 = arith.subf %add3A_42, %sub3A : vector<2000x40xf32>
    %exp3A = math.exp %sub3A_44 : vector<2000x40xf32>
    %reduce_sum3A = arith.constant dense<0.000000e+00> : vector<2000xf32>
    %reduce_sum3A_45 = vector.multi_reduction <add>, %exp3A, %reduce_sum3A [1] : vector<2000x40xf32> to vector<2000xf32>
    %broadcast_in_dim3A_46 = vector.shape_cast %reduce_sum3A_45 : vector<2000xf32> to vector<2000x1xf32>
    %log3A = math.log %broadcast_in_dim3A_46 : vector<2000x1xf32>
    %sub3A_47 = vector.broadcast %log3A : vector<2000x1xf32> to vector<2000x40xf32>
    %sub3A_48 = arith.subf %sub3A_44, %sub3A_47 : vector<2000x40xf32>
    %swap3A = arith.constant 0 : index
    %swap3A_49 = arith.constant 0 : index
    %swap3A_50 = vector.load %arg7[%swap3A, %swap3A_49] : memref<2000x40xf32, #tpu.memory_space<vmem>>, vector<2000x40xf32>
    tpu.vector_store %arg7[%swap3A, %swap3A_49], %sub3A_48 {strides = array<i32>} : memref<2000x40xf32, #tpu.memory_space<vmem>>, vector<2000x40xf32>,
    return
  }
  func.func @transform_0(%arg0: i32) -> (i32, i32, i32) {
    %c0_i32 = arith.constant 0 : i32
    %c0_i32_0 = arith.constant 0 : i32
    %c0_i32_1 = arith.constant 0 : i32
    return %c0_i32, %arg0, %c0_i32_0 : i32, i32, i32
  }
  func.func @transform_1(%arg0: i32) -> (i32, i32, i32) {
    %c0_i32 = arith.constant 0 : i32
    %c0_i32_0 = arith.constant 0 : i32
    %c0_i32_1 = arith.constant 0 : i32
    return %c0_i32, %arg0, %c0_i32_0 : i32, i32, i32
  }
  func.func @transform_2(%arg0: i32) -> (i32, i32) {
    %c0_i32 = arith.constant 0 : i32
    %c0_i32_0 = arith.constant 0 : i32
    return %arg0, %c0_i32 : i32, i32
  }
  func.func @transform_3(%arg0: i32) -> (i32, i32) {
    %c0_i32 = arith.constant 0 : i32
    %c0_i32_0 = arith.constant 0 : i32
    %c0_i32_1 = arith.constant 0 : i32
    return %c0_i32, %c0_i32_0 : i32, i32
  }
  func.func @transform_4(%arg0: i32) -> (i32, i32) {
    %c0_i32 = arith.constant 0 : i32
    %c0_i32_0 = arith.constant 0 : i32
    %c0_i32_1 = arith.constant 0 : i32
    return %c0_i32, %c0_i32_0 : i32, i32
  }
  func.func @transform_5(%arg0: i32) -> (i32, i32) {
    %c0_i32 = arith.constant 0 : i32
    %c0_i32_0 = arith.constant 0 : i32
    %c0_i32_1 = arith.constant 0 : i32
    return %c0_i32, %c0_i32_0 : i32, i32
  }
  func.func @transform_6(%arg0: i32) -> (i32, i32) {
    %c0_i32 = arith.constant 0 : i32
    %c0_i32_0 = arith.constant 0 : i32
    return %arg0, %c0_i32 : i32, i32
  }
}

</mosaic_0001>

<sc_bundles>
// kernel: kernel.10.cloned.1.call-start
scs
__scs_entry_jumppad:
0x0: {  	(pc) =	sbr.rel $0x88, $3  }
0x1: {  	(tag) =	ssettag $0x0;
	lr =	simm.s32 $0x1  }
0x2: {  	[smem:$0x3F99] =	sst lr;
	_ =	strace $0xD0000000  }
0x3: {  	_ = 	snop  }
0x4: {  	_ = 	snop  }
0x5: {  	_ = 	snop  }
0x6: {  	_ = 	snop  }
0x7: {  	_ = 	snop  }
__scs_overlays_trampoline_lowered:
0x8: {  	[smem:$0x3FA8] =	sst s0  }
0x9: {  	[smem:$0x3FA9] =	sst s1  }
0xa: {  	[smem:$0x3FAA] =	sst s2  }
0xb: {  	[smem:$0x3FAB] =	sst s3  }
0xc: {  	[smem:$0x3FAC] =	sst s4  }
0xd: {  	[smem:$0x3FAD] =	sst s5  }
0xe: {  	[smem:$0x3FAE] =	sst s6  }
0xf: {  	[smem:$0x3FAF] =	sst s7  }
0x10: {  	[smem:$0x3FB0] =	sst s8  }
0x11: {  	[smem:$0x3FB1] =	sst s9;
	s0 =	simm.s32 @!p0 $0x0  }
0x12: {  	s1 =	sld [smem:$0x3F97];
	s0 =	simm.s32 @p0 $0x1  }
0x13: {  	[smem:$0x3FB2] =	sst s0;
	s0 =	simm.s32 @!p1 $0x0  }
0x14: {  	s2 =	sld [smem:$0x3F96];
	s0 =	simm.s32 @p1 $0x1  }
0x15: {  	[smem:$0x3FB3] =	sst s0;
	s0 =	simm.s32 @!p2 $0x0  }
0x16: {  	s3 =	sld [smem:$0x3FDB];
	s0 =	simm.s32 @p2 $0x1  }
0x17: {  	s4 =	simm.s32 $0x1BF5;
	[smem:$0x3FB5] =	sst s0  }
0x18: {  	s0 =	sld [smem:$0x3F98];
	_ =	swait.ge [sflag:s4], $0x0  }
0x19: {  	s7 =	sld [smem:$0x3F99]  }
0x1a: {  	s8 =	sadd.s32 $0xFFFFE003, lr  }
0x1b: {  	s9 =	sadd.s32 $0xFFFFFEF7, lr;
	s5 =	simm.s32 $0xFFFFFFFF;
	p2 =	slt.u32 s8, $0xFFFFF086  }
0x1c: {  	p1 =	slt.u32 s9, $0xF7A;
	s5 =	simm.s32 @!p2 $0x0  }
0x1d: {  	s5 =	simm.s32 @p1 $0x1;
	p0 =	seq.s32 s7, s2  }
0x1e: {  	s7 =	smul.u32 @!p0 $0xF7A, s2;
	p2 =	seq.s32 @!p0 s5, $0x0  }
0x1f: {  	s9 =	smul.u32 $0xF7A, s1;
	s8 =	simm.s32 @!p0 $0x1BF5;
	p2 =	por !p2, p0  }
0x20: {  	[sflag:s8] =	ssyncset.s32 @!p0 $0xFFFFF086;
	s6 =	sadd.s32 @!p0 s3, s7;
	s7 =	simm.s32 @!p0 $0x108  }
0x21: {  	s3 =	sadd.s32 s3, s9;
	s6 =	sadd.s32 @!p0 $0x88, s6;
	s7 =	simm.s32 @p2 $0x1082  }
0x22: {  	[simem:s7], [sflag:s8] =	dma.local @!p0 [hbm:s6], $0xF7A  }
0x23: {  	s9 =	sor.u32 $0xD0000000, s2;
	s6 =	simm.s32 $0x108;
	_ =	swait.ge @!p0 [sflag:s8], $0x0  }
0x24: {  	s3 =	sadd.s32 $0x88, s3;
	s6 =	simm.s32 @!p1 $0x1082;
	[sflag:s4] =	ssyncset.s32 $0xFFFFF086  }
0x25: {  	[simem:s6], [sflag:s4] =	dma.local [hbm:s3], $0xF7A  }
0x26: {  	[smem:$0x3F99] =	sst s1;
	(tag) =	ssettag s2;
	_ =	strace s9  }
0x27: {  	s1 =	sld [smem:$0x3FA9]  }
0x28: {  	s2 =	sld [smem:$0x3FAA]  }
0x29: {  	s4 =	sld [smem:$0x3FAC]  }
0x2a: {  	p0 =	seq.s32 s5, $0x0;
	s5 =	sld [smem:$0x3FAD]  }
0x2b: {  	s6 =	sld [smem:$0x3FAE]  }
0x2c: {  	s7 =	sld [smem:$0x3FAF]  }
0x2d: {  	s3 =	simm.s32 $0x108;
	s8 =	sld [smem:$0x3FB0]  }
0x2e: {  	s3 =	simm.s32 @!p0 $0x1082;
	s9 =	sld [smem:$0x3FB1]  }
0x2f: {  	lr =	sadd.s32 s0, s3;
	s0 =	sld [smem:$0x3FA8]  }
0x30: {  	s3 =	sld [smem:$0x3FAB]  }
0x31: {  	[smem:$0x3FB4] =	sst s10  }
0x32: {  	s10 =	sld [smem:$0x3FB2];
	_ =	sdelay $0x3  }
0x33: {  	p0 =	seq.s32 s10, $0x1;
	s10 =	sld [smem:$0x3FB4];
	_ =	sdelay $0x3  }
0x34: {  	[smem:$0x3FB4] =	sst s10  }
0x35: {  	s10 =	sld [smem:$0x3FB3];
	_ =	sdelay $0x3  }
0x36: {  	p1 =	seq.s32 s10, $0x1;
	s10 =	sld [smem:$0x3FB4];
	_ =	sdelay $0x3  }
0x37: {  	[smem:$0x3FB4] =	sst s10  }
0x38: {  	s10 =	sld [smem:$0x3FB5]  }
0x39: {  	_ = 	snop;
	(pc) =	sbr.ind lr, $3  }
0x3a: {  	_ = 	snop  }
0x3b: {  	_ = 	snop  }
0x3c: {  	p2 =	seq.s32 s10, $0x1;
	s10 =	sld [smem:$0x3FB4]  }
0x3d: {  	_ =	shalt  }
0x3e: {  	_ =	shalt  }
0x3f: {  	_ =	shalt  }
0x40: {  	_ =	shalt  }
0x41: {  	_ =	shalt  }
0x42: {  	_ =	shalt  }
0x43: {  	_ =	shalt  }
0x44: {  	_ =	shalt  }
0x45: {  	_ =	shalt  }
0x46: {  	_ =	shalt  }
0x47: {  	_ =	shalt  }
0x48: {  	_ =	shalt  }
0x49: {  	_ =	shalt  }
0x4a: {  	_ =	shalt  }
0x4b: {  	_ =	shalt  }
0x4c: {  	_ =	shalt  }
0x4d: {  	_ =	shalt  }
0x4e: {  	_ =	shalt  }
0x4f: {  	_ =	shalt  }
0x50: {  	_ =	shalt  }
0x51: {  	_ =	shalt  }
0x52: {  	_ =	shalt  }
0x53: {  	_ =	shalt  }
0x54: {  	_ =	shalt  }
0x55: {  	_ =	shalt  }
0x56: {  	_ =	shalt  }
0x57: {  	_ =	shalt  }
0x58: {  	_ =	shalt  }
0x59: {  	_ =	shalt  }
0x5a: {  	_ =	shalt  }
0x5b: {  	_ =	shalt  }
0x5c: {  	_ =	shalt  }
0x5d: {  	_ =	shalt  }
0x5e: {  	_ =	shalt  }
0x5f: {  	_ =	shalt  }
0x60: {  	_ =	shalt  }
0x61: {  	_ =	shalt  }
0x62: {  	_ =	shalt  }
0x63: {  	_ =	shalt  }
0x64: {  	_ =	shalt  }
0x65: {  	_ =	shalt  }
0x66: {  	_ =	shalt  }
0x67: {  	_ =	shalt  }
0x68: {  	_ =	shalt  }
0x69: {  	_ =	shalt  }
0x6a: {  	_ =	shalt  }
0x6b: {  	_ =	shalt  }
0x6c: {  	_ =	shalt  }
0x6d: {  	_ =	shalt  }
0x6e: {  	_ =	shalt  }
0x6f: {  	_ =	shalt  }
0x70: {  	_ =	shalt  }
0x71: {  	_ =	shalt  }
0x72: {  	_ =	shalt  }
0x73: {  	_ =	shalt  }
0x74: {  	_ =	shalt  }
0x75: {  	_ =	shalt  }
0x76: {  	_ =	shalt  }
0x77: {  	_ =	shalt  }
0x78: {  	_ =	shalt  }
0x79: {  	_ =	shalt  }
0x7a: {  	_ =	shalt  }
0x7b: {  	_ =	shalt  }
0x7c: {  	_ =	shalt  }
0x7d: {  	_ =	shalt  }
0x7e: {  	_ =	shalt  }
0x7f: {  	_ =	shalt  }
0x80: {  	_ =	shalt  }
0x81: {  	_ =	shalt  }
0x82: {  	_ =	shalt  }
0x83: {  	_ =	shalt  }
0x84: {  	_ =	shalt  }
0x85: {  	_ =	shalt  }
0x86: {  	_ =	shalt  }
0x87: {  	_ =	shalt  }
.Lfunc_end0:
.L_simem_size_0:
called_computation.1_lowered:
.L_overlay_start_0:
0x88: {  	s2 =	sld [smem:$0x3FD9]  }
0x89: {  	s3 =	sld [smem:$0x3FFE];
	_ =	sdelay $0x1  }
0x8a: {  	s1 =	srdreg.scid  }
0x8b: {  	s0 =	sand.u32 $0x1, s1  }
0x8c: {  	s17 =	sshll.u32 s0, $0xA;
	s2 =	sadd.s32 s3, s2  }
0x8d: {  	s2 =	sadd.s32 s2, s17  }
0x8e: {  	[smem:$0x3FC0] =	sst s2  }
0x8f: {  	_ = 	snop  }
0x90: {  	s2 =	sld [smem:$0x3FD0];
	(tm) =	ssettm $0x1  }
0x91: {  	s18 =	sld [smem:$0x3FFB];
	_ =	sdelay $0x3  }
0x92: {  	_ =	strace s18  }
0x93: {  	s3 =	sld [smem:$0x3FFC];
	_ =	sdelay $0x3  }
0x94: {  	_ =	strace s3  }
0x95: {  	s3 =	sld [smem:$0x3FFD];
	_ =	sdelay $0x3  }
0x96: {  	_ =	strace s3  }
0x97: {  	_ =	strace $0x8FFFFFFF  }
0x98: {  	s19 =	sld [smem:$0x3FDB];
	_ =	sdelay $0x1  }
0x99: {  	s4 =	simm.s32 $_scs_section_size  }
0x9a: {  	s5 =	simm.s32 $_size__tile_overlayer_lowered;
	s6 =	simm.s32 $_tile_overlayer_lowered  }
0x9b: {  	s22 =	simm.s32 $0x1BFF;
	s21 =	sshll.u32 s6, $0x1;
	s3 =	sadd.s32 s4, s19  }
0x9c: {  	s7 =	simm.s32 $0x0;
	s20 =	sshll.u32 s5, $0x1;
	s5 =	sadd.s32 s21, s3  }
0x9d: {  	[timem:s7], [sflag:s22] =	dma.local [hbm:s5], s20  }
0x9e: {  	_ =	swait.ge [sflag:s22], s20  }
0x9f: {  	s4 =	ssub.s32 $0x0, s20;
	[sflag:s22] =	ssyncset.done $0x0  }
0xa0: {  	[sflag:s22] =	ssyncadd.s32 s4;
	_ =	sdelay $0x1  }
0xa1: {  	s23 =	simm.s32 $0x1B8B  }
0xa2: {  	_ =	swait.ge [sflag:s23], $0x1  }
0xa3: {  	[sflag:s23] =	ssyncset.done $0x0  }
0xa4: {  	s25 =	simm.s32 $0x1B8E;
	s24 =	sld [smem:$0x3FFE];
	[sflag:s23] =	ssyncadd.s32 $0xFFFFFFFF  }
0xa5: {  	s26 =	simm.s32 $execute0_lowered;
	[smem:$0x3FD2] =	sst s25  }
0xa6: {  	s5 =	sshll.u32 s26, $0x1;
	_ =	strace $0x80000049;
	[dreg:$0x1] =	wrdreg $0xFFFFFFFF  }
0xa7: {  	s28 =	simm.s32 $_size_execute0_lowered;
	s3 =	sadd.s32 s3, s5;
	[dreg:$0x0] =	wrdreg $0x0  }
0xa8: {  	s5 =	sshll.u32 s28, $0x1;
	[dreg:$0x2] =	wrdreg s3  }
0xa9: {  	[dreg:$0x3] =	wrdreg s5  }
0xaa: {  	[dreg:$0x4] =	wrdreg $0xC0  }
0xab: {  	_ =	task [dreg:s7], $0x5FFFF  }
0xac: {  	[dreg:$0x1] =	wrdreg $0xFFFFFFFF  }
0xad: {  	[dreg:$0x0] =	wrdreg $0x60  }
0xae: {  	[dreg:$0x2] =	wrdreg s24  }
0xaf: {  	[dreg:$0x3] =	wrdreg s2  }
0xb0: {  	[dreg:$0x4] =	wrdreg $0x198000  }
0xb1: {  	[dreg:$0x5] =	wrdreg $0x9  }
0xb2: {  	_ =	task.clear_ibuf [dreg:s7], $0x6FFFF;
	_ =	strace $0x90000049  }
0xb3: {  	s29 =	simm.s32 $0x9;
	_ =	strace $0x8000004B  }
0xb4: {  	_ =	swait.ge [sflag:s29], $0x1  }
0xb5: {  	[sflag:s29] =	ssyncadd.s32 $0xFFFFFFFF  }
0xb6: {  	_ =	strace $0x9000004B  }
0xb7: {  	_ =	sfence  }
0xb8: {  	s30 =	sld [smem:$0x0];
	_ =	sdelay $0x2  }
0xb9: {  	s31 =	sshll.u32 s1, $0xD;
	s1 =	sshrl.u32 s1, $0x2  }
0xba: {  	s3 =	sand.u32 $0x4000, s31;
	s1 =	sadd.s32 s1, s30  }
0xbb: {  	s0 =	sor.u32 s3, s0;
	s1 =	sshll.u32 s1, $0x11  }
0xbc: {  	s0 =	sor.u32 s1, s0  }
0xbd: {  	s0 =	sadd.s32 $0x8F2B, s0  }
0xbe: {  	[sflag:s0] =	ssyncadd.remote.s32 $0x1  }
0xbf: {  	_ =	sfence.sel $0xFFFF  }
0xc0: {  	[dreg:$0x0] =	wrdreg $0xFFFFFFFF;
	(pc) =	sbr.abs _section_cstart, $3  }
0xc1: {  	[dreg:$0x1] =	wrdreg $0xFFFFFFFF  }
0xc2: {  	_ =	task.clear_ibuf [dreg:s7], $0x2FFFF;
	_ =	strace $0x9FFFFFFF  }
0xc3: {  	(tm) =	ssettm $0x7FFFFFFF  }
tec
execute0_lowered:
.L_overlay_start_1:
0x0: {  	(tag) =	ssettag $0x1  }
0x1: {  	s0 =	rddreg [dreg:$0x0]  }
0x2: {  	s12 =	rddreg [dreg:$0x1]  }
0x3: {  	s1 =	rddreg [dreg:$0x2];
	s2 =	srdreg.scid  }
0x4: {  	s3 =	simm.s32 $0x0;
	s18 =	simm.s32 $0x4800;
	s19 =	simm.s32 $0x800  }
0x5: {  	s20 =	simm.s32 $0x9000;
	s21 =	simm.s32 $0x1;
	s22 =	simm.s32 $0x11000  }
0x6: {  	s28 =	simm.s32 $0x7800;
	s29 =	simm.s32 $0x4000;
	s30 =	simm.s32 $0x8000  }
0x7: {  	s31 =	simm.s32 $0x2;
	s16 =	sand.u32 $0x1, s2;
	s2 =	stileid.u32  }
0x8: {  	[smem:$0x7FF] =	sst s3;
	s4 =	sadd.s32 $0x1000, s0;
	s5 =	smul.u32 $0x27100, s16  }
0x9: {  	s13 =	sadd.s32 $0x6000, s0;
	s15 =	smul.u32 $0x2710, s2;
	_ =	strace $0x8000004A  }
0xa: {  	s6 =	smul.u32 $0xA000, s2;
	s7 =	ssub.s32 $0x2, s16;
	s9 =	sshll.u32 s2, $0x8  }
0xb: {  	s14 =	smul.u32 $0x900, s2;
	p0 =	sne.s32 s16, $0x0;
	s16 =	simm.s32 $0x19000  }
0xc: {  	s8 =	sshrl.u32 s7, $0x1;
	s11 =	sor.u32 $0x9000, s9;
	s5 =	sadd.s32 s15, s5  }
0xd: {  	s6 =	sshrl.u32 s6, $0x2;
	s17 =	ssub.s32 s7, s8;
	s10 =	sadd.s32 s12, s11  }
0xe: {  	s11 =	sadd.s32 s13, s11;
	s12 =	sadd.s32 s12, s14;
	s13 =	sadd.s32 s13, s14  }
.Ltmp0:
0xf: {  	s26 =	sadd.s32 s15, s1;
	s5 =	sshrl.u32 s5, $0x3;
	(pc) =	sbr.rel .LBB2_1-.Ltmp0, $4  }
0x10: {  	s15 =	smax.u32 s17, $0x1;
	s17 =	simm.s32 $0x3;
	s25 =	sshrl.u32 s26, $0x3  }
0x11: {  	s26 =	simm.s32 $0x3800;
	s0 =	sadd.s32 s5, s0;
	s5 =	sadd.s32 s6, s1  }
0x12: {  	s6 =	sadd.s32 $0x800, s5;
	s7 =	sadd.s32 $0x1000, s5;
	s8 =	sadd.s32 $0x1800, s5  }
0x13: {  	v0 =	vimm.f32 $0.0e+00;
	s9 =	sadd.s32 $0x2000, s5;
	s14 =	sadd.s32 $0x5E200, s0;
	s0 =	simm.s32 $0x0  }
.LBB2_5:
0x14: {  	[tilespmem:s3], [sflag:$0x3] =	stream.linear.gather [hbm4b:s10+s3], $0x800, $0x38;
	[tilespmem:$0x1C000] =	vst v63  }
0x15: {  	_ =	swait.ge [sflag:s17], $0x800  }
0x16: {  	[sflag:s17] =	ssyncset.done $0x0  }
0x17: {  	s24 =	simm.s32 $0x4800;
	[sflag:s17] =	ssyncadd.s32 $0xFFFFF800  }
0x18: {  	[tilespmem:s24], [sflag:$0x3] =	stream.linear.gather [hbm4b:s11+s3], $0x800, $0x38;
	[tilespmem:$0x1C000] =	vst v63  }
0x19: {  	_ =	swait.ge [sflag:s17], $0x800  }
0x1a: {  	[sflag:s17] =	ssyncset.done $0x0  }
0x1b: {  	s23 =	simm.s32 $0x1;
	[sflag:s17] =	ssyncadd.s32 $0xFFFFF800  }
0x1c: {  	[tilespmem:s20], [sflag:$0x1] =	stream.indirect.gather [hbm4b:s4+s19], $0x10, s3, s19, $0xb8;
	[tilespmem:$0x1C000] =	vst v63  }
.LBB2_6:
0x1d: {  	_ =	swait.ge [sflag:s23], $0x8000  }
0x1e: {  	[sflag:s23] =	ssyncset.done $0x0  }
0x1f: {  	[sflag:s23] =	ssyncadd.s32 $0xFFFF8000  }
0x20: {  	[spmem:s1] =	stream.indirect.scatter.add.f32 [tilespmem:s20], [sflag:$0x2], $0x10, s24, s19, $0xb8;
	[tilespmem:$0x1C000] =	vst v63  }
0x21: {  	_ =	swait.ge [sflag:s31], $0x8000  }
0x22: {  	s0 =	sadd.s32 $0x1, s0;
	[sflag:s31] =	ssyncset.done $0x0  }
0x23: {  	p1 =	sne.s32 s0, s15;
	s24 =	sshll.u32 s2, $0x6;
	[sflag:s31] =	ssyncadd.s32 $0xFFFF8000  }
.Ltmp1:
0x24: {  	s23 =	sor.u32 $0x1C03, s24;
	[bflag:$0x0] =	sbarrier.arrive $0xFFFF;
	(pc) =	sbr.rel @!p1 .LBB2_7-.Ltmp1, $4  }
0x25: {  	[hbm:s14], [sflag:s23] =	dma.local [spmem:s25], $0x4E2  }
0x26: {  	_ =	swait.ge [sflag:s17], $0x4E2  }
0x27: {  	[sflag:s17] =	ssyncset.done $0x0  }
0x28: {  	[sflag:s17] =	ssyncadd.s32 $0xFFFFFB1E  }
.LBB2_1:
0x29: {  	s23 =	simm.s32 $0x40;
	s24 =	simm.s32 $0x0  }
.LBB2_2:
0x2a: {  	p1 =	sne.s32 s23, $0x1FC0;
	[tilespmem:s24+$0x19000] =	vst v0;
	s24 =	smov.u32 s23;
	s23 =	sadd.s32 $0x40, s23  }
.Ltmp2:
0x2b: {  	(pc) =	sbr.rel @p1 .LBB2_2-.Ltmp2, $2  }
0x2c: {  	_ =	sdelay $0x2  }
0x2d: {  	s24 =	sshra.s32 s24, $0x2  }
0x2e: {  	[tilespmem:s24+$0x19000] =	vst v0  }
0x2f: {  	[spmem:s5] =	stream.linear.scatter [tilespmem:s16], [sflag:$0x3], $0x800, $0x38;
	[tilespmem:$0x1C000] =	vst v63  }
0x30: {  	_ =	swait.ge [sflag:s17], $0x800  }
0x31: {  	[sflag:s17] =	ssyncset.done $0x0  }
0x32: {  	[sflag:s17] =	ssyncadd.s32 $0xFFFFF800  }
0x33: {  	[spmem:s6] =	stream.linear.scatter [tilespmem:s16], [sflag:$0x3], $0x800, $0x38;
	[tilespmem:$0x1C000] =	vst v63  }
0x34: {  	_ =	swait.ge [sflag:s17], $0x800  }
0x35: {  	[sflag:s17] =	ssyncset.done $0x0  }
0x36: {  	[sflag:s17] =	ssyncadd.s32 $0xFFFFF800  }
0x37: {  	[spmem:s7] =	stream.linear.scatter [tilespmem:s16], [sflag:$0x3], $0x800, $0x38;
	[tilespmem:$0x1C000] =	vst v63  }
0x38: {  	_ =	swait.ge [sflag:s17], $0x800  }
0x39: {  	[sflag:s17] =	ssyncset.done $0x0  }
0x3a: {  	[sflag:s17] =	ssyncadd.s32 $0xFFFFF800  }
0x3b: {  	[spmem:s8] =	stream.linear.scatter [tilespmem:s16], [sflag:$0x3], $0x800, $0x38;
	[tilespmem:$0x1C000] =	vst v63  }
0x3c: {  	_ =	swait.ge [sflag:s17], $0x800  }
0x3d: {  	[sflag:s17] =	ssyncset.done $0x0  }
0x3e: {  	[sflag:s17] =	ssyncadd.s32 $0xFFFFF800  }
0x3f: {  	[spmem:s9] =	stream.linear.scatter [tilespmem:s16], [sflag:$0x3], $0x800, $0x38;
	[tilespmem:$0x1C000] =	vst v63  }
.Ltmp3:
0x40: {  	_ =	swait.ge [sflag:s17], $0x800;
	(pc) =	sbr.rel @p0 .LBB2_5-.Ltmp3, $3  }
0x41: {  	[sflag:s17] =	ssyncset.done $0x0  }
0x42: {  	[sflag:s17] =	ssyncadd.s32 $0xFFFFF800  }
0x43: {  	[bflag:$0x0] =	sbarrier.arrive $0xFFFF;
	_ =	sdelay $0x1  }
0x44: {  	[tilespmem:s3], [sflag:$0x3] =	stream.linear.gather [hbm4b:s12+s3], $0x4800, $0x38;
	[tilespmem:$0x1C000] =	vst v63  }
0x45: {  	_ =	swait.ge [sflag:s17], $0x4800  }
0x46: {  	[sflag:s17] =	ssyncset.done $0x0  }
0x47: {  	[sflag:s17] =	ssyncadd.s32 $0xFFFFB800  }
0x48: {  	[tilespmem:s18], [sflag:$0x3] =	stream.linear.gather [hbm4b:s13+s3], $0x4800, $0x38;
	[tilespmem:$0x1C000] =	vst v63  }
0x49: {  	_ =	swait.ge [sflag:s17], $0x4800  }
0x4a: {  	[sflag:s17] =	ssyncset.done $0x0  }
0x4b: {  	[sflag:s17] =	ssyncadd.s32 $0xFFFFB800  }
0x4c: {  	[tilespmem:s20], [sflag:$0x1] =	stream.indirect.gather [hbm4b:s4+s19], $0x10, s3, s19, $0xb8;
	[tilespmem:$0x1C000] =	vst v63  }
0x4d: {  	_ =	swait.ge [sflag:s21], $0x8000  }
0x4e: {  	[sflag:s21] =	ssyncset.done $0x0  }
0x4f: {  	[sflag:s21] =	ssyncadd.s32 $0xFFFF8000  }
0x50: {  	[tilespmem:s22], [sflag:$0x1] =	stream.indirect.gather [hbm4b:s4+s19], $0x10, s19, s19, $0xb8;
	[tilespmem:$0x1C000] =	vst v63  }
0x51: {  	_ = 	snop  }
0x52: {  	[spmem:s1] =	stream.indirect.scatter.add.f32 [tilespmem:s20], [sflag:$0x2], $0x10, s18, s19, $0xb8;
	[tilespmem:$0x1C000] =	vst v63  }
0x53: {  	_ =	swait.ge [sflag:s21], $0x8000  }
0x54: {  	[sflag:s21] =	ssyncset.done $0x0  }
0x55: {  	s23 =	simm.s32 $0x2;
	[sflag:s21] =	ssyncadd.s32 $0xFFFF8000  }
0x56: {  	_ =	swait.ge [sflag:s23], $0x8000  }
0x57: {  	[sflag:s23] =	ssyncset.done $0x0  }
0x58: {  	s24 =	simm.s32 $0x1000;
	[sflag:s23] =	ssyncadd.s32 $0xFFFF8000  }
0x59: {  	[tilespmem:s20], [sflag:$0x1] =	stream.indirect.gather [hbm4b:s4+s19], $0x10, s24, s19, $0xb8;
	[tilespmem:$0x1C000] =	vst v63  }
0x5a: {  	s24 =	simm.s32 $0x5000  }
0x5b: {  	[spmem:s1] =	stream.indirect.scatter.add.f32 [tilespmem:s22], [sflag:$0x2], $0x10, s24, s19, $0xb8;
	[tilespmem:$0x1C000] =	vst v63  }
0x5c: {  	_ =	swait.ge [sflag:s21], $0x8000  }
0x5d: {  	[sflag:s21] =	ssyncset.done $0x0  }
0x5e: {  	[sflag:s21] =	ssyncadd.s32 $0xFFFF8000  }
0x5f: {  	_ =	swait.ge [sflag:s23], $0x8000  }
0x60: {  	[sflag:s23] =	ssyncset.done $0x0  }
0x61: {  	s24 =	simm.s32 $0x1800;
	[sflag:s23] =	ssyncadd.s32 $0xFFFF8000  }
0x62: {  	[tilespmem:s22], [sflag:$0x1] =	stream.indirect.gather [hbm4b:s4+s19], $0x10, s24, s19, $0xb8;
	[tilespmem:$0x1C000] =	vst v63  }
0x63: {  	s24 =	simm.s32 $0x5800  }
0x64: {  	[spmem:s1] =	stream.indirect.scatter.add.f32 [tilespmem:s20], [sflag:$0x2], $0x10, s24, s19, $0xb8;
	[tilespmem:$0x1C000] =	vst v63  }
0x65: {  	_ =	swait.ge [sflag:s21], $0x8000  }
0x66: {  	[sflag:s21] =	ssyncset.done $0x0  }
0x67: {  	[sflag:s21] =	ssyncadd.s32 $0xFFFF8000  }
0x68: {  	_ =	swait.ge [sflag:s23], $0x8000  }
0x69: {  	[sflag:s23] =	ssyncset.done $0x0  }
0x6a: {  	s24 =	simm.s32 $0x2000;
	[sflag:s23] =	ssyncadd.s32 $0xFFFF8000  }
0x6b: {  	[tilespmem:s20], [sflag:$0x1] =	stream.indirect.gather [hbm4b:s4+s19], $0x10, s24, s19, $0xb8;
	[tilespmem:$0x1C000] =	vst v63  }
0x6c: {  	s24 =	simm.s32 $0x6000  }
0x6d: {  	[spmem:s1] =	stream.indirect.scatter.add.f32 [tilespmem:s22], [sflag:$0x2], $0x10, s24, s19, $0xb8;
	[tilespmem:$0x1C000] =	vst v63  }
0x6e: {  	_ =	swait.ge [sflag:s21], $0x8000  }
0x6f: {  	[sflag:s21] =	ssyncset.done $0x0  }
0x70: {  	[sflag:s21] =	ssyncadd.s32 $0xFFFF8000  }
0x71: {  	_ =	swait.ge [sflag:s23], $0x8000  }
0x72: {  	[sflag:s23] =	ssyncset.done $0x0  }
0x73: {  	s24 =	simm.s32 $0x2800;
	[sflag:s23] =	ssyncadd.s32 $0xFFFF8000  }
0x74: {  	[tilespmem:s22], [sflag:$0x1] =	stream.indirect.gather [hbm4b:s4+s19], $0x10, s24, s19, $0xb8;
	[tilespmem:$0x1C000] =	vst v63  }
0x75: {  	s24 =	simm.s32 $0x6800  }
0x76: {  	[spmem:s1] =	stream.indirect.scatter.add.f32 [tilespmem:s20], [sflag:$0x2], $0x10, s24, s19, $0xb8;
	[tilespmem:$0x1C000] =	vst v63  }
0x77: {  	_ =	swait.ge [sflag:s21], $0x8000  }
0x78: {  	[sflag:s21] =	ssyncset.done $0x0  }
0x79: {  	[sflag:s21] =	ssyncadd.s32 $0xFFFF8000  }
0x7a: {  	_ =	swait.ge [sflag:s23], $0x8000  }
0x7b: {  	[sflag:s23] =	ssyncset.done $0x0  }
0x7c: {  	s24 =	simm.s32 $0x3000;
	[sflag:s23] =	ssyncadd.s32 $0xFFFF8000  }
0x7d: {  	[tilespmem:s20], [sflag:$0x1] =	stream.indirect.gather [hbm4b:s4+s19], $0x10, s24, s19, $0xb8;
	[tilespmem:$0x1C000] =	vst v63  }
0x7e: {  	s24 =	simm.s32 $0x7000  }
0x7f: {  	[spmem:s1] =	stream.indirect.scatter.add.f32 [tilespmem:s22], [sflag:$0x2], $0x10, s24, s19, $0xb8;
	[tilespmem:$0x1C000] =	vst v63  }
0x80: {  	_ =	swait.ge [sflag:s21], $0x8000  }
0x81: {  	[sflag:s21] =	ssyncset.done $0x0  }
0x82: {  	[sflag:s21] =	ssyncadd.s32 $0xFFFF8000  }
0x83: {  	_ =	swait.ge [sflag:s23], $0x8000  }
0x84: {  	[sflag:s23] =	ssyncset.done $0x0  }
0x85: {  	[sflag:s23] =	ssyncadd.s32 $0xFFFF8000  }
0x86: {  	[tilespmem:s22], [sflag:$0x1] =	stream.indirect.gather [hbm4b:s4+s19], $0x10, s26, s19, $0xb8;
	[tilespmem:$0x1C000] =	vst v63  }
0x87: {  	_ = 	snop  }
0x88: {  	[spmem:s1] =	stream.indirect.scatter.add.f32 [tilespmem:s20], [sflag:$0x2], $0x10, s28, s19, $0xb8;
	[tilespmem:$0x1C000] =	vst v63  }
0x89: {  	_ =	swait.ge [sflag:s21], $0x8000  }
0x8a: {  	[sflag:s21] =	ssyncset.done $0x0  }
0x8b: {  	[sflag:s21] =	ssyncadd.s32 $0xFFFF8000  }
0x8c: {  	_ =	swait.ge [sflag:s23], $0x8000  }
0x8d: {  	[sflag:s23] =	ssyncset.done $0x0  }
0x8e: {  	[sflag:s23] =	ssyncadd.s32 $0xFFFF8000  }
0x8f: {  	[tilespmem:s20], [sflag:$0x1] =	stream.indirect.gather [hbm4b:s4+s19], $0x10, s29, s19, $0xb8;
	[tilespmem:$0x1C000] =	vst v63  }
.Ltmp4:
0x90: {  	_ = 	snop;
	(pc) =	sbr.rel .LBB2_6-.Ltmp4, $4  }
0x91: {  	[spmem:s1] =	stream.indirect.scatter.add.f32 [tilespmem:s22], [sflag:$0x2], $0x10, s30, s19, $0xb8;
	[tilespmem:$0x1C000] =	vst v63  }
0x92: {  	_ =	swait.ge [sflag:s21], $0x8000  }
0x93: {  	[sflag:s21] =	ssyncset.done $0x0  }
0x94: {  	s24 =	simm.s32 $0x8800;
	[sflag:s21] =	ssyncadd.s32 $0xFFFF8000  }
.LBB2_7:
0x95: {  	_ =	sfence.sel $0x180000  }
0x96: {  	[bflag:$0x0] =	sbarrier.arrive $0xFFFF  }
0x97: {  	_ =	strace $0x9000004A  }
0x98: {  	[bflag:$0x2] =	sbarrier.arrive $0xFFFF  }
0x99: {  	p0 =	sne.s32 s2, $0x0;
	s0 =	rddreg [dreg:$0x3]  }
0x9a: {  	s0 =	sadd.s32 @!p0 $0x100000, s0  }
0x9b: {  	[sflag:s0] =	ssyncadd.tile.s32 @!p0 $0x1;
	_ =	shalt  }
.Lfunc_end2:
_tile_overlayer_lowered:
.L_overlay_start_2:
0x9c: {  	(tag) =	ssettag $0x2  }
0x9d: {  	s0 =	rddreg [dreg:$0x0];
	s2 =	stileid.u32  }
0x9e: {  	s1 =	rddreg [dreg:$0x1];
	p0 =	sne.s32 s2, $0x0  }
0x9f: {  	s3 =	rddreg [dreg:$0x2];
	[bflag:$0x3] =	sbarrier.arrive $0xFFFF;
	s2 =	simm.s32 @!p0 $0x1C03  }
0xa0: {  	[timem:s3], [sflag:s2] =	dma.local @!p0 [hbm:s0], s1  }
0xa1: {  	s0 =	simm.s32 @!p0 $0x3  }
0xa2: {  	_ =	swait.ge @!p0 [sflag:s0], s1  }
0xa3: {  	s1 =	ssub.s32 @!p0 $0x0, s1;
	[sflag:s0] =	ssyncset.done @!p0 $0x0  }
0xa4: {  	[sflag:s0] =	ssyncadd.s32 @!p0 s1  }
0xa5: {  	[bflag:$0x3] =	sbarrier.arrive $0xFFFF  }
0xa6: {  	_ =	shalt  }

// kernel: kernel.7.cloned.1.call-start
scs
__scs_entry_jumppad:
0x0: {  	(pc) =	sbr.rel $0x88, $3  }
0x1: {  	(tag) =	ssettag $0x0;
	lr =	simm.s32 $0x1  }
0x2: {  	[smem:$0x3F99] =	sst lr;
	_ =	strace $0xD0000000  }
0x3: {  	_ = 	snop  }
0x4: {  	_ = 	snop  }
0x5: {  	_ = 	snop  }
0x6: {  	_ = 	snop  }
0x7: {  	_ = 	snop  }
__scs_overlays_trampoline_lowered:
0x8: {  	[smem:$0x3FA8] =	sst s0  }
0x9: {  	[smem:$0x3FA9] =	sst s1  }
0xa: {  	[smem:$0x3FAA] =	sst s2  }
0xb: {  	[smem:$0x3FAB] =	sst s3  }
0xc: {  	[smem:$0x3FAC] =	sst s4  }
0xd: {  	[smem:$0x3FAD] =	sst s5  }
0xe: {  	[smem:$0x3FAE] =	sst s6  }
0xf: {  	[smem:$0x3FAF] =	sst s7  }
0x10: {  	[smem:$0x3FB0] =	sst s8  }
0x11: {  	[smem:$0x3FB1] =	sst s9;
	s0 =	simm.s32 @!p0 $0x0  }
0x12: {  	s1 =	sld [smem:$0x3F97];
	s0 =	simm.s32 @p0 $0x1  }
0x13: {  	[smem:$0x3FB2] =	sst s0;
	s0 =	simm.s32 @!p1 $0x0  }
0x14: {  	s2 =	sld [smem:$0x3F96];
	s0 =	simm.s32 @p1 $0x1  }
0x15: {  	[smem:$0x3FB3] =	sst s0;
	s0 =	simm.s32 @!p2 $0x0  }
0x16: {  	s3 =	sld [smem:$0x3FDB];
	s0 =	simm.s32 @p2 $0x1  }
0x17: {  	s4 =	simm.s32 $0x1BF5;
	[smem:$0x3FB5] =	sst s0  }
0x18: {  	s0 =	sld [smem:$0x3F98];
	_ =	swait.ge [sflag:s4], $0x0  }
0x19: {  	s7 =	sld [smem:$0x3F99]  }
0x1a: {  	s8 =	sadd.s32 $0xFFFFE003, lr  }
0x1b: {  	s9 =	sadd.s32 $0xFFFFFEF7, lr;
	s5 =	simm.s32 $0xFFFFFFFF;
	p2 =	slt.u32 s8, $0xFFFFF086  }
0x1c: {  	p1 =	slt.u32 s9, $0xF7A;
	s5 =	simm.s32 @!p2 $0x0  }
0x1d: {  	s5 =	simm.s32 @p1 $0x1;
	p0 =	seq.s32 s7, s2  }
0x1e: {  	s7 =	smul.u32 @!p0 $0xF7A, s2;
	p2 =	seq.s32 @!p0 s5, $0x0  }
0x1f: {  	s9 =	smul.u32 $0xF7A, s1;
	s8 =	simm.s32 @!p0 $0x1BF5;
	p2 =	por !p2, p0  }
0x20: {  	[sflag:s8] =	ssyncset.s32 @!p0 $0xFFFFF086;
	s6 =	sadd.s32 @!p0 s3, s7;
	s7 =	simm.s32 @!p0 $0x108  }
0x21: {  	s3 =	sadd.s32 s3, s9;
	s6 =	sadd.s32 @!p0 $0x88, s6;
	s7 =	simm.s32 @p2 $0x1082  }
0x22: {  	[simem:s7], [sflag:s8] =	dma.local @!p0 [hbm:s6], $0xF7A  }
0x23: {  	s9 =	sor.u32 $0xD0000000, s2;
	s6 =	simm.s32 $0x108;
	_ =	swait.ge @!p0 [sflag:s8], $0x0  }
0x24: {  	s3 =	sadd.s32 $0x88, s3;
	s6 =	simm.s32 @!p1 $0x1082;
	[sflag:s4] =	ssyncset.s32 $0xFFFFF086  }
0x25: {  	[simem:s6], [sflag:s4] =	dma.local [hbm:s3], $0xF7A  }
0x26: {  	[smem:$0x3F99] =	sst s1;
	(tag) =	ssettag s2;
	_ =	strace s9  }
0x27: {  	s1 =	sld [smem:$0x3FA9]  }
0x28: {  	s2 =	sld [smem:$0x3FAA]  }
0x29: {  	s4 =	sld [smem:$0x3FAC]  }
0x2a: {  	p0 =	seq.s32 s5, $0x0;
	s5 =	sld [smem:$0x3FAD]  }
0x2b: {  	s6 =	sld [smem:$0x3FAE]  }
0x2c: {  	s7 =	sld [smem:$0x3FAF]  }
0x2d: {  	s3 =	simm.s32 $0x108;
	s8 =	sld [smem:$0x3FB0]  }
0x2e: {  	s3 =	simm.s32 @!p0 $0x1082;
	s9 =	sld [smem:$0x3FB1]  }
0x2f: {  	lr =	sadd.s32 s0, s3;
	s0 =	sld [smem:$0x3FA8]  }
0x30: {  	s3 =	sld [smem:$0x3FAB]  }
0x31: {  	[smem:$0x3FB4] =	sst s10  }
0x32: {  	s10 =	sld [smem:$0x3FB2];
	_ =	sdelay $0x3  }
0x33: {  	p0 =	seq.s32 s10, $0x1;
	s10 =	sld [smem:$0x3FB4];
	_ =	sdelay $0x3  }
0x34: {  	[smem:$0x3FB4] =	sst s10  }
0x35: {  	s10 =	sld [smem:$0x3FB3];
	_ =	sdelay $0x3  }
0x36: {  	p1 =	seq.s32 s10, $0x1;
	s10 =	sld [smem:$0x3FB4];
	_ =	sdelay $0x3  }
0x37: {  	[smem:$0x3FB4] =	sst s10  }
0x38: {  	s10 =	sld [smem:$0x3FB5]  }
0x39: {  	_ = 	snop;
	(pc) =	sbr.ind lr, $3  }
0x3a: {  	_ = 	snop  }
0x3b: {  	_ = 	snop  }
0x3c: {  	p2 =	seq.s32 s10, $0x1;
	s10 =	sld [smem:$0x3FB4]  }
0x3d: {  	_ =	shalt  }
0x3e: {  	_ =	shalt  }
0x3f: {  	_ =	shalt  }
0x40: {  	_ =	shalt  }
0x41: {  	_ =	shalt  }
0x42: {  	_ =	shalt  }
0x43: {  	_ =	shalt  }
0x44: {  	_ =	shalt  }
0x45: {  	_ =	shalt  }
0x46: {  	_ =	shalt  }
0x47: {  	_ =	shalt  }
0x48: {  	_ =	shalt  }
0x49: {  	_ =	shalt  }
0x4a: {  	_ =	shalt  }
0x4b: {  	_ =	shalt  }
0x4c: {  	_ =	shalt  }
0x4d: {  	_ =	shalt  }
0x4e: {  	_ =	shalt  }
0x4f: {  	_ =	shalt  }
0x50: {  	_ =	shalt  }
0x51: {  	_ =	shalt  }
0x52: {  	_ =	shalt  }
0x53: {  	_ =	shalt  }
0x54: {  	_ =	shalt  }
0x55: {  	_ =	shalt  }
0x56: {  	_ =	shalt  }
0x57: {  	_ =	shalt  }
0x58: {  	_ =	shalt  }
0x59: {  	_ =	shalt  }
0x5a: {  	_ =	shalt  }
0x5b: {  	_ =	shalt  }
0x5c: {  	_ =	shalt  }
0x5d: {  	_ =	shalt  }
0x5e: {  	_ =	shalt  }
0x5f: {  	_ =	shalt  }
0x60: {  	_ =	shalt  }
0x61: {  	_ =	shalt  }
0x62: {  	_ =	shalt  }
0x63: {  	_ =	shalt  }
0x64: {  	_ =	shalt  }
0x65: {  	_ =	shalt  }
0x66: {  	_ =	shalt  }
0x67: {  	_ =	shalt  }
0x68: {  	_ =	shalt  }
0x69: {  	_ =	shalt  }
0x6a: {  	_ =	shalt  }
0x6b: {  	_ =	shalt  }
0x6c: {  	_ =	shalt  }
0x6d: {  	_ =	shalt  }
0x6e: {  	_ =	shalt  }
0x6f: {  	_ =	shalt  }
0x70: {  	_ =	shalt  }
0x71: {  	_ =	shalt  }
0x72: {  	_ =	shalt  }
0x73: {  	_ =	shalt  }
0x74: {  	_ =	shalt  }
0x75: {  	_ =	shalt  }
0x76: {  	_ =	shalt  }
0x77: {  	_ =	shalt  }
0x78: {  	_ =	shalt  }
0x79: {  	_ =	shalt  }
0x7a: {  	_ =	shalt  }
0x7b: {  	_ =	shalt  }
0x7c: {  	_ =	shalt  }
0x7d: {  	_ =	shalt  }
0x7e: {  	_ =	shalt  }
0x7f: {  	_ =	shalt  }
0x80: {  	_ =	shalt  }
0x81: {  	_ =	shalt  }
0x82: {  	_ =	shalt  }
0x83: {  	_ =	shalt  }
0x84: {  	_ =	shalt  }
0x85: {  	_ =	shalt  }
0x86: {  	_ =	shalt  }
0x87: {  	_ =	shalt  }
.Lfunc_end0:
.L_simem_size_0:
called_computation_lowered:
.L_overlay_start_0:
0x88: {  	s2 =	sld [smem:$0x3FD9]  }
0x89: {  	s3 =	sld [smem:$0x3FFE];
	_ =	sdelay $0x1  }
0x8a: {  	s1 =	srdreg.scid  }
0x8b: {  	s0 =	sand.u32 $0x1, s1  }
0x8c: {  	s17 =	sshll.u32 s0, $0xA;
	s2 =	sadd.s32 s3, s2  }
0x8d: {  	s2 =	sadd.s32 s2, s17  }
0x8e: {  	[smem:$0x3FC0] =	sst s2  }
0x8f: {  	_ = 	snop  }
0x90: {  	s2 =	sld [smem:$0x3FD0];
	(tm) =	ssettm $0x1  }
0x91: {  	s18 =	sld [smem:$0x3FFB];
	_ =	sdelay $0x3  }
0x92: {  	_ =	strace s18  }
0x93: {  	s3 =	sld [smem:$0x3FFC];
	_ =	sdelay $0x3  }
0x94: {  	_ =	strace s3  }
0x95: {  	s3 =	sld [smem:$0x3FFD];
	_ =	sdelay $0x3  }
0x96: {  	_ =	strace s3  }
0x97: {  	_ =	strace $0x8FFFFFFF  }
0x98: {  	s19 =	sld [smem:$0x3FDB];
	_ =	sdelay $0x1  }
0x99: {  	s4 =	simm.s32 $_scs_section_size  }
0x9a: {  	s5 =	simm.s32 $_size__tile_overlayer_lowered;
	s6 =	simm.s32 $_tile_overlayer_lowered  }
0x9b: {  	s22 =	simm.s32 $0x1BFF;
	s21 =	sshll.u32 s6, $0x1;
	s3 =	sadd.s32 s4, s19  }
0x9c: {  	s7 =	simm.s32 $0x0;
	s20 =	sshll.u32 s5, $0x1;
	s5 =	sadd.s32 s21, s3  }
0x9d: {  	[timem:s7], [sflag:s22] =	dma.local [hbm:s5], s20  }
0x9e: {  	_ =	swait.ge [sflag:s22], s20  }
0x9f: {  	s4 =	ssub.s32 $0x0, s20;
	[sflag:s22] =	ssyncset.done $0x0  }
0xa0: {  	[sflag:s22] =	ssyncadd.s32 s4;
	_ =	sdelay $0x1  }
0xa1: {  	s23 =	simm.s32 $0x1B8B  }
0xa2: {  	_ =	swait.ge [sflag:s23], $0x1  }
0xa3: {  	[sflag:s23] =	ssyncset.done $0x0  }
0xa4: {  	s25 =	simm.s32 $0x1B8E;
	s24 =	sld [smem:$0x3FFE];
	[sflag:s23] =	ssyncadd.s32 $0xFFFFFFFF  }
0xa5: {  	s26 =	simm.s32 $execute0_lowered;
	[smem:$0x3FD2] =	sst s25  }
0xa6: {  	s5 =	sshll.u32 s26, $0x1;
	_ =	strace $0x80000046;
	[dreg:$0x1] =	wrdreg $0xFFFFFFFF  }
0xa7: {  	s28 =	simm.s32 $_size_execute0_lowered;
	s3 =	sadd.s32 s3, s5;
	[dreg:$0x0] =	wrdreg $0x0  }
0xa8: {  	s5 =	sshll.u32 s28, $0x1;
	[dreg:$0x2] =	wrdreg s3  }
0xa9: {  	[dreg:$0x3] =	wrdreg s5  }
0xaa: {  	[dreg:$0x4] =	wrdreg $0xC0  }
0xab: {  	_ =	task [dreg:s7], $0x5FFFF  }
0xac: {  	[dreg:$0x1] =	wrdreg $0xFFFFFFFF  }
0xad: {  	[dreg:$0x0] =	wrdreg $0x60  }
0xae: {  	[dreg:$0x2] =	wrdreg s24  }
0xaf: {  	[dreg:$0x3] =	wrdreg s2  }
0xb0: {  	[dreg:$0x4] =	wrdreg $0x198000  }
0xb1: {  	[dreg:$0x5] =	wrdreg $0x1CA800  }
0xb2: {  	[dreg:$0x6] =	wrdreg $0x9  }
0xb3: {  	_ =	task.clear_ibuf [dreg:s7], $0x7FFFF;
	_ =	strace $0x90000046  }
0xb4: {  	s29 =	simm.s32 $0x9;
	_ =	strace $0x80000048  }
0xb5: {  	_ =	swait.ge [sflag:s29], $0x1  }
0xb6: {  	[sflag:s29] =	ssyncadd.s32 $0xFFFFFFFF  }
0xb7: {  	_ =	strace $0x90000048  }
0xb8: {  	_ =	sfence  }
0xb9: {  	s30 =	sld [smem:$0x0];
	_ =	sdelay $0x2  }
0xba: {  	s31 =	sshll.u32 s1, $0xD;
	s1 =	sshrl.u32 s1, $0x2  }
0xbb: {  	s3 =	sand.u32 $0x4000, s31;
	s1 =	sadd.s32 s1, s30  }
0xbc: {  	s0 =	sor.u32 s3, s0;
	s1 =	sshll.u32 s1, $0x11  }
0xbd: {  	s0 =	sor.u32 s1, s0  }
0xbe: {  	s0 =	sadd.s32 $0x8F2B, s0  }
0xbf: {  	[sflag:s0] =	ssyncadd.remote.s32 $0x1  }
0xc0: {  	_ =	sfence.sel $0xFFFF  }
0xc1: {  	[dreg:$0x0] =	wrdreg $0xFFFFFFFF;
	(pc) =	sbr.abs _section_cstart, $3  }
0xc2: {  	[dreg:$0x1] =	wrdreg $0xFFFFFFFF  }
0xc3: {  	_ =	task.clear_ibuf [dreg:s7], $0x2FFFF;
	_ =	strace $0x9FFFFFFF  }
0xc4: {  	(tm) =	ssettm $0x7FFFFFFF  }
0xc5: {  	_ =	shalt  }
tec
execute0_lowered:
.L_overlay_start_1:
0x0: {  	(tag) =	ssettag $0x1  }
0x1: {  	s0 =	rddreg [dreg:$0x0]  }
0x2: {  	s1 =	rddreg [dreg:$0x1];
	s3 =	srdreg.scid  }
0x3: {  	s2 =	rddreg [dreg:$0x2];
	s17 =	stileid.u32;
	s4 =	simm.s32 $0x0  }
0x4: {  	s20 =	simm.s32 $0x3;
	s22 =	simm.s32 $0x4800;
	s23 =	simm.s32 $0x800  }
0x5: {  	s24 =	simm.s32 $0x9000;
	s28 =	simm.s32 $0x11000;
	s13 =	smul.u32 $0x2710, s17  }
0x6: {  	s29 =	simm.s32 $0x1C000;
	s30 =	simm.s32 $0x2;
	s11 =	smul.u32 $0x280, s17  }
0x7: {  	s21 =	simm.s32 $0x7000;
	s12 =	sand.u32 $0x1, s3;
	s8 =	smul.u32 $0xA000, s17  }
0x8: {  	s3 =	rddreg [dreg:$0x3];
	s16 =	sshll.u32 s17, $0x8;
	s17 =	smul.u32 $0x900, s17  }
0x9: {  	[smem:$0x7FF] =	sst s4;
	s14 =	sadd.s32 $0x6000, s0;
	s5 =	smul.u32 $0x27100, s12  }
0xa: {  	s6 =	smul.u32 $0x2800, s12;
	_ =	strace $0x80000047;
	s25 =	ssub.s32 $0x2, s12  }
0xb: {  	s16 =	sor.u32 $0x9000, s16;
	p0 =	sne.s32 s12, $0x0;
	s12 =	simm.s32 $0x6000  }
0xc: {  	s8 =	sshrl.u32 s8, $0x2;
	s10 =	sshrl.u32 s25, $0x1;
	s19 =	sadd.s32 s1, s16  }
0xd: {  	s16 =	sadd.s32 s14, s16;
	s1 =	sadd.s32 s1, s17;
	s26 =	sadd.s32 s14, s17  }
0xe: {  	s31 =	sadd.s32 s13, s2;
	s14 =	simm.s32 $0x7800;
	[dreg:$0x5] =	wrdreg s19  }
0xf: {  	s5 =	sadd.s32 s13, s5;
	s6 =	sadd.s32 s11, s6;
	[dreg:$0x6] =	wrdreg s16  }
0x10: {  	s18 =	ssub.s32 s25, s10;
	s11 =	sadd.s32 s11, s3;
	[dreg:$0x7] =	wrdreg s1  }
0x11: {  	[dreg:$0x8] =	wrdreg s26;
	s19 =	simm.s32 $0x19000;
	s25 =	sshrl.u32 s31, $0x3  }
0x12: {  	s26 =	simm.s32 $0x1;
	s13 =	simm.s32 $0x6800;
	s7 =	sshrl.u32 s5, $0x3  }
.Ltmp0:
0x13: {  	s5 =	sadd.s32 $0x1000, s0;
	s9 =	sshrl.u32 s6, $0x3;
	(pc) =	sbr.rel .LBB2_1-.Ltmp0, $4  }
0x14: {  	s6 =	sadd.s32 s8, s2;
	s18 =	smax.u32 s18, $0x1;
	s15 =	sadd.s32 s7, s0  }
0x15: {  	s0 =	sadd.s32 s9, s0;
	s7 =	sadd.s32 $0x800, s6;
	s8 =	sadd.s32 $0x1000, s6  }
0x16: {  	s9 =	sadd.s32 $0x1800, s6;
	s10 =	sadd.s32 $0x2000, s6;
	s16 =	sadd.s32 $0x10A00, s15  }
0x17: {  	v0 =	vimm.f32 $0.0e+00;
	v1 =	vimm.f32 $1.000000000e+00;
	s17 =	sadd.s32 $0x10000, s0;
	s15 =	simm.s32 $0x8000;
	s0 =	simm.s32 $0x0  }
.LBB2_7:
0x18: {  	s1 =	rddreg [dreg:$0x5]  }
0x19: {  	[tilespmem:s4], [sflag:$0x3] =	stream.linear.gather [hbm4b:s1+s4], $0x800, $0x38;
	[tilespmem:$0x1CD00] =	vst v63  }
0x1a: {  	_ =	swait.ge [sflag:s20], $0x800  }
0x1b: {  	[sflag:s20] =	ssyncset.done $0x0  }
0x1c: {  	s1 =	simm.s32 $0x4800;
	s31 =	rddreg [dreg:$0x6];
	[sflag:s20] =	ssyncadd.s32 $0xFFFFF800  }
0x1d: {  	[tilespmem:s1], [sflag:$0x3] =	stream.linear.gather [hbm4b:s31+s4], $0x800, $0x38;
	[tilespmem:$0x1CD00] =	vst v63  }
0x1e: {  	_ =	swait.ge [sflag:s20], $0x800  }
0x1f: {  	[sflag:s20] =	ssyncset.done $0x0  }
0x20: {  	[sflag:s20] =	ssyncadd.s32 $0xFFFFF800  }
0x21: {  	[tilespmem:s24], [sflag:$0x1] =	stream.indirect.gather [hbm4b:s5+s23], $0x10, s4, s23, $0xb8;
	[tilespmem:$0x1CD00] =	vst v63  }
0x22: {  	_ =	swait.ge [sflag:s26], $0x8000  }
0x23: {  	[sflag:s26] =	ssyncset.done $0x0  }
0x24: {  	[sflag:s26] =	ssyncadd.s32 $0xFFFF8000  }
.LBB2_8:
0x25: {  	[spmem:s2] =	stream.indirect.scatter.add.f32 [tilespmem:s24], [sflag:$0x2], $0x10, s1, s23, $0xb8;
	[tilespmem:$0x1CD00] =	vst v63  }
0x26: {  	_ = 	snop  }
0x27: {  	[spmem:s3] =	stream.indirect.scatter.add.f32 [tilespmem:s29], [sflag:$0x2], $0x1, s1, s23, $0xb8;
	[tilespmem:$0x1CD00] =	vst v63  }
0x28: {  	_ =	swait.ge [sflag:s30], $0x8000  }
0x29: {  	[sflag:s30] =	ssyncset.done $0x0  }
0x2a: {  	[sflag:s30] =	ssyncadd.s32 $0xFFFF8000  }
0x2b: {  	_ =	swait.ge [sflag:s30], $0x800  }
0x2c: {  	s31 =	stileid.u32;
	[sflag:s30] =	ssyncset.done $0x0  }
0x2d: {  	s1 =	sshll.u32 s31, $0x6;
	[sflag:s30] =	ssyncadd.s32 $0xFFFFF800  }
0x2e: {  	s1 =	sor.u32 $0x1C03, s1;
	[bflag:$0x0] =	sbarrier.arrive $0xFFFF  }
0x2f: {  	[hbm:s16], [sflag:s1] =	dma.local [spmem:s25], $0x4E2  }
0x30: {  	s0 =	sadd.s32 $0x1, s0;
	_ =	swait.ge [sflag:s20], $0x4E2  }
0x31: {  	p1 =	sne.s32 s0, s18;
	[sflag:s20] =	ssyncset.done $0x0  }
.Ltmp1:
0x32: {  	s31 =	sshrl.u32 s11, $0x3;
	[sflag:s20] =	ssyncadd.s32 $0xFFFFFB1E;
	(pc) =	sbr.rel @!p1 .LBB2_9-.Ltmp1, $4  }
0x33: {  	[hbm:s17], [sflag:s1] =	dma.local [spmem:s31], $0x50  }
0x34: {  	_ =	swait.ge [sflag:s20], $0x50  }
0x35: {  	[sflag:s20] =	ssyncset.done $0x0  }
0x36: {  	[sflag:s20] =	ssyncadd.s32 $0xFFFFFFB0  }
.LBB2_1:
0x37: {  	s1 =	simm.s32 $0x40;
	s31 =	simm.s32 $0x0  }
.LBB2_2:
0x38: {  	p1 =	sne.s32 s1, $0x1FC0;
	[tilespmem:s31+$0x19000] =	vst v0;
	s31 =	smov.u32 s1;
	s1 =	sadd.s32 $0x40, s1  }
.Ltmp2:
0x39: {  	(pc) =	sbr.rel @p1 .LBB2_2-.Ltmp2, $2  }
0x3a: {  	_ =	sdelay $0x2  }
0x3b: {  	s31 =	sshra.s32 s31, $0x2  }
0x3c: {  	[tilespmem:s31+$0x19000] =	vst v0  }
0x3d: {  	[spmem:s6] =	stream.linear.scatter [tilespmem:s19], [sflag:$0x3], $0x800, $0x38;
	[tilespmem:$0x1CD00] =	vst v63  }
0x3e: {  	_ =	swait.ge [sflag:s20], $0x800  }
0x3f: {  	[sflag:s20] =	ssyncset.done $0x0  }
0x40: {  	[sflag:s20] =	ssyncadd.s32 $0xFFFFF800  }
0x41: {  	[spmem:s7] =	stream.linear.scatter [tilespmem:s19], [sflag:$0x3], $0x800, $0x38;
	[tilespmem:$0x1CD00] =	vst v63  }
0x42: {  	_ =	swait.ge [sflag:s20], $0x800  }
0x43: {  	[sflag:s20] =	ssyncset.done $0x0  }
0x44: {  	[sflag:s20] =	ssyncadd.s32 $0xFFFFF800  }
0x45: {  	[spmem:s8] =	stream.linear.scatter [tilespmem:s19], [sflag:$0x3], $0x800, $0x38;
	[tilespmem:$0x1CD00] =	vst v63  }
0x46: {  	_ =	swait.ge [sflag:s20], $0x800  }
0x47: {  	[sflag:s20] =	ssyncset.done $0x0  }
0x48: {  	[sflag:s20] =	ssyncadd.s32 $0xFFFFF800  }
0x49: {  	[spmem:s9] =	stream.linear.scatter [tilespmem:s19], [sflag:$0x3], $0x800, $0x38;
	[tilespmem:$0x1CD00] =	vst v63  }
0x4a: {  	_ =	swait.ge [sflag:s20], $0x800  }
0x4b: {  	[sflag:s20] =	ssyncset.done $0x0  }
0x4c: {  	[sflag:s20] =	ssyncadd.s32 $0xFFFFF800  }
0x4d: {  	[spmem:s10] =	stream.linear.scatter [tilespmem:s19], [sflag:$0x3], $0x800, $0x38;
	[tilespmem:$0x1CD00] =	vst v63  }
0x4e: {  	_ =	swait.ge [sflag:s20], $0x800  }
0x4f: {  	[sflag:s20] =	ssyncset.done $0x0  }
0x50: {  	[sflag:s20] =	ssyncadd.s32 $0xFFFFF800  }
0x51: {  	[tilespmem:$0x1C800] =	vst v0  }
0x52: {  	[tilespmem:$0x1C810] =	vst v0  }
0x53: {  	[tilespmem:$0x1C820] =	vst v0  }
0x54: {  	[tilespmem:$0x1C830] =	vst v0  }
0x55: {  	[tilespmem:$0x1C840] =	vst v0  }
0x56: {  	[tilespmem:$0x1C850] =	vst v0  }
0x57: {  	[tilespmem:$0x1C860] =	vst v0  }
0x58: {  	[tilespmem:$0x1C870] =	vst v0  }
0x59: {  	[tilespmem:$0x1C880] =	vst v0  }
0x5a: {  	[tilespmem:$0x1C890] =	vst v0  }
0x5b: {  	[tilespmem:$0x1C8A0] =	vst v0  }
0x5c: {  	[tilespmem:$0x1C8B0] =	vst v0  }
0x5d: {  	[tilespmem:$0x1C8C0] =	vst v0  }
0x5e: {  	[tilespmem:$0x1C8D0] =	vst v0  }
0x5f: {  	[tilespmem:$0x1C8E0] =	vst v0  }
0x60: {  	[tilespmem:$0x1C8F0] =	vst v0  }
0x61: {  	[tilespmem:$0x1C900] =	vst v0  }
0x62: {  	[tilespmem:$0x1C910] =	vst v0  }
0x63: {  	[tilespmem:$0x1C920] =	vst v0  }
0x64: {  	[tilespmem:$0x1C930] =	vst v0  }
0x65: {  	[tilespmem:$0x1C940] =	vst v0  }
0x66: {  	[tilespmem:$0x1C950] =	vst v0  }
0x67: {  	[tilespmem:$0x1C960] =	vst v0  }
0x68: {  	[tilespmem:$0x1C970] =	vst v0  }
0x69: {  	[tilespmem:$0x1C980] =	vst v0  }
0x6a: {  	[tilespmem:$0x1C990] =	vst v0  }
0x6b: {  	[tilespmem:$0x1C9A0] =	vst v0  }
0x6c: {  	[tilespmem:$0x1C9B0] =	vst v0  }
0x6d: {  	[tilespmem:$0x1C9C0] =	vst v0  }
0x6e: {  	[tilespmem:$0x1C9D0] =	vst v0  }
0x6f: {  	[tilespmem:$0x1C9E0] =	vst v0  }
0x70: {  	[tilespmem:$0x1C9F0] =	vst v0  }
0x71: {  	[tilespmem:$0x1CA00] =	vst v0  }
0x72: {  	[tilespmem:$0x1CA10] =	vst v0  }
0x73: {  	[tilespmem:$0x1CA20] =	vst v0  }
0x74: {  	[tilespmem:$0x1CA30] =	vst v0  }
0x75: {  	[tilespmem:$0x1CA40] =	vst v0  }
0x76: {  	[tilespmem:$0x1CA50] =	vst v0  }
0x77: {  	[tilespmem:$0x1CA60] =	vst v0  }
0x78: {  	s1 =	simm.s32 $0x40;
	s31 =	simm.s32 $0x0;
	[tilespmem:$0x1CA70] =	vst v0  }
.LBB2_4:
0x79: {  	p1 =	sne.s32 s1, $0x1FC0;
	[tilespmem:s31+$0x1C000] =	vst v1;
	s31 =	smov.u32 s1;
	s1 =	sadd.s32 $0x40, s1  }
.Ltmp3:
0x7a: {  	(pc) =	sbr.rel @p1 .LBB2_4-.Ltmp3, $2  }
0x7b: {  	_ =	sdelay $0x2  }
0x7c: {  	s31 =	sshra.s32 s31, $0x2  }
0x7d: {  	[tilespmem:s31+$0x1C000] =	vst v1;
	s1 =	simm.s32 $0x1C800  }
0x7e: {  	[spmem:s11] =	stream.linear.scatter [tilespmem:s1], [sflag:$0x3], $0x280, $0x38;
	[tilespmem:$0x1CD00] =	vst v63  }
.Ltmp4:
0x7f: {  	_ =	swait.ge [sflag:s20], $0x280;
	(pc) =	sbr.rel @p0 .LBB2_7-.Ltmp4, $3  }
0x80: {  	[sflag:s20] =	ssyncset.done $0x0  }
0x81: {  	[sflag:s20] =	ssyncadd.s32 $0xFFFFFD80  }
0x82: {  	[bflag:$0x0] =	sbarrier.arrive $0xFFFF;
	_ =	sdelay $0x1  }
0x83: {  	s1 =	rddreg [dreg:$0x7]  }
0x84: {  	[tilespmem:s4], [sflag:$0x3] =	stream.linear.gather [hbm4b:s1+s4], $0x4800, $0x38;
	[tilespmem:$0x1CD00] =	vst v63  }
0x85: {  	_ =	swait.ge [sflag:s20], $0x4800  }
0x86: {  	[sflag:s20] =	ssyncset.done $0x0  }
0x87: {  	s31 =	rddreg [dreg:$0x8];
	[sflag:s20] =	ssyncadd.s32 $0xFFFFB800  }
0x88: {  	[tilespmem:s22], [sflag:$0x3] =	stream.linear.gather [hbm4b:s31+s4], $0x4800, $0x38;
	[tilespmem:$0x1CD00] =	vst v63  }
0x89: {  	_ =	swait.ge [sflag:s20], $0x4800  }
0x8a: {  	[sflag:s20] =	ssyncset.done $0x0  }
0x8b: {  	[sflag:s20] =	ssyncadd.s32 $0xFFFFB800  }
0x8c: {  	[tilespmem:s24], [sflag:$0x1] =	stream.indirect.gather [hbm4b:s5+s23], $0x10, s4, s23, $0xb8;
	[tilespmem:$0x1CD00] =	vst v63  }
0x8d: {  	_ =	swait.ge [sflag:s26], $0x8000  }
0x8e: {  	[sflag:s26] =	ssyncset.done $0x0  }
0x8f: {  	[sflag:s26] =	ssyncadd.s32 $0xFFFF8000  }
0x90: {  	[tilespmem:s28], [sflag:$0x1] =	stream.indirect.gather [hbm4b:s5+s23], $0x10, s23, s23, $0xb8;
	[tilespmem:$0x1CD00] =	vst v63  }
0x91: {  	_ = 	snop  }
0x92: {  	[spmem:s2] =	stream.indirect.scatter.add.f32 [tilespmem:s24], [sflag:$0x2], $0x10, s22, s23, $0xb8;
	[tilespmem:$0x1CD00] =	vst v63  }
0x93: {  	_ = 	snop  }
0x94: {  	[spmem:s3] =	stream.indirect.scatter.add.f32 [tilespmem:s29], [sflag:$0x2], $0x1, s22, s23, $0xb8;
	[tilespmem:$0x1CD00] =	vst v63  }
0x95: {  	_ =	swait.ge [sflag:s26], $0x8000  }
0x96: {  	[sflag:s26] =	ssyncset.done $0x0  }
0x97: {  	[sflag:s26] =	ssyncadd.s32 $0xFFFF8000  }
0x98: {  	_ =	swait.ge [sflag:s30], $0x8000  }
0x99: {  	[sflag:s30] =	ssyncset.done $0x0  }
0x9a: {  	[sflag:s30] =	ssyncadd.s32 $0xFFFF8000  }
0x9b: {  	_ =	swait.ge [sflag:s30], $0x800  }
0x9c: {  	[sflag:s30] =	ssyncset.done $0x0  }
0x9d: {  	s31 =	simm.s32 $0x1000;
	[sflag:s30] =	ssyncadd.s32 $0xFFFFF800  }
0x9e: {  	[tilespmem:s24], [sflag:$0x1] =	stream.indirect.gather [hbm4b:s5+s23], $0x10, s31, s23, $0xb8;
	[tilespmem:$0x1CD00] =	vst v63  }
0x9f: {  	s31 =	simm.s32 $0x5000  }
0xa0: {  	[spmem:s2] =	stream.indirect.scatter.add.f32 [tilespmem:s28], [sflag:$0x2], $0x10, s31, s23, $0xb8;
	[tilespmem:$0x1CD00] =	vst v63  }
0xa1: {  	_ = 	snop  }
0xa2: {  	[spmem:s3] =	stream.indirect.scatter.add.f32 [tilespmem:s29], [sflag:$0x2], $0x1, s31, s23, $0xb8;
	[tilespmem:$0x1CD00] =	vst v63  }
0xa3: {  	_ =	swait.ge [sflag:s26], $0x8000  }
0xa4: {  	[sflag:s26] =	ssyncset.done $0x0  }
0xa5: {  	[sflag:s26] =	ssyncadd.s32 $0xFFFF8000  }
0xa6: {  	_ =	swait.ge [sflag:s30], $0x8000  }
0xa7: {  	[sflag:s30] =	ssyncset.done $0x0  }
0xa8: {  	[sflag:s30] =	ssyncadd.s32 $0xFFFF8000  }
0xa9: {  	_ =	swait.ge [sflag:s30], $0x800  }
0xaa: {  	[sflag:s30] =	ssyncset.done $0x0  }
0xab: {  	s31 =	simm.s32 $0x1800;
	[sflag:s30] =	ssyncadd.s32 $0xFFFFF800  }
0xac: {  	[tilespmem:s28], [sflag:$0x1] =	stream.indirect.gather [hbm4b:s5+s23], $0x10, s31, s23, $0xb8;
	[tilespmem:$0x1CD00] =	vst v63  }
0xad: {  	s31 =	simm.s32 $0x5800  }
0xae: {  	[spmem:s2] =	stream.indirect.scatter.add.f32 [tilespmem:s24], [sflag:$0x2], $0x10, s31, s23, $0xb8;
	[tilespmem:$0x1CD00] =	vst v63  }
0xaf: {  	_ = 	snop  }
0xb0: {  	[spmem:s3] =	stream.indirect.scatter.add.f32 [tilespmem:s29], [sflag:$0x2], $0x1, s31, s23, $0xb8;
	[tilespmem:$0x1CD00] =	vst v63  }
0xb1: {  	_ =	swait.ge [sflag:s26], $0x8000  }
0xb2: {  	[sflag:s26] =	ssyncset.done $0x0  }
0xb3: {  	[sflag:s26] =	ssyncadd.s32 $0xFFFF8000  }
0xb4: {  	_ =	swait.ge [sflag:s30], $0x8000  }
0xb5: {  	[sflag:s30] =	ssyncset.done $0x0  }
0xb6: {  	[sflag:s30] =	ssyncadd.s32 $0xFFFF8000  }
0xb7: {  	_ =	swait.ge [sflag:s30], $0x800  }
0xb8: {  	[sflag:s30] =	ssyncset.done $0x0  }
0xb9: {  	s31 =	simm.s32 $0x2000;
	[sflag:s30] =	ssyncadd.s32 $0xFFFFF800  }
0xba: {  	[tilespmem:s24], [sflag:$0x1] =	stream.indirect.gather [hbm4b:s5+s23], $0x10, s31, s23, $0xb8;
	[tilespmem:$0x1CD00] =	vst v63  }
0xbb: {  	_ = 	snop  }
0xbc: {  	[spmem:s2] =	stream.indirect.scatter.add.f32 [tilespmem:s28], [sflag:$0x2], $0x10, s12, s23, $0xb8;
	[tilespmem:$0x1CD00] =	vst v63  }
0xbd: {  	_ = 	snop  }
0xbe: {  	[spmem:s3] =	stream.indirect.scatter.add.f32 [tilespmem:s29], [sflag:$0x2], $0x1, s12, s23, $0xb8;
	[tilespmem:$0x1CD00] =	vst v63  }
0xbf: {  	_ =	swait.ge [sflag:s26], $0x8000  }
0xc0: {  	[sflag:s26] =	ssyncset.done $0x0  }
0xc1: {  	[sflag:s26] =	ssyncadd.s32 $0xFFFF8000  }
0xc2: {  	_ =	swait.ge [sflag:s30], $0x8000  }
0xc3: {  	[sflag:s30] =	ssyncset.done $0x0  }
0xc4: {  	[sflag:s30] =	ssyncadd.s32 $0xFFFF8000  }
0xc5: {  	_ =	swait.ge [sflag:s30], $0x800  }
0xc6: {  	[sflag:s30] =	ssyncset.done $0x0  }
0xc7: {  	s31 =	simm.s32 $0x2800;
	[sflag:s30] =	ssyncadd.s32 $0xFFFFF800  }
0xc8: {  	[tilespmem:s28], [sflag:$0x1] =	stream.indirect.gather [hbm4b:s5+s23], $0x10, s31, s23, $0xb8;
	[tilespmem:$0x1CD00] =	vst v63  }
0xc9: {  	_ = 	snop  }
0xca: {  	[spmem:s2] =	stream.indirect.scatter.add.f32 [tilespmem:s24], [sflag:$0x2], $0x10, s13, s23, $0xb8;
	[tilespmem:$0x1CD00] =	vst v63  }
0xcb: {  	_ = 	snop  }
0xcc: {  	[spmem:s3] =	stream.indirect.scatter.add.f32 [tilespmem:s29], [sflag:$0x2], $0x1, s13, s23, $0xb8;
	[tilespmem:$0x1CD00] =	vst v63  }
0xcd: {  	_ =	swait.ge [sflag:s26], $0x8000  }
0xce: {  	[sflag:s26] =	ssyncset.done $0x0  }
0xcf: {  	[sflag:s26] =	ssyncadd.s32 $0xFFFF8000  }
0xd0: {  	_ =	swait.ge [sflag:s30], $0x8000  }
0xd1: {  	[sflag:s30] =	ssyncset.done $0x0  }
0xd2: {  	[sflag:s30] =	ssyncadd.s32 $0xFFFF8000  }
0xd3: {  	_ =	swait.ge [sflag:s30], $0x800  }
0xd4: {  	[sflag:s30] =	ssyncset.done $0x0  }
0xd5: {  	s31 =	simm.s32 $0x3000;
	[sflag:s30] =	ssyncadd.s32 $0xFFFFF800  }
0xd6: {  	[tilespmem:s24], [sflag:$0x1] =	stream.indirect.gather [hbm4b:s5+s23], $0x10, s31, s23, $0xb8;
	[tilespmem:$0x1CD00] =	vst v63  }
0xd7: {  	_ = 	snop  }
0xd8: {  	[spmem:s2] =	stream.indirect.scatter.add.f32 [tilespmem:s28], [sflag:$0x2], $0x10, s21, s23, $0xb8;
	[tilespmem:$0x1CD00] =	vst v63  }
0xd9: {  	_ = 	snop  }
0xda: {  	[spmem:s3] =	stream.indirect.scatter.add.f32 [tilespmem:s29], [sflag:$0x2], $0x1, s21, s23, $0xb8;
	[tilespmem:$0x1CD00] =	vst v63  }
0xdb: {  	_ =	swait.ge [sflag:s26], $0x8000  }
0xdc: {  	[sflag:s26] =	ssyncset.done $0x0  }
0xdd: {  	[sflag:s26] =	ssyncadd.s32 $0xFFFF8000  }
0xde: {  	_ =	swait.ge [sflag:s30], $0x8000  }
0xdf: {  	[sflag:s30] =	ssyncset.done $0x0  }
0xe0: {  	[sflag:s30] =	ssyncadd.s32 $0xFFFF8000  }
0xe1: {  	_ =	swait.ge [sflag:s30], $0x800  }
0xe2: {  	[sflag:s30] =	ssyncset.done $0x0  }
0xe3: {  	s31 =	simm.s32 $0x3800;
	[sflag:s30] =	ssyncadd.s32 $0xFFFFF800  }
0xe4: {  	[tilespmem:s28], [sflag:$0x1] =	stream.indirect.gather [hbm4b:s5+s23], $0x10, s31, s23, $0xb8;
	[tilespmem:$0x1CD00] =	vst v63  }
0xe5: {  	_ = 	snop  }
0xe6: {  	[spmem:s2] =	stream.indirect.scatter.add.f32 [tilespmem:s24], [sflag:$0x2], $0x10, s14, s23, $0xb8;
	[tilespmem:$0x1CD00] =	vst v63  }
0xe7: {  	_ = 	snop  }
0xe8: {  	[spmem:s3] =	stream.indirect.scatter.add.f32 [tilespmem:s29], [sflag:$0x2], $0x1, s14, s23, $0xb8;
	[tilespmem:$0x1CD00] =	vst v63  }
0xe9: {  	_ =	swait.ge [sflag:s26], $0x8000  }
0xea: {  	[sflag:s26] =	ssyncset.done $0x0  }
0xeb: {  	[sflag:s26] =	ssyncadd.s32 $0xFFFF8000  }
0xec: {  	_ =	swait.ge [sflag:s30], $0x8000  }
0xed: {  	[sflag:s30] =	ssyncset.done $0x0  }
0xee: {  	[sflag:s30] =	ssyncadd.s32 $0xFFFF8000  }
0xef: {  	_ =	swait.ge [sflag:s30], $0x800  }
0xf0: {  	[sflag:s30] =	ssyncset.done $0x0  }
0xf1: {  	s31 =	simm.s32 $0x4000;
	[sflag:s30] =	ssyncadd.s32 $0xFFFFF800  }
0xf2: {  	[tilespmem:s24], [sflag:$0x1] =	stream.indirect.gather [hbm4b:s5+s23], $0x10, s31, s23, $0xb8;
	[tilespmem:$0x1CD00] =	vst v63  }
0xf3: {  	_ = 	snop  }
0xf4: {  	[spmem:s2] =	stream.indirect.scatter.add.f32 [tilespmem:s28], [sflag:$0x2], $0x10, s15, s23, $0xb8;
	[tilespmem:$0x1CD00] =	vst v63  }
0xf5: {  	_ = 	snop  }
0xf6: {  	[spmem:s3] =	stream.indirect.scatter.add.f32 [tilespmem:s29], [sflag:$0x2], $0x1, s15, s23, $0xb8;
	[tilespmem:$0x1CD00] =	vst v63  }
0xf7: {  	_ =	swait.ge [sflag:s26], $0x8000  }
0xf8: {  	[sflag:s26] =	ssyncset.done $0x0  }
0xf9: {  	[sflag:s26] =	ssyncadd.s32 $0xFFFF8000  }
0xfa: {  	_ =	swait.ge [sflag:s30], $0x8000  }
.Ltmp5:
0xfb: {  	[sflag:s30] =	ssyncset.done $0x0;
	(pc) =	sbr.rel .LBB2_8-.Ltmp5, $4  }
0xfc: {  	[sflag:s30] =	ssyncadd.s32 $0xFFFF8000  }
0xfd: {  	_ =	swait.ge [sflag:s30], $0x800  }
0xfe: {  	[sflag:s30] =	ssyncset.done $0x0  }
0xff: {  	s1 =	simm.s32 $0x8800;
	[sflag:s30] =	ssyncadd.s32 $0xFFFFF800  }
.LBB2_9:
0x100: {  	_ =	sfence.sel $0x180000  }
0x101: {  	[bflag:$0x0] =	sbarrier.arrive $0xFFFF  }
0x102: {  	_ =	strace $0x90000047  }
0x103: {  	s0 =	stileid.u32;
	[bflag:$0x2] =	sbarrier.arrive $0xFFFF  }
0x104: {  	p0 =	sne.s32 s0, $0x0;
	s0 =	rddreg [dreg:$0x4]  }
0x105: {  	s0 =	sadd.s32 @!p0 $0x100000, s0  }
0x106: {  	[sflag:s0] =	ssyncadd.tile.s32 @!p0 $0x1;
	_ =	shalt  }
.Lfunc_end2:
_tile_overlayer_lowered:
.L_overlay_start_2:
0x107: {  	(tag) =	ssettag $0x2  }
0x108: {  	s0 =	rddreg [dreg:$0x0];
	s2 =	stileid.u32  }
0x109: {  	s1 =	rddreg [dreg:$0x1];
	p0 =	sne.s32 s2, $0x0  }
0x10a: {  	s3 =	rddreg [dreg:$0x2];
	[bflag:$0x3] =	sbarrier.arrive $0xFFFF;
	s2 =	simm.s32 @!p0 $0x1C03  }
0x10b: {  	[timem:s3], [sflag:s2] =	dma.local @!p0 [hbm:s0], s1  }
0x10c: {  	s0 =	simm.s32 @!p0 $0x3  }
0x10d: {  	_ =	swait.ge @!p0 [sflag:s0], s1  }
0x10e: {  	s1 =	ssub.s32 @!p0 $0x0, s1;
	[sflag:s0] =	ssyncset.done @!p0 $0x0  }
0x10f: {  	[sflag:s0] =	ssyncadd.s32 @!p0 s1  }
0x110: {  	[bflag:$0x3] =	sbarrier.arrive $0xFFFF  }
0x111: {  	_ =	shalt  }

</sc_bundles>
